<compile_context>
chip_gen: v7x
topology: tpu7x:2x2x1
jax: 0.10.2.dev20260603
libtpu: 0.0.44.dev20260713+nightly
codegen_flags: <defaults>
</compile_context>

<pallas_src>
import functools

import jax
import jax.numpy as jnp
from jax import lax
from jax.experimental import pallas as pl
from jax.experimental.pallas import tpu as pltpu
from jax.experimental.pallas import tpu_sc as plsc

N_ROWS = 100000
N_FEAT = 256
N_SEG = 128
LANES = 16
NFC = N_FEAT // LANES
N_CORES = 2
N_SUBCORES = 16
NW = N_CORES * N_SUBCORES

RPT = 3136
LAST_ROWS = N_ROWS - (NW - 1) * RPT
CHUNK = 32
FULL_CHUNKS = RPT // CHUNK
LAST_CHUNKS = LAST_ROWS // CHUNK

NEG_INF = -float("inf")


NBUF = 5


def _sc_pool_body(x_hbm, batch_hbm, psum_hbm, pmax_hbm, pcnt_hbm,
                  xbuf, bbuf, acc_s, acc_m, acc_c, sem):
    wid = lax.axis_index("s") * N_CORES + lax.axis_index("c")
    rbase = wid * RPT
    is_last = wid == NW - 1
    nchunks = jnp.where(is_last, LAST_CHUNKS, FULL_CHUNKS)

    zeros = jnp.zeros((LANES,), jnp.float32)
    ninf = jnp.full((LANES,), NEG_INF, jnp.float32)
    ones = jnp.ones((LANES,), jnp.float32)
    chunk_f = jnp.full((LANES,), float(CHUNK), jnp.float32)

    def start_x_copy(k, b):
        pltpu.async_copy(x_hbm.at[pl.ds(rbase + k * CHUNK, CHUNK), :],
                         xbuf.at[b], sem)

    def wait_x_copy():
        pltpu.make_async_copy(x_hbm.at[pl.ds(0, CHUNK), :], xbuf.at[0],
                              sem).wait()

    for d in range(NBUF):
        @pl.when(d < nchunks)
        def _():
            start_x_copy(d, d)

    def copy_batch_full(_):
        pltpu.sync_copy(batch_hbm.at[pl.ds(rbase, RPT)], bbuf.at[pl.ds(0, RPT)])
        return 0

    def copy_batch_last(_):
        pltpu.sync_copy(batch_hbm.at[pl.ds(rbase, LAST_ROWS)],
                        bbuf.at[pl.ds(0, LAST_ROWS)])
        return 0

    lax.cond(is_last, copy_batch_last, copy_batch_full, 0)

    nrows = jnp.where(is_last, LAST_ROWS, RPT)
    seg_lo = bbuf[pl.ds(0, LANES)][0]
    seg_hi = bbuf[pl.ds(nrows - LANES, LANES)][LANES - 1]

    def init_cnt(r, _):
        acc_c[r, :] = zeros
        return 0

    lax.fori_loop(0, N_SEG, init_cnt, 0)

    def init_row(r, _):
        for j in range(NFC):
            sl = pl.ds(j * LANES, LANES)
            acc_s[r, sl] = zeros
            acc_m[r, sl] = ninf
        return 0

    lax.fori_loop(seg_lo, seg_hi + 1, init_row, 0)

    def process_chunk(b, t0):
        seg0 = bbuf[pl.ds(t0, LANES)][0]
        seg_last = bbuf[pl.ds(t0 + CHUNK - LANES, LANES)][LANES - 1]

        def fast(_):
            def rbody(r, carry):
                out = []
                for j in range(NFC):
                    v = xbuf[b, r, pl.ds(j * LANES, LANES)]
                    out.append(carry[j] + v)
                for j in range(NFC):
                    v = xbuf[b, r, pl.ds(j * LANES, LANES)]
                    out.append(jnp.maximum(carry[NFC + j], v))
                return tuple(out)

            carry0 = (zeros,) * NFC + (ninf,) * NFC
            carry = lax.fori_loop(0, CHUNK, rbody, carry0)
            for j in range(NFC):
                sl = pl.ds(j * LANES, LANES)
                plsc.addupdate(acc_s.at[seg0, sl], carry[j])
                acc_m[seg0, sl] = jnp.maximum(acc_m[seg0, sl], carry[NFC + j])
            plsc.addupdate(acc_c.at[seg0], chunk_f)
            return 0

        def slow(_):
            def do_row(i, _):
                seg = bbuf[pl.ds(t0 + i, LANES)][0]
                for j in range(NFC):
                    sl = pl.ds(j * LANES, LANES)
                    v = xbuf[b, i, sl]
                    plsc.addupdate(acc_s.at[seg, sl], v)
                    acc_m[seg, sl] = jnp.maximum(acc_m[seg, sl], v)
                plsc.addupdate(acc_c.at[seg], ones)
                return 0

            lax.fori_loop(0, CHUNK, do_row, 0)
            return 0

        lax.cond(seg0 == seg_last, fast, slow, 0)

    def chunk_body(k, _):
        wait_x_copy()
        b = lax.rem(k, NBUF)
        process_chunk(b, k * CHUNK)

        @pl.when(k + NBUF < nchunks)
        def _():
            start_x_copy(k + NBUF, lax.rem(k + NBUF, NBUF))

        return 0

    lax.fori_loop(0, nchunks, chunk_body, 0)

    def write_row(r, _):
        pltpu.async_copy(acc_s.at[r], psum_hbm.at[wid, r], sem)
        pltpu.async_copy(acc_m.at[r], pmax_hbm.at[wid, r], sem)
        return 0

    lax.fori_loop(seg_lo, seg_hi + 1, write_row, 0)
    pltpu.sync_copy(acc_c, pcnt_hbm.at[wid])

    def drain_row(r, _):
        pltpu.make_async_copy(acc_s.at[0], psum_hbm.at[wid, 0], sem).wait()
        pltpu.make_async_copy(acc_m.at[0], pmax_hbm.at[wid, 0], sem).wait()
        return 0

    lax.fori_loop(seg_lo, seg_hi + 1, drain_row, 0)


@functools.partial(
    pl.kernel,
    out_type=(
        jax.ShapeDtypeStruct((NW, N_SEG, N_FEAT), jnp.float32),
        jax.ShapeDtypeStruct((NW, N_SEG, N_FEAT), jnp.float32),
        jax.ShapeDtypeStruct((NW, N_SEG, LANES), jnp.float32),
    ),
    mesh=plsc.VectorSubcoreMesh(core_axis_name="c", subcore_axis_name="s"),
    scratch_types=[
        pltpu.VMEM((NBUF, CHUNK, N_FEAT), jnp.float32),
        pltpu.VMEM((RPT + LANES,), jnp.int32),
        pltpu.VMEM((N_SEG, N_FEAT), jnp.float32),
        pltpu.VMEM((N_SEG, N_FEAT), jnp.float32),
        pltpu.VMEM((N_SEG, LANES), jnp.float32),
        pltpu.SemaphoreType.DMA,
    ],
)
def _sc_pool(x_hbm, batch_hbm, psum_hbm, pmax_hbm, pcnt_hbm,
             xbuf, bbuf, acc_s, acc_m, acc_c, sem):
    _sc_pool_body(x_hbm, batch_hbm, psum_hbm, pmax_hbm, pcnt_hbm,
                  xbuf, bbuf, acc_s, acc_m, acc_c, sem)


def _tc_merge_body(ps_ref, pm_ref, pc_ref, out_ref):
    valid = pc_ref[...][:, :, 0:1] > 0.0
    ps = jnp.where(valid, ps_ref[...], jnp.float32(0.0))
    pm = jnp.where(valid, pm_ref[...], NEG_INF)
    s = jnp.sum(ps, axis=0)
    m = jnp.max(pm, axis=0)
    c = jnp.sum(pc_ref[...], axis=0)[:, 0:1]
    mean = s / jnp.maximum(c, 1.0)
    mx = jnp.where(m == NEG_INF, jnp.float32(0.0), m)
    out_ref[...] = jnp.concatenate([mean, mx], axis=-1)


def _tc_merge(psum, pmax, pcnt):
    return pl.pallas_call(
        _tc_merge_body,
        out_shape=jax.ShapeDtypeStruct((N_SEG, 2 * N_FEAT), jnp.float32),
    )(psum, pmax, pcnt)


@jax.jit
def kernel(x, batch):
    batch32 = batch.astype(jnp.int32)
    psum, pmax, pcnt = _sc_pool(x, batch32)
    return _tc_merge(psum, pmax, pcnt)

# --- scband reference (transcript-rebuilt; emitter-appended) ---
"""Pipeline reference for scband-global-pooling-30940944400736 (READ-ONLY COPY).

The authoritative reference and input builder live on the scoring server;
editing this copy changes nothing except your own understanding.
"""

import jax, jax.numpy as jnp
import numpy as np

NUM_GRAPHS = 128

def setup_inputs(seed: int = 0) -> dict:
    key = jax.random.key(seed)
    k1, k2 = jax.random.split(key)
    x = jax.random.normal(k1, (100000, 256), dtype=jnp.float32)
    batch = jnp.sort(jax.random.randint(k2, (100000,), 0, NUM_GRAPHS, dtype=jnp.int64))
    return {"x": x, "batch": batch}

def reference(x, batch):
    # GlobalPooling with pooling_type='concat': concat(mean_pool, max_pool)
    num_segments = NUM_GRAPHS
    seg_sum = jax.ops.segment_sum(x, batch, num_segments=num_segments)
    counts = jax.ops.segment_sum(jnp.ones((x.shape[0],), dtype=x.dtype), batch, num_segments=num_segments)
    counts = jnp.clip(counts, 1.0, None)
    mean_pool = seg_sum / counts[:, None]
    max_pool = jax.ops.segment_max(x, batch, num_segments=num_segments)
    # empty segments produce -inf in segment_max; replace with 0 to mirror torch_scatter behavior of unfilled rows
    max_pool = jnp.where(jnp.isneginf(max_pool), 0.0, max_pool)
    return jnp.concatenate([mean_pool, max_pool], axis=-1)

if __name__ == "__main__":
    import jax
    _d = setup_inputs()
    print(jax.jit(kernel)(*tuple(_d.values())))

</pallas_src>

<mosaic_0001>
#map = affine_map<(d0, d1) -> (0, 0)>
#map1 = affine_map<(d0, d1) -> (0)>
#map2 = affine_map<(d0, d1) -> (0, 0, 0)>
module attributes {stable_mosaic.version = 14 : i64} {
  func.func @_sc_pool(%arg0: i32, %arg1: i32, %arg2: memref<100000x256xf32, #tpu.memory_space<hbm>>, %arg3: memref<100000xi32, #tpu.memory_space<hbm>>, %arg4: memref<32x128x256xf32, #tpu.memory_space<hbm>>, %arg5: memref<32x128x256xf32, #tpu.memory_space<hbm>>, %arg6: memref<32x128x16xf32, #tpu.memory_space<hbm>>, %arg7: memref<5x32x256xf32, #tpu.memory_space<vmem>>, %arg8: memref<3152xi32, #tpu.memory_space<vmem>>, %arg9: memref<128x256xf32, #tpu.memory_space<vmem>>, %arg10: memref<128x256xf32, #tpu.memory_space<vmem>>, %arg11: memref<128x16xf32, #tpu.memory_space<vmem>>, %arg12: memref<!tpu.dma_semaphore, #tpu.memory_space<semaphore_mem>>) attributes {dimension_semantics = [#tpu.dimension_semantics<core_parallel>, #tpu.dimension_semantics<subcore_parallel>], iteration_bounds = array<i64: 2, 16>, scalar_prefetch = 0 : i64, scratch_operands = 6 : i64, tpu.core_type = #tpu.core_type<sc_vector_subcore>, window_params = [{transform_indices = #map}, {transform_indices = #map1}, {transform_indices = #map2}, {transform_indices = #map2}, {transform_indices = #map2}]} {
    %mul3A = arith.constant 2 : i32
    %mul3A_0 = arith.muli %arg1, %mul3A : i32
    %add3A = arith.addi %mul3A_0, %arg0 : i32
    %mul3A_1 = arith.constant 3136 : i32
    %mul3A_2 = arith.muli %add3A, %mul3A_1 : i32
    %eq3A = arith.constant 31 : i32
    %eq3A_3 = arith.cmpi eq, %add3A, %eq3A : i32
    %jit3A = arith.constant 87 : i32
    %jit3A_4 = arith.constant 98 : i32
    %select_n3A = arith.select %eq3A_3, %jit3A, %jit3A_4 : i32
    %broadcast_in_dim3A = arith.constant 0.000000e+00 : f32
    %broadcast_in_dim3A_5 = vector.broadcast %broadcast_in_dim3A : f32 to vector<16xf32>
    %broadcast_in_dim3A_6 = arith.constant 0xFF800000 : f32
    %broadcast_in_dim3A_7 = vector.broadcast %broadcast_in_dim3A_6 : f32 to vector<16xf32>
    %broadcast_in_dim3A_8 = arith.constant 1.000000e+00 : f32
    %broadcast_in_dim3A_9 = vector.broadcast %broadcast_in_dim3A_8 : f32 to vector<16xf32>
    %broadcast_in_dim3A_10 = arith.constant 3.200000e+01 : f32
    %broadcast_in_dim3A_11 = vector.broadcast %broadcast_in_dim3A_10 : f32 to vector<16xf32>
    %gt3A = arith.constant 0 : i32
    %gt3A_12 = arith.cmpi sgt, %select_n3A, %gt3A : i32
    %convert_element_type3A = arith.extui %gt3A_12 : i1 to i32
    %cond3A = arith.constant 0 : i32
    %cond3A_13 = arith.cmpi ne, %convert_element_type3A, %cond3A : i32
    scf.if %cond3A_13 {
      %add3A_106 = arith.constant 0 : i32
      %add3A_107 = arith.addi %mul3A_2, %add3A_106 : i32
      %dma_start3A = arith.constant 0 : i32
      %dma_start3A_108 = arith.constant 0 : i32
      %dma_start3A_109 = arith.constant 0 : i32
      %dma_start3A_110 = tpu.memref_slice %arg7[%dma_start3A, %dma_start3A_108, %dma_start3A_109] : memref<5x32x256xf32, #tpu.memory_space<vmem>> -> memref<1x32x256xf32, #tpu.memory_space<vmem>>
      %dma_start3A_111 = tpu.memref_squeeze %dma_start3A_110 : memref<1x32x256xf32, #tpu.memory_space<vmem>> -> memref<32x256xf32, #tpu.memory_space<vmem>>
      %dma_start3A_112 = arith.constant 0 : i32
      %dma_start3A_113 = tpu.memref_slice %arg2[%add3A_107, %dma_start3A_112] : memref<100000x256xf32, #tpu.memory_space<hbm>> -> memref<32x256xf32, #tpu.memory_space<hbm>>
      %dma_start3A_114 = arith.constant 0 : i32
      %dma_start3A_115 = arith.constant 0 : i32
      %dma_start3A_116 = tpu.memref_slice %arg7[%dma_start3A, %dma_start3A_114, %dma_start3A_115] : memref<5x32x256xf32, #tpu.memory_space<vmem>> -> memref<1x32x256xf32, #tpu.memory_space<vmem>>
      %dma_start3A_117 = tpu.memref_squeeze %dma_start3A_116 : memref<1x32x256xf32, #tpu.memory_space<vmem>> -> memref<32x256xf32, #tpu.memory_space<vmem>>
      %dma_start3A_118 = arith.constant 0 : i32
      %dma_start3A_119 = tpu.memref_slice %arg2[%add3A_107, %dma_start3A_118] : memref<100000x256xf32, #tpu.memory_space<hbm>> -> memref<32x256xf32, #tpu.memory_space<hbm>>
      tpu.enqueue_dma source(%dma_start3A_119 : memref<32x256xf32, #tpu.memory_space<hbm>>) target(%dma_start3A_117 : memref<32x256xf32, #tpu.memory_space<vmem>>) target_semaphore(%arg12 : memref<!tpu.dma_semaphore, #tpu.memory_space<semaphore_mem>>)
    } else {
    }
    %gt3A_14 = arith.constant 1 : i32
    %gt3A_15 = arith.cmpi sgt, %select_n3A, %gt3A_14 : i32
    %convert_element_type3A_16 = arith.extui %gt3A_15 : i1 to i32
    %cond3A_17 = arith.constant 0 : i32
    %cond3A_18 = arith.cmpi ne, %convert_element_type3A_16, %cond3A_17 : i32
    scf.if %cond3A_18 {
      %add3A_106 = arith.constant 32 : i32
      %add3A_107 = arith.addi %mul3A_2, %add3A_106 : i32
      %dma_start3A = arith.constant 1 : i32
      %dma_start3A_108 = arith.constant 0 : i32
      %dma_start3A_109 = arith.constant 0 : i32
      %dma_start3A_110 = tpu.memref_slice %arg7[%dma_start3A, %dma_start3A_108, %dma_start3A_109] : memref<5x32x256xf32, #tpu.memory_space<vmem>> -> memref<1x32x256xf32, #tpu.memory_space<vmem>>
      %dma_start3A_111 = tpu.memref_squeeze %dma_start3A_110 : memref<1x32x256xf32, #tpu.memory_space<vmem>> -> memref<32x256xf32, #tpu.memory_space<vmem>>
      %dma_start3A_112 = arith.constant 0 : i32
      %dma_start3A_113 = tpu.memref_slice %arg2[%add3A_107, %dma_start3A_112] : memref<100000x256xf32, #tpu.memory_space<hbm>> -> memref<32x256xf32, #tpu.memory_space<hbm>>
      %dma_start3A_114 = arith.constant 0 : i32
      %dma_start3A_115 = arith.constant 0 : i32
      %dma_start3A_116 = tpu.memref_slice %arg7[%dma_start3A, %dma_start3A_114, %dma_start3A_115] : memref<5x32x256xf32, #tpu.memory_space<vmem>> -> memref<1x32x256xf32, #tpu.memory_space<vmem>>
      %dma_start3A_117 = tpu.memref_squeeze %dma_start3A_116 : memref<1x32x256xf32, #tpu.memory_space<vmem>> -> memref<32x256xf32, #tpu.memory_space<vmem>>
      %dma_start3A_118 = arith.constant 0 : i32
      %dma_start3A_119 = tpu.memref_slice %arg2[%add3A_107, %dma_start3A_118] : memref<100000x256xf32, #tpu.memory_space<hbm>> -> memref<32x256xf32, #tpu.memory_space<hbm>>
      tpu.enqueue_dma source(%dma_start3A_119 : memref<32x256xf32, #tpu.memory_space<hbm>>) target(%dma_start3A_117 : memref<32x256xf32, #tpu.memory_space<vmem>>) target_semaphore(%arg12 : memref<!tpu.dma_semaphore, #tpu.memory_space<semaphore_mem>>)
    } else {
    }
    %gt3A_19 = arith.constant 2 : i32
    %gt3A_20 = arith.cmpi sgt, %select_n3A, %gt3A_19 : i32
    %convert_element_type3A_21 = arith.extui %gt3A_20 : i1 to i32
    %cond3A_22 = arith.constant 0 : i32
    %cond3A_23 = arith.cmpi ne, %convert_element_type3A_21, %cond3A_22 : i32
    scf.if %cond3A_23 {
      %add3A_106 = arith.constant 64 : i32
      %add3A_107 = arith.addi %mul3A_2, %add3A_106 : i32
      %dma_start3A = arith.constant 2 : i32
      %dma_start3A_108 = arith.constant 0 : i32
      %dma_start3A_109 = arith.constant 0 : i32
      %dma_start3A_110 = tpu.memref_slice %arg7[%dma_start3A, %dma_start3A_108, %dma_start3A_109] : memref<5x32x256xf32, #tpu.memory_space<vmem>> -> memref<1x32x256xf32, #tpu.memory_space<vmem>>
      %dma_start3A_111 = tpu.memref_squeeze %dma_start3A_110 : memref<1x32x256xf32, #tpu.memory_space<vmem>> -> memref<32x256xf32, #tpu.memory_space<vmem>>
      %dma_start3A_112 = arith.constant 0 : i32
      %dma_start3A_113 = tpu.memref_slice %arg2[%add3A_107, %dma_start3A_112] : memref<100000x256xf32, #tpu.memory_space<hbm>> -> memref<32x256xf32, #tpu.memory_space<hbm>>
      %dma_start3A_114 = arith.constant 0 : i32
      %dma_start3A_115 = arith.constant 0 : i32
      %dma_start3A_116 = tpu.memref_slice %arg7[%dma_start3A, %dma_start3A_114, %dma_start3A_115] : memref<5x32x256xf32, #tpu.memory_space<vmem>> -> memref<1x32x256xf32, #tpu.memory_space<vmem>>
      %dma_start3A_117 = tpu.memref_squeeze %dma_start3A_116 : memref<1x32x256xf32, #tpu.memory_space<vmem>> -> memref<32x256xf32, #tpu.memory_space<vmem>>
      %dma_start3A_118 = arith.constant 0 : i32
      %dma_start3A_119 = tpu.memref_slice %arg2[%add3A_107, %dma_start3A_118] : memref<100000x256xf32, #tpu.memory_space<hbm>> -> memref<32x256xf32, #tpu.memory_space<hbm>>
      tpu.enqueue_dma source(%dma_start3A_119 : memref<32x256xf32, #tpu.memory_space<hbm>>) target(%dma_start3A_117 : memref<32x256xf32, #tpu.memory_space<vmem>>) target_semaphore(%arg12 : memref<!tpu.dma_semaphore, #tpu.memory_space<semaphore_mem>>)
    } else {
    }
    %gt3A_24 = arith.constant 3 : i32
    %gt3A_25 = arith.cmpi sgt, %select_n3A, %gt3A_24 : i32
    %convert_element_type3A_26 = arith.extui %gt3A_25 : i1 to i32
    %cond3A_27 = arith.constant 0 : i32
    %cond3A_28 = arith.cmpi ne, %convert_element_type3A_26, %cond3A_27 : i32
    scf.if %cond3A_28 {
      %add3A_106 = arith.constant 96 : i32
      %add3A_107 = arith.addi %mul3A_2, %add3A_106 : i32
      %dma_start3A = arith.constant 3 : i32
      %dma_start3A_108 = arith.constant 0 : i32
      %dma_start3A_109 = arith.constant 0 : i32
      %dma_start3A_110 = tpu.memref_slice %arg7[%dma_start3A, %dma_start3A_108, %dma_start3A_109] : memref<5x32x256xf32, #tpu.memory_space<vmem>> -> memref<1x32x256xf32, #tpu.memory_space<vmem>>
      %dma_start3A_111 = tpu.memref_squeeze %dma_start3A_110 : memref<1x32x256xf32, #tpu.memory_space<vmem>> -> memref<32x256xf32, #tpu.memory_space<vmem>>
      %dma_start3A_112 = arith.constant 0 : i32
      %dma_start3A_113 = tpu.memref_slice %arg2[%add3A_107, %dma_start3A_112] : memref<100000x256xf32, #tpu.memory_space<hbm>> -> memref<32x256xf32, #tpu.memory_space<hbm>>
      %dma_start3A_114 = arith.constant 0 : i32
      %dma_start3A_115 = arith.constant 0 : i32
      %dma_start3A_116 = tpu.memref_slice %arg7[%dma_start3A, %dma_start3A_114, %dma_start3A_115] : memref<5x32x256xf32, #tpu.memory_space<vmem>> -> memref<1x32x256xf32, #tpu.memory_space<vmem>>
      %dma_start3A_117 = tpu.memref_squeeze %dma_start3A_116 : memref<1x32x256xf32, #tpu.memory_space<vmem>> -> memref<32x256xf32, #tpu.memory_space<vmem>>
      %dma_start3A_118 = arith.constant 0 : i32
      %dma_start3A_119 = tpu.memref_slice %arg2[%add3A_107, %dma_start3A_118] : memref<100000x256xf32, #tpu.memory_space<hbm>> -> memref<32x256xf32, #tpu.memory_space<hbm>>
      tpu.enqueue_dma source(%dma_start3A_119 : memref<32x256xf32, #tpu.memory_space<hbm>>) target(%dma_start3A_117 : memref<32x256xf32, #tpu.memory_space<vmem>>) target_semaphore(%arg12 : memref<!tpu.dma_semaphore, #tpu.memory_space<semaphore_mem>>)
    } else {
    }
    %gt3A_29 = arith.constant 4 : i32
    %gt3A_30 = arith.cmpi sgt, %select_n3A, %gt3A_29 : i32
    %convert_element_type3A_31 = arith.extui %gt3A_30 : i1 to i32
    %cond3A_32 = arith.constant 0 : i32
    %cond3A_33 = arith.cmpi ne, %convert_element_type3A_31, %cond3A_32 : i32
    scf.if %cond3A_33 {
      %add3A_106 = arith.constant 128 : i32
      %add3A_107 = arith.addi %mul3A_2, %add3A_106 : i32
      %dma_start3A = arith.constant 4 : i32
      %dma_start3A_108 = arith.constant 0 : i32
      %dma_start3A_109 = arith.constant 0 : i32
      %dma_start3A_110 = tpu.memref_slice %arg7[%dma_start3A, %dma_start3A_108, %dma_start3A_109] : memref<5x32x256xf32, #tpu.memory_space<vmem>> -> memref<1x32x256xf32, #tpu.memory_space<vmem>>
      %dma_start3A_111 = tpu.memref_squeeze %dma_start3A_110 : memref<1x32x256xf32, #tpu.memory_space<vmem>> -> memref<32x256xf32, #tpu.memory_space<vmem>>
      %dma_start3A_112 = arith.constant 0 : i32
      %dma_start3A_113 = tpu.memref_slice %arg2[%add3A_107, %dma_start3A_112] : memref<100000x256xf32, #tpu.memory_space<hbm>> -> memref<32x256xf32, #tpu.memory_space<hbm>>
      %dma_start3A_114 = arith.constant 0 : i32
      %dma_start3A_115 = arith.constant 0 : i32
      %dma_start3A_116 = tpu.memref_slice %arg7[%dma_start3A, %dma_start3A_114, %dma_start3A_115] : memref<5x32x256xf32, #tpu.memory_space<vmem>> -> memref<1x32x256xf32, #tpu.memory_space<vmem>>
      %dma_start3A_117 = tpu.memref_squeeze %dma_start3A_116 : memref<1x32x256xf32, #tpu.memory_space<vmem>> -> memref<32x256xf32, #tpu.memory_space<vmem>>
      %dma_start3A_118 = arith.constant 0 : i32
      %dma_start3A_119 = tpu.memref_slice %arg2[%add3A_107, %dma_start3A_118] : memref<100000x256xf32, #tpu.memory_space<hbm>> -> memref<32x256xf32, #tpu.memory_space<hbm>>
      tpu.enqueue_dma source(%dma_start3A_119 : memref<32x256xf32, #tpu.memory_space<hbm>>) target(%dma_start3A_117 : memref<32x256xf32, #tpu.memory_space<vmem>>) target_semaphore(%arg12 : memref<!tpu.dma_semaphore, #tpu.memory_space<semaphore_mem>>)
    } else {
    }
    %convert_element_type3A_34 = arith.extui %eq3A_3 : i1 to i32
    %cond3A_35 = arith.constant 0 : i32
    %cond3A_36 = arith.constant 0 : i32
    %cond3A_37 = arith.cmpi ne, %convert_element_type3A_34, %cond3A_36 : i32
    %cond3A_38 = scf.if %cond3A_37 -> (i32) {
      "tpu.region"() ({
        %run_scoped3A = tpu.sem_alloc : memref<!tpu.dma_semaphore, #tpu.memory_space<semaphore_mem>>
        %dma_start3A = arith.constant 0 : i32
        %dma_start3A_107 = tpu.memref_slice %arg8[%dma_start3A] : memref<3152xi32, #tpu.memory_space<vmem>> -> memref<2784xi32, #tpu.memory_space<vmem>>
        %dma_start3A_108 = tpu.memref_slice %arg3[%mul3A_2] : memref<100000xi32, #tpu.memory_space<hbm>> -> memref<2784xi32, #tpu.memory_space<hbm>>
        %dma_start3A_109 = arith.constant 0 : i32
        %dma_start3A_110 = tpu.memref_slice %arg8[%dma_start3A_109] : memref<3152xi32, #tpu.memory_space<vmem>> -> memref<2784xi32, #tpu.memory_space<vmem>>
        %dma_start3A_111 = tpu.memref_slice %arg3[%mul3A_2] : memref<100000xi32, #tpu.memory_space<hbm>> -> memref<2784xi32, #tpu.memory_space<hbm>>
        tpu.enqueue_dma source(%dma_start3A_111 : memref<2784xi32, #tpu.memory_space<hbm>>) target(%dma_start3A_110 : memref<2784xi32, #tpu.memory_space<vmem>>) target_semaphore(%run_scoped3A : memref<!tpu.dma_semaphore, #tpu.memory_space<semaphore_mem>>)
        %dma_wait3A = arith.constant 0 : i32
        %dma_wait3A_112 = tpu.memref_slice %arg8[%dma_wait3A] : memref<3152xi32, #tpu.memory_space<vmem>> -> memref<2784xi32, #tpu.memory_space<vmem>>
        %dma_wait3A_113 = tpu.memref_slice %arg3[%mul3A_2] : memref<100000xi32, #tpu.memory_space<hbm>> -> memref<2784xi32, #tpu.memory_space<hbm>>
        %dma_wait3A_114 = arith.constant 0 : i32
        %dma_wait3A_115 = tpu.memref_slice %arg8[%dma_wait3A_114] : memref<3152xi32, #tpu.memory_space<vmem>> -> memref<2784xi32, #tpu.memory_space<vmem>>
        %dma_wait3A_116 = tpu.memref_slice %arg3[%mul3A_2] : memref<100000xi32, #tpu.memory_space<hbm>> -> memref<2784xi32, #tpu.memory_space<hbm>>
        tpu.wait_dma2 semaphore(%run_scoped3A : memref<!tpu.dma_semaphore, #tpu.memory_space<semaphore_mem>>) src(%dma_wait3A_116 : memref<2784xi32, #tpu.memory_space<hbm>>) dst(%dma_wait3A_115 : memref<2784xi32, #tpu.memory_space<vmem>>)
        tpu.yield
      }) : () -> ()
      %cond3A_106 = arith.constant 0 : i32
      scf.yield %cond3A_106 : i32
    } else {
      "tpu.region"() ({
        %run_scoped3A = tpu.sem_alloc : memref<!tpu.dma_semaphore, #tpu.memory_space<semaphore_mem>>
        %dma_start3A = arith.constant 0 : i32
        %dma_start3A_107 = tpu.memref_slice %arg8[%dma_start3A] : memref<3152xi32, #tpu.memory_space<vmem>> -> memref<3136xi32, #tpu.memory_space<vmem>>
        %dma_start3A_108 = tpu.memref_slice %arg3[%mul3A_2] : memref<100000xi32, #tpu.memory_space<hbm>> -> memref<3136xi32, #tpu.memory_space<hbm>>
        %dma_start3A_109 = arith.constant 0 : i32
        %dma_start3A_110 = tpu.memref_slice %arg8[%dma_start3A_109] : memref<3152xi32, #tpu.memory_space<vmem>> -> memref<3136xi32, #tpu.memory_space<vmem>>
        %dma_start3A_111 = tpu.memref_slice %arg3[%mul3A_2] : memref<100000xi32, #tpu.memory_space<hbm>> -> memref<3136xi32, #tpu.memory_space<hbm>>
        tpu.enqueue_dma source(%dma_start3A_111 : memref<3136xi32, #tpu.memory_space<hbm>>) target(%dma_start3A_110 : memref<3136xi32, #tpu.memory_space<vmem>>) target_semaphore(%run_scoped3A : memref<!tpu.dma_semaphore, #tpu.memory_space<semaphore_mem>>)
        %dma_wait3A = arith.constant 0 : i32
        %dma_wait3A_112 = tpu.memref_slice %arg8[%dma_wait3A] : memref<3152xi32, #tpu.memory_space<vmem>> -> memref<3136xi32, #tpu.memory_space<vmem>>
        %dma_wait3A_113 = tpu.memref_slice %arg3[%mul3A_2] : memref<100000xi32, #tpu.memory_space<hbm>> -> memref<3136xi32, #tpu.memory_space<hbm>>
        %dma_wait3A_114 = arith.constant 0 : i32
        %dma_wait3A_115 = tpu.memref_slice %arg8[%dma_wait3A_114] : memref<3152xi32, #tpu.memory_space<vmem>> -> memref<3136xi32, #tpu.memory_space<vmem>>
        %dma_wait3A_116 = tpu.memref_slice %arg3[%mul3A_2] : memref<100000xi32, #tpu.memory_space<hbm>> -> memref<3136xi32, #tpu.memory_space<hbm>>
        tpu.wait_dma2 semaphore(%run_scoped3A : memref<!tpu.dma_semaphore, #tpu.memory_space<semaphore_mem>>) src(%dma_wait3A_116 : memref<3136xi32, #tpu.memory_space<hbm>>) dst(%dma_wait3A_115 : memref<3136xi32, #tpu.memory_space<vmem>>)
        tpu.yield
      }) : () -> ()
      %cond3A_106 = arith.constant 0 : i32
      scf.yield %cond3A_106 : i32
    }
    %jit3A_39 = arith.constant 2784 : i32
    %jit3A_40 = arith.constant 3136 : i32
    %select_n3A_41 = arith.select %eq3A_3, %jit3A_39, %jit3A_40 : i32
    %get3A = arith.constant 0 : index
    %get3A_42 = tpu.vector_load %arg8[%get3A] {strides = array<i32>} : memref<3152xi32, #tpu.memory_space<vmem>>, vector<16xi32>,
    %get3A_43 = vector.shape_cast %get3A_42 : vector<16xi32> to vector<16xi32>
    %slice3A = vector.extract_strided_slice %get3A_43 {offsets = [0], sizes = [1], strides = [1]} : vector<16xi32> to vector<1xi32>
    %squeeze3A = vector.extract %slice3A[0] : i32 from vector<1xi32>
    %sub3A = arith.constant 16 : i32
    %sub3A_44 = arith.subi %select_n3A_41, %sub3A : i32
    %get3A_45 = arith.index_cast %sub3A_44 : i32 to index
    %get3A_46 = tpu.vector_load %arg8[%get3A_45] {strides = array<i32>} : memref<3152xi32, #tpu.memory_space<vmem>>, vector<16xi32>,
    %get3A_47 = vector.shape_cast %get3A_46 : vector<16xi32> to vector<16xi32>
    %slice3A_48 = vector.extract_strided_slice %get3A_47 {offsets = [15], sizes = [1], strides = [1]} : vector<16xi32> to vector<1xi32>
    %squeeze3A_49 = vector.extract %slice3A_48[0] : i32 from vector<1xi32>
    %scan3A = arith.constant 0 : i32
    %scan3A_50 = arith.constant 0 : i32
    %scan3A_51 = arith.constant 128 : i32
    %scan3A_52 = arith.addi %scan3A_50, %scan3A_51 : i32
    %scan3A_53 = arith.constant 1 : i32
    %scan3A_54 = scf.for %scan3A_106 = %scan3A_50 to %scan3A_52 step %scan3A_53 iter_args(%scan3A_107 = %scan3A) -> (i32)  : i32 {
      %swap3A = arith.index_cast %scan3A_106 : i32 to index
      %swap3A_108 = arith.constant 0 : index
      %swap3A_109 = tpu.vector_load %arg11[%swap3A, %swap3A_108] {strides = array<i32>} : memref<128x16xf32, #tpu.memory_space<vmem>>, vector<1x16xf32>,
      %swap3A_110 = vector.shape_cast %swap3A_109 : vector<1x16xf32> to vector<16xf32>
      %swap3A_111 = vector.shape_cast %broadcast_in_dim3A_5 : vector<16xf32> to vector<1x16xf32>
      tpu.vector_store %arg11[%swap3A, %swap3A_108], %swap3A_111 {strides = array<i32>} : memref<128x16xf32, #tpu.memory_space<vmem>>, vector<1x16xf32>,
      %scan3A_112 = arith.constant 0 : i32
      scf.yield %scan3A_112 : i32
    }
    %scan3A_55 = arith.constant 128 : i32
    %add3A_56 = arith.constant 1 : i32
    %add3A_57 = arith.addi %squeeze3A_49, %add3A_56 : i32
    %while3A = arith.constant 0 : i32
    %while3A_58 = arith.subi %add3A_57, %squeeze3A : i32
    %while3A_59 = arith.addi %squeeze3A, %while3A_58 : i32
    %while3A_60 = arith.constant 1 : i32
    %while3A_61 = arith.divsi %while3A_58, %while3A_60 : i32
    %while3A_62 = arith.muli %while3A_61, %while3A_60 : i32
    %while3A_63 = arith.addi %squeeze3A, %while3A_62 : i32
    %while3A_64 = arith.constant 1 : i32
    %while3A_65 = scf.for %while3A_106 = %squeeze3A to %while3A_63 step %while3A_64 iter_args(%while3A_107 = %while3A) -> (i32)  : i32 {
      %swap3A = arith.index_cast %while3A_106 : i32 to index
      %swap3A_108 = arith.constant 0 : index
      %swap3A_109 = tpu.vector_load %arg9[%swap3A, %swap3A_108] {strides = array<i32>} : memref<128x256xf32, #tpu.memory_space<vmem>>, vector<1x16xf32>,
      %swap3A_110 = vector.shape_cast %swap3A_109 : vector<1x16xf32> to vector<16xf32>
      %swap3A_111 = vector.shape_cast %broadcast_in_dim3A_5 : vector<16xf32> to vector<1x16xf32>
      tpu.vector_store %arg9[%swap3A, %swap3A_108], %swap3A_111 {strides = array<i32>} : memref<128x256xf32, #tpu.memory_space<vmem>>, vector<1x16xf32>,
      %swap3A_112 = arith.index_cast %while3A_106 : i32 to index
      %swap3A_113 = arith.constant 0 : index
      %swap3A_114 = tpu.vector_load %arg10[%swap3A_112, %swap3A_113] {strides = array<i32>} : memref<128x256xf32, #tpu.memory_space<vmem>>, vector<1x16xf32>,
      %swap3A_115 = vector.shape_cast %swap3A_114 : vector<1x16xf32> to vector<16xf32>
      %swap3A_116 = vector.shape_cast %broadcast_in_dim3A_7 : vector<16xf32> to vector<1x16xf32>
      tpu.vector_store %arg10[%swap3A_112, %swap3A_113], %swap3A_116 {strides = array<i32>} : memref<128x256xf32, #tpu.memory_space<vmem>>, vector<1x16xf32>,
      %swap3A_117 = arith.index_cast %while3A_106 : i32 to index
      %swap3A_118 = arith.constant 16 : index
      %swap3A_119 = tpu.vector_load %arg9[%swap3A_117, %swap3A_118] {strides = array<i32>} : memref<128x256xf32, #tpu.memory_space<vmem>>, vector<1x16xf32>,
      %swap3A_120 = vector.shape_cast %swap3A_119 : vector<1x16xf32> to vector<16xf32>
      %swap3A_121 = vector.shape_cast %broadcast_in_dim3A_5 : vector<16xf32> to vector<1x16xf32>
      tpu.vector_store %arg9[%swap3A_117, %swap3A_118], %swap3A_121 {strides = array<i32>} : memref<128x256xf32, #tpu.memory_space<vmem>>, vector<1x16xf32>,
      %swap3A_122 = arith.index_cast %while3A_106 : i32 to index
      %swap3A_123 = arith.constant 16 : index
      %swap3A_124 = tpu.vector_load %arg10[%swap3A_122, %swap3A_123] {strides = array<i32>} : memref<128x256xf32, #tpu.memory_space<vmem>>, vector<1x16xf32>,
      %swap3A_125 = vector.shape_cast %swap3A_124 : vector<1x16xf32> to vector<16xf32>
      %swap3A_126 = vector.shape_cast %broadcast_in_dim3A_7 : vector<16xf32> to vector<1x16xf32>
      tpu.vector_store %arg10[%swap3A_122, %swap3A_123], %swap3A_126 {strides = array<i32>} : memref<128x256xf32, #tpu.memory_space<vmem>>, vector<1x16xf32>,
      %swap3A_127 = arith.index_cast %while3A_106 : i32 to index
      %swap3A_128 = arith.constant 32 : index
      %swap3A_129 = tpu.vector_load %arg9[%swap3A_127, %swap3A_128] {strides = array<i32>} : memref<128x256xf32, #tpu.memory_space<vmem>>, vector<1x16xf32>,
      %swap3A_130 = vector.shape_cast %swap3A_129 : vector<1x16xf32> to vector<16xf32>
      %swap3A_131 = vector.shape_cast %broadcast_in_dim3A_5 : vector<16xf32> to vector<1x16xf32>
      tpu.vector_store %arg9[%swap3A_127, %swap3A_128], %swap3A_131 {strides = array<i32>} : memref<128x256xf32, #tpu.memory_space<vmem>>, vector<1x16xf32>,
      %swap3A_132 = arith.index_cast %while3A_106 : i32 to index
      %swap3A_133 = arith.constant 32 : index
      %swap3A_134 = tpu.vector_load %arg10[%swap3A_132, %swap3A_133] {strides = array<i32>} : memref<128x256xf32, #tpu.memory_space<vmem>>, vector<1x16xf32>,
      %swap3A_135 = vector.shape_cast %swap3A_134 : vector<1x16xf32> to vector<16xf32>
      %swap3A_136 = vector.shape_cast %broadcast_in_dim3A_7 : vector<16xf32> to vector<1x16xf32>
      tpu.vector_store %arg10[%swap3A_132, %swap3A_133], %swap3A_136 {strides = array<i32>} : memref<128x256xf32, #tpu.memory_space<vmem>>, vector<1x16xf32>,
      %swap3A_137 = arith.index_cast %while3A_106 : i32 to index
      %swap3A_138 = arith.constant 48 : index
      %swap3A_139 = tpu.vector_load %arg9[%swap3A_137, %swap3A_138] {strides = array<i32>} : memref<128x256xf32, #tpu.memory_space<vmem>>, vector<1x16xf32>,
      %swap3A_140 = vector.shape_cast %swap3A_139 : vector<1x16xf32> to vector<16xf32>
      %swap3A_141 = vector.shape_cast %broadcast_in_dim3A_5 : vector<16xf32> to vector<1x16xf32>
      tpu.vector_store %arg9[%swap3A_137, %swap3A_138], %swap3A_141 {strides = array<i32>} : memref<128x256xf32, #tpu.memory_space<vmem>>, vector<1x16xf32>,
      %swap3A_142 = arith.index_cast %while3A_106 : i32 to index
      %swap3A_143 = arith.constant 48 : index
      %swap3A_144 = tpu.vector_load %arg10[%swap3A_142, %swap3A_143] {strides = array<i32>} : memref<128x256xf32, #tpu.memory_space<vmem>>, vector<1x16xf32>,
      %swap3A_145 = vector.shape_cast %swap3A_144 : vector<1x16xf32> to vector<16xf32>
      %swap3A_146 = vector.shape_cast %broadcast_in_dim3A_7 : vector<16xf32> to vector<1x16xf32>
      tpu.vector_store %arg10[%swap3A_142, %swap3A_143], %swap3A_146 {strides = array<i32>} : memref<128x256xf32, #tpu.memory_space<vmem>>, vector<1x16xf32>,
      %swap3A_147 = arith.index_cast %while3A_106 : i32 to index
      %swap3A_148 = arith.constant 64 : index
      %swap3A_149 = tpu.vector_load %arg9[%swap3A_147, %swap3A_148] {strides = array<i32>} : memref<128x256xf32, #tpu.memory_space<vmem>>, vector<1x16xf32>,
      %swap3A_150 = vector.shape_cast %swap3A_149 : vector<1x16xf32> to vector<16xf32>
      %swap3A_151 = vector.shape_cast %broadcast_in_dim3A_5 : vector<16xf32> to vector<1x16xf32>
      tpu.vector_store %arg9[%swap3A_147, %swap3A_148], %swap3A_151 {strides = array<i32>} : memref<128x256xf32, #tpu.memory_space<vmem>>, vector<1x16xf32>,
      %swap3A_152 = arith.index_cast %while3A_106 : i32 to index
      %swap3A_153 = arith.constant 64 : index
      %swap3A_154 = tpu.vector_load %arg10[%swap3A_152, %swap3A_153] {strides = array<i32>} : memref<128x256xf32, #tpu.memory_space<vmem>>, vector<1x16xf32>,
      %swap3A_155 = vector.shape_cast %swap3A_154 : vector<1x16xf32> to vector<16xf32>
      %swap3A_156 = vector.shape_cast %broadcast_in_dim3A_7 : vector<16xf32> to vector<1x16xf32>
      tpu.vector_store %arg10[%swap3A_152, %swap3A_153], %swap3A_156 {strides = array<i32>} : memref<128x256xf32, #tpu.memory_space<vmem>>, vector<1x16xf32>,
      %swap3A_157 = arith.index_cast %while3A_106 : i32 to index
      %swap3A_158 = arith.constant 80 : index
      %swap3A_159 = tpu.vector_load %arg9[%swap3A_157, %swap3A_158] {strides = array<i32>} : memref<128x256xf32, #tpu.memory_space<vmem>>, vector<1x16xf32>,
      %swap3A_160 = vector.shape_cast %swap3A_159 : vector<1x16xf32> to vector<16xf32>
      %swap3A_161 = vector.shape_cast %broadcast_in_dim3A_5 : vector<16xf32> to vector<1x16xf32>
      tpu.vector_store %arg9[%swap3A_157, %swap3A_158], %swap3A_161 {strides = array<i32>} : memref<128x256xf32, #tpu.memory_space<vmem>>, vector<1x16xf32>,
      %swap3A_162 = arith.index_cast %while3A_106 : i32 to index
      %swap3A_163 = arith.constant 80 : index
      %swap3A_164 = tpu.vector_load %arg10[%swap3A_162, %swap3A_163] {strides = array<i32>} : memref<128x256xf32, #tpu.memory_space<vmem>>, vector<1x16xf32>,
      %swap3A_165 = vector.shape_cast %swap3A_164 : vector<1x16xf32> to vector<16xf32>
      %swap3A_166 = vector.shape_cast %broadcast_in_dim3A_7 : vector<16xf32> to vector<1x16xf32>
      tpu.vector_store %arg10[%swap3A_162, %swap3A_163], %swap3A_166 {strides = array<i32>} : memref<128x256xf32, #tpu.memory_space<vmem>>, vector<1x16xf32>,
      %swap3A_167 = arith.index_cast %while3A_106 : i32 to index
      %swap3A_168 = arith.constant 96 : index
      %swap3A_169 = tpu.vector_load %arg9[%swap3A_167, %swap3A_168] {strides = array<i32>} : memref<128x256xf32, #tpu.memory_space<vmem>>, vector<1x16xf32>,
      %swap3A_170 = vector.shape_cast %swap3A_169 : vector<1x16xf32> to vector<16xf32>
      %swap3A_171 = vector.shape_cast %broadcast_in_dim3A_5 : vector<16xf32> to vector<1x16xf32>
      tpu.vector_store %arg9[%swap3A_167, %swap3A_168], %swap3A_171 {strides = array<i32>} : memref<128x256xf32, #tpu.memory_space<vmem>>, vector<1x16xf32>,
      %swap3A_172 = arith.index_cast %while3A_106 : i32 to index
      %swap3A_173 = arith.constant 96 : index
      %swap3A_174 = tpu.vector_load %arg10[%swap3A_172, %swap3A_173] {strides = array<i32>} : memref<128x256xf32, #tpu.memory_space<vmem>>, vector<1x16xf32>,
      %swap3A_175 = vector.shape_cast %swap3A_174 : vector<1x16xf32> to vector<16xf32>
      %swap3A_176 = vector.shape_cast %broadcast_in_dim3A_7 : vector<16xf32> to vector<1x16xf32>
      tpu.vector_store %arg10[%swap3A_172, %swap3A_173], %swap3A_176 {strides = array<i32>} : memref<128x256xf32, #tpu.memory_space<vmem>>, vector<1x16xf32>,
      %swap3A_177 = arith.index_cast %while3A_106 : i32 to index
      %swap3A_178 = arith.constant 112 : index
      %swap3A_179 = tpu.vector_load %arg9[%swap3A_177, %swap3A_178] {strides = array<i32>} : memref<128x256xf32, #tpu.memory_space<vmem>>, vector<1x16xf32>,
      %swap3A_180 = vector.shape_cast %swap3A_179 : vector<1x16xf32> to vector<16xf32>
      %swap3A_181 = vector.shape_cast %broadcast_in_dim3A_5 : vector<16xf32> to vector<1x16xf32>
      tpu.vector_store %arg9[%swap3A_177, %swap3A_178], %swap3A_181 {strides = array<i32>} : memref<128x256xf32, #tpu.memory_space<vmem>>, vector<1x16xf32>,
      %swap3A_182 = arith.index_cast %while3A_106 : i32 to index
      %swap3A_183 = arith.constant 112 : index
      %swap3A_184 = tpu.vector_load %arg10[%swap3A_182, %swap3A_183] {strides = array<i32>} : memref<128x256xf32, #tpu.memory_space<vmem>>, vector<1x16xf32>,
      %swap3A_185 = vector.shape_cast %swap3A_184 : vector<1x16xf32> to vector<16xf32>
      %swap3A_186 = vector.shape_cast %broadcast_in_dim3A_7 : vector<16xf32> to vector<1x16xf32>
      tpu.vector_store %arg10[%swap3A_182, %swap3A_183], %swap3A_186 {strides = array<i32>} : memref<128x256xf32, #tpu.memory_space<vmem>>, vector<1x16xf32>,
      %swap3A_187 = arith.index_cast %while3A_106 : i32 to index
      %swap3A_188 = arith.constant 128 : index
      %swap3A_189 = tpu.vector_load %arg9[%swap3A_187, %swap3A_188] {strides = array<i32>} : memref<128x256xf32, #tpu.memory_space<vmem>>, vector<1x16xf32>,
      %swap3A_190 = vector.shape_cast %swap3A_189 : vector<1x16xf32> to vector<16xf32>
      %swap3A_191 = vector.shape_cast %broadcast_in_dim3A_5 : vector<16xf32> to vector<1x16xf32>
      tpu.vector_store %arg9[%swap3A_187, %swap3A_188], %swap3A_191 {strides = array<i32>} : memref<128x256xf32, #tpu.memory_space<vmem>>, vector<1x16xf32>,
      %swap3A_192 = arith.index_cast %while3A_106 : i32 to index
      %swap3A_193 = arith.constant 128 : index
      %swap3A_194 = tpu.vector_load %arg10[%swap3A_192, %swap3A_193] {strides = array<i32>} : memref<128x256xf32, #tpu.memory_space<vmem>>, vector<1x16xf32>,
      %swap3A_195 = vector.shape_cast %swap3A_194 : vector<1x16xf32> to vector<16xf32>
      %swap3A_196 = vector.shape_cast %broadcast_in_dim3A_7 : vector<16xf32> to vector<1x16xf32>
      tpu.vector_store %arg10[%swap3A_192, %swap3A_193], %swap3A_196 {strides = array<i32>} : memref<128x256xf32, #tpu.memory_space<vmem>>, vector<1x16xf32>,
      %swap3A_197 = arith.index_cast %while3A_106 : i32 to index
      %swap3A_198 = arith.constant 144 : index
      %swap3A_199 = tpu.vector_load %arg9[%swap3A_197, %swap3A_198] {strides = array<i32>} : memref<128x256xf32, #tpu.memory_space<vmem>>, vector<1x16xf32>,
      %swap3A_200 = vector.shape_cast %swap3A_199 : vector<1x16xf32> to vector<16xf32>
      %swap3A_201 = vector.shape_cast %broadcast_in_dim3A_5 : vector<16xf32> to vector<1x16xf32>
      tpu.vector_store %arg9[%swap3A_197, %swap3A_198], %swap3A_201 {strides = array<i32>} : memref<128x256xf32, #tpu.memory_space<vmem>>, vector<1x16xf32>,
      %swap3A_202 = arith.index_cast %while3A_106 : i32 to index
      %swap3A_203 = arith.constant 144 : index
      %swap3A_204 = tpu.vector_load %arg10[%swap3A_202, %swap3A_203] {strides = array<i32>} : memref<128x256xf32, #tpu.memory_space<vmem>>, vector<1x16xf32>,
      %swap3A_205 = vector.shape_cast %swap3A_204 : vector<1x16xf32> to vector<16xf32>
      %swap3A_206 = vector.shape_cast %broadcast_in_dim3A_7 : vector<16xf32> to vector<1x16xf32>
      tpu.vector_store %arg10[%swap3A_202, %swap3A_203], %swap3A_206 {strides = array<i32>} : memref<128x256xf32, #tpu.memory_space<vmem>>, vector<1x16xf32>,
      %swap3A_207 = arith.index_cast %while3A_106 : i32 to index
      %swap3A_208 = arith.constant 160 : index
      %swap3A_209 = tpu.vector_load %arg9[%swap3A_207, %swap3A_208] {strides = array<i32>} : memref<128x256xf32, #tpu.memory_space<vmem>>, vector<1x16xf32>,
      %swap3A_210 = vector.shape_cast %swap3A_209 : vector<1x16xf32> to vector<16xf32>
      %swap3A_211 = vector.shape_cast %broadcast_in_dim3A_5 : vector<16xf32> to vector<1x16xf32>
      tpu.vector_store %arg9[%swap3A_207, %swap3A_208], %swap3A_211 {strides = array<i32>} : memref<128x256xf32, #tpu.memory_space<vmem>>, vector<1x16xf32>,
      %swap3A_212 = arith.index_cast %while3A_106 : i32 to index
      %swap3A_213 = arith.constant 160 : index
      %swap3A_214 = tpu.vector_load %arg10[%swap3A_212, %swap3A_213] {strides = array<i32>} : memref<128x256xf32, #tpu.memory_space<vmem>>, vector<1x16xf32>,
      %swap3A_215 = vector.shape_cast %swap3A_214 : vector<1x16xf32> to vector<16xf32>
      %swap3A_216 = vector.shape_cast %broadcast_in_dim3A_7 : vector<16xf32> to vector<1x16xf32>
      tpu.vector_store %arg10[%swap3A_212, %swap3A_213], %swap3A_216 {strides = array<i32>} : memref<128x256xf32, #tpu.memory_space<vmem>>, vector<1x16xf32>,
      %swap3A_217 = arith.index_cast %while3A_106 : i32 to index
      %swap3A_218 = arith.constant 176 : index
      %swap3A_219 = tpu.vector_load %arg9[%swap3A_217, %swap3A_218] {strides = array<i32>} : memref<128x256xf32, #tpu.memory_space<vmem>>, vector<1x16xf32>,
      %swap3A_220 = vector.shape_cast %swap3A_219 : vector<1x16xf32> to vector<16xf32>
      %swap3A_221 = vector.shape_cast %broadcast_in_dim3A_5 : vector<16xf32> to vector<1x16xf32>
      tpu.vector_store %arg9[%swap3A_217, %swap3A_218], %swap3A_221 {strides = array<i32>} : memref<128x256xf32, #tpu.memory_space<vmem>>, vector<1x16xf32>,
      %swap3A_222 = arith.index_cast %while3A_106 : i32 to index
      %swap3A_223 = arith.constant 176 : index
      %swap3A_224 = tpu.vector_load %arg10[%swap3A_222, %swap3A_223] {strides = array<i32>} : memref<128x256xf32, #tpu.memory_space<vmem>>, vector<1x16xf32>,
      %swap3A_225 = vector.shape_cast %swap3A_224 : vector<1x16xf32> to vector<16xf32>
      %swap3A_226 = vector.shape_cast %broadcast_in_dim3A_7 : vector<16xf32> to vector<1x16xf32>
      tpu.vector_store %arg10[%swap3A_222, %swap3A_223], %swap3A_226 {strides = array<i32>} : memref<128x256xf32, #tpu.memory_space<vmem>>, vector<1x16xf32>,
      %swap3A_227 = arith.index_cast %while3A_106 : i32 to index
      %swap3A_228 = arith.constant 192 : index
      %swap3A_229 = tpu.vector_load %arg9[%swap3A_227, %swap3A_228] {strides = array<i32>} : memref<128x256xf32, #tpu.memory_space<vmem>>, vector<1x16xf32>,
      %swap3A_230 = vector.shape_cast %swap3A_229 : vector<1x16xf32> to vector<16xf32>
      %swap3A_231 = vector.shape_cast %broadcast_in_dim3A_5 : vector<16xf32> to vector<1x16xf32>
      tpu.vector_store %arg9[%swap3A_227, %swap3A_228], %swap3A_231 {strides = array<i32>} : memref<128x256xf32, #tpu.memory_space<vmem>>, vector<1x16xf32>,
      %swap3A_232 = arith.index_cast %while3A_106 : i32 to index
      %swap3A_233 = arith.constant 192 : index
      %swap3A_234 = tpu.vector_load %arg10[%swap3A_232, %swap3A_233] {strides = array<i32>} : memref<128x256xf32, #tpu.memory_space<vmem>>, vector<1x16xf32>,
      %swap3A_235 = vector.shape_cast %swap3A_234 : vector<1x16xf32> to vector<16xf32>
      %swap3A_236 = vector.shape_cast %broadcast_in_dim3A_7 : vector<16xf32> to vector<1x16xf32>
      tpu.vector_store %arg10[%swap3A_232, %swap3A_233], %swap3A_236 {strides = array<i32>} : memref<128x256xf32, #tpu.memory_space<vmem>>, vector<1x16xf32>,
      %swap3A_237 = arith.index_cast %while3A_106 : i32 to index
      %swap3A_238 = arith.constant 208 : index
      %swap3A_239 = tpu.vector_load %arg9[%swap3A_237, %swap3A_238] {strides = array<i32>} : memref<128x256xf32, #tpu.memory_space<vmem>>, vector<1x16xf32>,
      %swap3A_240 = vector.shape_cast %swap3A_239 : vector<1x16xf32> to vector<16xf32>
      %swap3A_241 = vector.shape_cast %broadcast_in_dim3A_5 : vector<16xf32> to vector<1x16xf32>
      tpu.vector_store %arg9[%swap3A_237, %swap3A_238], %swap3A_241 {strides = array<i32>} : memref<128x256xf32, #tpu.memory_space<vmem>>, vector<1x16xf32>,
      %swap3A_242 = arith.index_cast %while3A_106 : i32 to index
      %swap3A_243 = arith.constant 208 : index
      %swap3A_244 = tpu.vector_load %arg10[%swap3A_242, %swap3A_243] {strides = array<i32>} : memref<128x256xf32, #tpu.memory_space<vmem>>, vector<1x16xf32>,
      %swap3A_245 = vector.shape_cast %swap3A_244 : vector<1x16xf32> to vector<16xf32>
      %swap3A_246 = vector.shape_cast %broadcast_in_dim3A_7 : vector<16xf32> to vector<1x16xf32>
      tpu.vector_store %arg10[%swap3A_242, %swap3A_243], %swap3A_246 {strides = array<i32>} : memref<128x256xf32, #tpu.memory_space<vmem>>, vector<1x16xf32>,
      %swap3A_247 = arith.index_cast %while3A_106 : i32 to index
      %swap3A_248 = arith.constant 224 : index
      %swap3A_249 = tpu.vector_load %arg9[%swap3A_247, %swap3A_248] {strides = array<i32>} : memref<128x256xf32, #tpu.memory_space<vmem>>, vector<1x16xf32>,
      %swap3A_250 = vector.shape_cast %swap3A_249 : vector<1x16xf32> to vector<16xf32>
      %swap3A_251 = vector.shape_cast %broadcast_in_dim3A_5 : vector<16xf32> to vector<1x16xf32>
      tpu.vector_store %arg9[%swap3A_247, %swap3A_248], %swap3A_251 {strides = array<i32>} : memref<128x256xf32, #tpu.memory_space<vmem>>, vector<1x16xf32>,
      %swap3A_252 = arith.index_cast %while3A_106 : i32 to index
      %swap3A_253 = arith.constant 224 : index
      %swap3A_254 = tpu.vector_load %arg10[%swap3A_252, %swap3A_253] {strides = array<i32>} : memref<128x256xf32, #tpu.memory_space<vmem>>, vector<1x16xf32>,
      %swap3A_255 = vector.shape_cast %swap3A_254 : vector<1x16xf32> to vector<16xf32>
      %swap3A_256 = vector.shape_cast %broadcast_in_dim3A_7 : vector<16xf32> to vector<1x16xf32>
      tpu.vector_store %arg10[%swap3A_252, %swap3A_253], %swap3A_256 {strides = array<i32>} : memref<128x256xf32, #tpu.memory_space<vmem>>, vector<1x16xf32>,
      %swap3A_257 = arith.index_cast %while3A_106 : i32 to index
      %swap3A_258 = arith.constant 240 : index
      %swap3A_259 = tpu.vector_load %arg9[%swap3A_257, %swap3A_258] {strides = array<i32>} : memref<128x256xf32, #tpu.memory_space<vmem>>, vector<1x16xf32>,
      %swap3A_260 = vector.shape_cast %swap3A_259 : vector<1x16xf32> to vector<16xf32>
      %swap3A_261 = vector.shape_cast %broadcast_in_dim3A_5 : vector<16xf32> to vector<1x16xf32>
      tpu.vector_store %arg9[%swap3A_257, %swap3A_258], %swap3A_261 {strides = array<i32>} : memref<128x256xf32, #tpu.memory_space<vmem>>, vector<1x16xf32>,
      %swap3A_262 = arith.index_cast %while3A_106 : i32 to index
      %swap3A_263 = arith.constant 240 : index
      %swap3A_264 = tpu.vector_load %arg10[%swap3A_262, %swap3A_263] {strides = array<i32>} : memref<128x256xf32, #tpu.memory_space<vmem>>, vector<1x16xf32>,
      %swap3A_265 = vector.shape_cast %swap3A_264 : vector<1x16xf32> to vector<16xf32>
      %swap3A_266 = vector.shape_cast %broadcast_in_dim3A_7 : vector<16xf32> to vector<1x16xf32>
      tpu.vector_store %arg10[%swap3A_262, %swap3A_263], %swap3A_266 {strides = array<i32>} : memref<128x256xf32, #tpu.memory_space<vmem>>, vector<1x16xf32>,
      %while3A_267 = arith.constant 0 : i32
      scf.yield %while3A_267 : i32
    }
    %while3A_66 = arith.constant 1 : i32
    %while3A_67 = scf.for %while3A_106 = %while3A_63 to %while3A_59 step %while3A_66 iter_args(%while3A_107 = %while3A_65) -> (i32)  : i32 {
      %swap3A = arith.index_cast %while3A_106 : i32 to index
      %swap3A_108 = arith.constant 0 : index
      %swap3A_109 = tpu.vector_load %arg9[%swap3A, %swap3A_108] {strides = array<i32>} : memref<128x256xf32, #tpu.memory_space<vmem>>, vector<1x16xf32>,
      %swap3A_110 = vector.shape_cast %swap3A_109 : vector<1x16xf32> to vector<16xf32>
      %swap3A_111 = vector.shape_cast %broadcast_in_dim3A_5 : vector<16xf32> to vector<1x16xf32>
      tpu.vector_store %arg9[%swap3A, %swap3A_108], %swap3A_111 {strides = array<i32>} : memref<128x256xf32, #tpu.memory_space<vmem>>, vector<1x16xf32>,
      %swap3A_112 = arith.index_cast %while3A_106 : i32 to index
      %swap3A_113 = arith.constant 0 : index
      %swap3A_114 = tpu.vector_load %arg10[%swap3A_112, %swap3A_113] {strides = array<i32>} : memref<128x256xf32, #tpu.memory_space<vmem>>, vector<1x16xf32>,
      %swap3A_115 = vector.shape_cast %swap3A_114 : vector<1x16xf32> to vector<16xf32>
      %swap3A_116 = vector.shape_cast %broadcast_in_dim3A_7 : vector<16xf32> to vector<1x16xf32>
      tpu.vector_store %arg10[%swap3A_112, %swap3A_113], %swap3A_116 {strides = array<i32>} : memref<128x256xf32, #tpu.memory_space<vmem>>, vector<1x16xf32>,
      %swap3A_117 = arith.index_cast %while3A_106 : i32 to index
      %swap3A_118 = arith.constant 16 : index
      %swap3A_119 = tpu.vector_load %arg9[%swap3A_117, %swap3A_118] {strides = array<i32>} : memref<128x256xf32, #tpu.memory_space<vmem>>, vector<1x16xf32>,
      %swap3A_120 = vector.shape_cast %swap3A_119 : vector<1x16xf32> to vector<16xf32>
      %swap3A_121 = vector.shape_cast %broadcast_in_dim3A_5 : vector<16xf32> to vector<1x16xf32>
      tpu.vector_store %arg9[%swap3A_117, %swap3A_118], %swap3A_121 {strides = array<i32>} : memref<128x256xf32, #tpu.memory_space<vmem>>, vector<1x16xf32>,
      %swap3A_122 = arith.index_cast %while3A_106 : i32 to index
      %swap3A_123 = arith.constant 16 : index
      %swap3A_124 = tpu.vector_load %arg10[%swap3A_122, %swap3A_123] {strides = array<i32>} : memref<128x256xf32, #tpu.memory_space<vmem>>, vector<1x16xf32>,
      %swap3A_125 = vector.shape_cast %swap3A_124 : vector<1x16xf32> to vector<16xf32>
      %swap3A_126 = vector.shape_cast %broadcast_in_dim3A_7 : vector<16xf32> to vector<1x16xf32>
      tpu.vector_store %arg10[%swap3A_122, %swap3A_123], %swap3A_126 {strides = array<i32>} : memref<128x256xf32, #tpu.memory_space<vmem>>, vector<1x16xf32>,
      %swap3A_127 = arith.index_cast %while3A_106 : i32 to index
      %swap3A_128 = arith.constant 32 : index
      %swap3A_129 = tpu.vector_load %arg9[%swap3A_127, %swap3A_128] {strides = array<i32>} : memref<128x256xf32, #tpu.memory_space<vmem>>, vector<1x16xf32>,
      %swap3A_130 = vector.shape_cast %swap3A_129 : vector<1x16xf32> to vector<16xf32>
      %swap3A_131 = vector.shape_cast %broadcast_in_dim3A_5 : vector<16xf32> to vector<1x16xf32>
      tpu.vector_store %arg9[%swap3A_127, %swap3A_128], %swap3A_131 {strides = array<i32>} : memref<128x256xf32, #tpu.memory_space<vmem>>, vector<1x16xf32>,
      %swap3A_132 = arith.index_cast %while3A_106 : i32 to index
      %swap3A_133 = arith.constant 32 : index
      %swap3A_134 = tpu.vector_load %arg10[%swap3A_132, %swap3A_133] {strides = array<i32>} : memref<128x256xf32, #tpu.memory_space<vmem>>, vector<1x16xf32>,
      %swap3A_135 = vector.shape_cast %swap3A_134 : vector<1x16xf32> to vector<16xf32>
      %swap3A_136 = vector.shape_cast %broadcast_in_dim3A_7 : vector<16xf32> to vector<1x16xf32>
      tpu.vector_store %arg10[%swap3A_132, %swap3A_133], %swap3A_136 {strides = array<i32>} : memref<128x256xf32, #tpu.memory_space<vmem>>, vector<1x16xf32>,
      %swap3A_137 = arith.index_cast %while3A_106 : i32 to index
      %swap3A_138 = arith.constant 48 : index
      %swap3A_139 = tpu.vector_load %arg9[%swap3A_137, %swap3A_138] {strides = array<i32>} : memref<128x256xf32, #tpu.memory_space<vmem>>, vector<1x16xf32>,
      %swap3A_140 = vector.shape_cast %swap3A_139 : vector<1x16xf32> to vector<16xf32>
      %swap3A_141 = vector.shape_cast %broadcast_in_dim3A_5 : vector<16xf32> to vector<1x16xf32>
      tpu.vector_store %arg9[%swap3A_137, %swap3A_138], %swap3A_141 {strides = array<i32>} : memref<128x256xf32, #tpu.memory_space<vmem>>, vector<1x16xf32>,
      %swap3A_142 = arith.index_cast %while3A_106 : i32 to index
      %swap3A_143 = arith.constant 48 : index
      %swap3A_144 = tpu.vector_load %arg10[%swap3A_142, %swap3A_143] {strides = array<i32>} : memref<128x256xf32, #tpu.memory_space<vmem>>, vector<1x16xf32>,
      %swap3A_145 = vector.shape_cast %swap3A_144 : vector<1x16xf32> to vector<16xf32>
      %swap3A_146 = vector.shape_cast %broadcast_in_dim3A_7 : vector<16xf32> to vector<1x16xf32>
      tpu.vector_store %arg10[%swap3A_142, %swap3A_143], %swap3A_146 {strides = array<i32>} : memref<128x256xf32, #tpu.memory_space<vmem>>, vector<1x16xf32>,
      %swap3A_147 = arith.index_cast %while3A_106 : i32 to index
      %swap3A_148 = arith.constant 64 : index
      %swap3A_149 = tpu.vector_load %arg9[%swap3A_147, %swap3A_148] {strides = array<i32>} : memref<128x256xf32, #tpu.memory_space<vmem>>, vector<1x16xf32>,
      %swap3A_150 = vector.shape_cast %swap3A_149 : vector<1x16xf32> to vector<16xf32>
      %swap3A_151 = vector.shape_cast %broadcast_in_dim3A_5 : vector<16xf32> to vector<1x16xf32>
      tpu.vector_store %arg9[%swap3A_147, %swap3A_148], %swap3A_151 {strides = array<i32>} : memref<128x256xf32, #tpu.memory_space<vmem>>, vector<1x16xf32>,
      %swap3A_152 = arith.index_cast %while3A_106 : i32 to index
      %swap3A_153 = arith.constant 64 : index
      %swap3A_154 = tpu.vector_load %arg10[%swap3A_152, %swap3A_153] {strides = array<i32>} : memref<128x256xf32, #tpu.memory_space<vmem>>, vector<1x16xf32>,
      %swap3A_155 = vector.shape_cast %swap3A_154 : vector<1x16xf32> to vector<16xf32>
      %swap3A_156 = vector.shape_cast %broadcast_in_dim3A_7 : vector<16xf32> to vector<1x16xf32>
      tpu.vector_store %arg10[%swap3A_152, %swap3A_153], %swap3A_156 {strides = array<i32>} : memref<128x256xf32, #tpu.memory_space<vmem>>, vector<1x16xf32>,
      %swap3A_157 = arith.index_cast %while3A_106 : i32 to index
      %swap3A_158 = arith.constant 80 : index
      %swap3A_159 = tpu.vector_load %arg9[%swap3A_157, %swap3A_158] {strides = array<i32>} : memref<128x256xf32, #tpu.memory_space<vmem>>, vector<1x16xf32>,
      %swap3A_160 = vector.shape_cast %swap3A_159 : vector<1x16xf32> to vector<16xf32>
      %swap3A_161 = vector.shape_cast %broadcast_in_dim3A_5 : vector<16xf32> to vector<1x16xf32>
      tpu.vector_store %arg9[%swap3A_157, %swap3A_158], %swap3A_161 {strides = array<i32>} : memref<128x256xf32, #tpu.memory_space<vmem>>, vector<1x16xf32>,
      %swap3A_162 = arith.index_cast %while3A_106 : i32 to index
      %swap3A_163 = arith.constant 80 : index
      %swap3A_164 = tpu.vector_load %arg10[%swap3A_162, %swap3A_163] {strides = array<i32>} : memref<128x256xf32, #tpu.memory_space<vmem>>, vector<1x16xf32>,
      %swap3A_165 = vector.shape_cast %swap3A_164 : vector<1x16xf32> to vector<16xf32>
      %swap3A_166 = vector.shape_cast %broadcast_in_dim3A_7 : vector<16xf32> to vector<1x16xf32>
      tpu.vector_store %arg10[%swap3A_162, %swap3A_163], %swap3A_166 {strides = array<i32>} : memref<128x256xf32, #tpu.memory_space<vmem>>, vector<1x16xf32>,
      %swap3A_167 = arith.index_cast %while3A_106 : i32 to index
      %swap3A_168 = arith.constant 96 : index
      %swap3A_169 = tpu.vector_load %arg9[%swap3A_167, %swap3A_168] {strides = array<i32>} : memref<128x256xf32, #tpu.memory_space<vmem>>, vector<1x16xf32>,
      %swap3A_170 = vector.shape_cast %swap3A_169 : vector<1x16xf32> to vector<16xf32>
      %swap3A_171 = vector.shape_cast %broadcast_in_dim3A_5 : vector<16xf32> to vector<1x16xf32>
      tpu.vector_store %arg9[%swap3A_167, %swap3A_168], %swap3A_171 {strides = array<i32>} : memref<128x256xf32, #tpu.memory_space<vmem>>, vector<1x16xf32>,
      %swap3A_172 = arith.index_cast %while3A_106 : i32 to index
      %swap3A_173 = arith.constant 96 : index
      %swap3A_174 = tpu.vector_load %arg10[%swap3A_172, %swap3A_173] {strides = array<i32>} : memref<128x256xf32, #tpu.memory_space<vmem>>, vector<1x16xf32>,
      %swap3A_175 = vector.shape_cast %swap3A_174 : vector<1x16xf32> to vector<16xf32>
      %swap3A_176 = vector.shape_cast %broadcast_in_dim3A_7 : vector<16xf32> to vector<1x16xf32>
      tpu.vector_store %arg10[%swap3A_172, %swap3A_173], %swap3A_176 {strides = array<i32>} : memref<128x256xf32, #tpu.memory_space<vmem>>, vector<1x16xf32>,
      %swap3A_177 = arith.index_cast %while3A_106 : i32 to index
      %swap3A_178 = arith.constant 112 : index
      %swap3A_179 = tpu.vector_load %arg9[%swap3A_177, %swap3A_178] {strides = array<i32>} : memref<128x256xf32, #tpu.memory_space<vmem>>, vector<1x16xf32>,
      %swap3A_180 = vector.shape_cast %swap3A_179 : vector<1x16xf32> to vector<16xf32>
      %swap3A_181 = vector.shape_cast %broadcast_in_dim3A_5 : vector<16xf32> to vector<1x16xf32>
      tpu.vector_store %arg9[%swap3A_177, %swap3A_178], %swap3A_181 {strides = array<i32>} : memref<128x256xf32, #tpu.memory_space<vmem>>, vector<1x16xf32>,
      %swap3A_182 = arith.index_cast %while3A_106 : i32 to index
      %swap3A_183 = arith.constant 112 : index
      %swap3A_184 = tpu.vector_load %arg10[%swap3A_182, %swap3A_183] {strides = array<i32>} : memref<128x256xf32, #tpu.memory_space<vmem>>, vector<1x16xf32>,
      %swap3A_185 = vector.shape_cast %swap3A_184 : vector<1x16xf32> to vector<16xf32>
      %swap3A_186 = vector.shape_cast %broadcast_in_dim3A_7 : vector<16xf32> to vector<1x16xf32>
      tpu.vector_store %arg10[%swap3A_182, %swap3A_183], %swap3A_186 {strides = array<i32>} : memref<128x256xf32, #tpu.memory_space<vmem>>, vector<1x16xf32>,
      %swap3A_187 = arith.index_cast %while3A_106 : i32 to index
      %swap3A_188 = arith.constant 128 : index
      %swap3A_189 = tpu.vector_load %arg9[%swap3A_187, %swap3A_188] {strides = array<i32>} : memref<128x256xf32, #tpu.memory_space<vmem>>, vector<1x16xf32>,
      %swap3A_190 = vector.shape_cast %swap3A_189 : vector<1x16xf32> to vector<16xf32>
      %swap3A_191 = vector.shape_cast %broadcast_in_dim3A_5 : vector<16xf32> to vector<1x16xf32>
      tpu.vector_store %arg9[%swap3A_187, %swap3A_188], %swap3A_191 {strides = array<i32>} : memref<128x256xf32, #tpu.memory_space<vmem>>, vector<1x16xf32>,
      %swap3A_192 = arith.index_cast %while3A_106 : i32 to index
      %swap3A_193 = arith.constant 128 : index
      %swap3A_194 = tpu.vector_load %arg10[%swap3A_192, %swap3A_193] {strides = array<i32>} : memref<128x256xf32, #tpu.memory_space<vmem>>, vector<1x16xf32>,
      %swap3A_195 = vector.shape_cast %swap3A_194 : vector<1x16xf32> to vector<16xf32>
      %swap3A_196 = vector.shape_cast %broadcast_in_dim3A_7 : vector<16xf32> to vector<1x16xf32>
      tpu.vector_store %arg10[%swap3A_192, %swap3A_193], %swap3A_196 {strides = array<i32>} : memref<128x256xf32, #tpu.memory_space<vmem>>, vector<1x16xf32>,
      %swap3A_197 = arith.index_cast %while3A_106 : i32 to index
      %swap3A_198 = arith.constant 144 : index
      %swap3A_199 = tpu.vector_load %arg9[%swap3A_197, %swap3A_198] {strides = array<i32>} : memref<128x256xf32, #tpu.memory_space<vmem>>, vector<1x16xf32>,
      %swap3A_200 = vector.shape_cast %swap3A_199 : vector<1x16xf32> to vector<16xf32>
      %swap3A_201 = vector.shape_cast %broadcast_in_dim3A_5 : vector<16xf32> to vector<1x16xf32>
      tpu.vector_store %arg9[%swap3A_197, %swap3A_198], %swap3A_201 {strides = array<i32>} : memref<128x256xf32, #tpu.memory_space<vmem>>, vector<1x16xf32>,
      %swap3A_202 = arith.index_cast %while3A_106 : i32 to index
      %swap3A_203 = arith.constant 144 : index
      %swap3A_204 = tpu.vector_load %arg10[%swap3A_202, %swap3A_203] {strides = array<i32>} : memref<128x256xf32, #tpu.memory_space<vmem>>, vector<1x16xf32>,
      %swap3A_205 = vector.shape_cast %swap3A_204 : vector<1x16xf32> to vector<16xf32>
      %swap3A_206 = vector.shape_cast %broadcast_in_dim3A_7 : vector<16xf32> to vector<1x16xf32>
      tpu.vector_store %arg10[%swap3A_202, %swap3A_203], %swap3A_206 {strides = array<i32>} : memref<128x256xf32, #tpu.memory_space<vmem>>, vector<1x16xf32>,
      %swap3A_207 = arith.index_cast %while3A_106 : i32 to index
      %swap3A_208 = arith.constant 160 : index
      %swap3A_209 = tpu.vector_load %arg9[%swap3A_207, %swap3A_208] {strides = array<i32>} : memref<128x256xf32, #tpu.memory_space<vmem>>, vector<1x16xf32>,
      %swap3A_210 = vector.shape_cast %swap3A_209 : vector<1x16xf32> to vector<16xf32>
      %swap3A_211 = vector.shape_cast %broadcast_in_dim3A_5 : vector<16xf32> to vector<1x16xf32>
      tpu.vector_store %arg9[%swap3A_207, %swap3A_208], %swap3A_211 {strides = array<i32>} : memref<128x256xf32, #tpu.memory_space<vmem>>, vector<1x16xf32>,
      %swap3A_212 = arith.index_cast %while3A_106 : i32 to index
      %swap3A_213 = arith.constant 160 : index
      %swap3A_214 = tpu.vector_load %arg10[%swap3A_212, %swap3A_213] {strides = array<i32>} : memref<128x256xf32, #tpu.memory_space<vmem>>, vector<1x16xf32>,
      %swap3A_215 = vector.shape_cast %swap3A_214 : vector<1x16xf32> to vector<16xf32>
      %swap3A_216 = vector.shape_cast %broadcast_in_dim3A_7 : vector<16xf32> to vector<1x16xf32>
      tpu.vector_store %arg10[%swap3A_212, %swap3A_213], %swap3A_216 {strides = array<i32>} : memref<128x256xf32, #tpu.memory_space<vmem>>, vector<1x16xf32>,
      %swap3A_217 = arith.index_cast %while3A_106 : i32 to index
      %swap3A_218 = arith.constant 176 : index
      %swap3A_219 = tpu.vector_load %arg9[%swap3A_217, %swap3A_218] {strides = array<i32>} : memref<128x256xf32, #tpu.memory_space<vmem>>, vector<1x16xf32>,
      %swap3A_220 = vector.shape_cast %swap3A_219 : vector<1x16xf32> to vector<16xf32>
      %swap3A_221 = vector.shape_cast %broadcast_in_dim3A_5 : vector<16xf32> to vector<1x16xf32>
      tpu.vector_store %arg9[%swap3A_217, %swap3A_218], %swap3A_221 {strides = array<i32>} : memref<128x256xf32, #tpu.memory_space<vmem>>, vector<1x16xf32>,
      %swap3A_222 = arith.index_cast %while3A_106 : i32 to index
      %swap3A_223 = arith.constant 176 : index
      %swap3A_224 = tpu.vector_load %arg10[%swap3A_222, %swap3A_223] {strides = array<i32>} : memref<128x256xf32, #tpu.memory_space<vmem>>, vector<1x16xf32>,
      %swap3A_225 = vector.shape_cast %swap3A_224 : vector<1x16xf32> to vector<16xf32>
      %swap3A_226 = vector.shape_cast %broadcast_in_dim3A_7 : vector<16xf32> to vector<1x16xf32>
      tpu.vector_store %arg10[%swap3A_222, %swap3A_223], %swap3A_226 {strides = array<i32>} : memref<128x256xf32, #tpu.memory_space<vmem>>, vector<1x16xf32>,
      %swap3A_227 = arith.index_cast %while3A_106 : i32 to index
      %swap3A_228 = arith.constant 192 : index
      %swap3A_229 = tpu.vector_load %arg9[%swap3A_227, %swap3A_228] {strides = array<i32>} : memref<128x256xf32, #tpu.memory_space<vmem>>, vector<1x16xf32>,
      %swap3A_230 = vector.shape_cast %swap3A_229 : vector<1x16xf32> to vector<16xf32>
      %swap3A_231 = vector.shape_cast %broadcast_in_dim3A_5 : vector<16xf32> to vector<1x16xf32>
      tpu.vector_store %arg9[%swap3A_227, %swap3A_228], %swap3A_231 {strides = array<i32>} : memref<128x256xf32, #tpu.memory_space<vmem>>, vector<1x16xf32>,
      %swap3A_232 = arith.index_cast %while3A_106 : i32 to index
      %swap3A_233 = arith.constant 192 : index
      %swap3A_234 = tpu.vector_load %arg10[%swap3A_232, %swap3A_233] {strides = array<i32>} : memref<128x256xf32, #tpu.memory_space<vmem>>, vector<1x16xf32>,
      %swap3A_235 = vector.shape_cast %swap3A_234 : vector<1x16xf32> to vector<16xf32>
      %swap3A_236 = vector.shape_cast %broadcast_in_dim3A_7 : vector<16xf32> to vector<1x16xf32>
      tpu.vector_store %arg10[%swap3A_232, %swap3A_233], %swap3A_236 {strides = array<i32>} : memref<128x256xf32, #tpu.memory_space<vmem>>, vector<1x16xf32>,
      %swap3A_237 = arith.index_cast %while3A_106 : i32 to index
      %swap3A_238 = arith.constant 208 : index
      %swap3A_239 = tpu.vector_load %arg9[%swap3A_237, %swap3A_238] {strides = array<i32>} : memref<128x256xf32, #tpu.memory_space<vmem>>, vector<1x16xf32>,
      %swap3A_240 = vector.shape_cast %swap3A_239 : vector<1x16xf32> to vector<16xf32>
      %swap3A_241 = vector.shape_cast %broadcast_in_dim3A_5 : vector<16xf32> to vector<1x16xf32>
      tpu.vector_store %arg9[%swap3A_237, %swap3A_238], %swap3A_241 {strides = array<i32>} : memref<128x256xf32, #tpu.memory_space<vmem>>, vector<1x16xf32>,
      %swap3A_242 = arith.index_cast %while3A_106 : i32 to index
      %swap3A_243 = arith.constant 208 : index
      %swap3A_244 = tpu.vector_load %arg10[%swap3A_242, %swap3A_243] {strides = array<i32>} : memref<128x256xf32, #tpu.memory_space<vmem>>, vector<1x16xf32>,
      %swap3A_245 = vector.shape_cast %swap3A_244 : vector<1x16xf32> to vector<16xf32>
      %swap3A_246 = vector.shape_cast %broadcast_in_dim3A_7 : vector<16xf32> to vector<1x16xf32>
      tpu.vector_store %arg10[%swap3A_242, %swap3A_243], %swap3A_246 {strides = array<i32>} : memref<128x256xf32, #tpu.memory_space<vmem>>, vector<1x16xf32>,
      %swap3A_247 = arith.index_cast %while3A_106 : i32 to index
      %swap3A_248 = arith.constant 224 : index
      %swap3A_249 = tpu.vector_load %arg9[%swap3A_247, %swap3A_248] {strides = array<i32>} : memref<128x256xf32, #tpu.memory_space<vmem>>, vector<1x16xf32>,
      %swap3A_250 = vector.shape_cast %swap3A_249 : vector<1x16xf32> to vector<16xf32>
      %swap3A_251 = vector.shape_cast %broadcast_in_dim3A_5 : vector<16xf32> to vector<1x16xf32>
      tpu.vector_store %arg9[%swap3A_247, %swap3A_248], %swap3A_251 {strides = array<i32>} : memref<128x256xf32, #tpu.memory_space<vmem>>, vector<1x16xf32>,
      %swap3A_252 = arith.index_cast %while3A_106 : i32 to index
      %swap3A_253 = arith.constant 224 : index
      %swap3A_254 = tpu.vector_load %arg10[%swap3A_252, %swap3A_253] {strides = array<i32>} : memref<128x256xf32, #tpu.memory_space<vmem>>, vector<1x16xf32>,
      %swap3A_255 = vector.shape_cast %swap3A_254 : vector<1x16xf32> to vector<16xf32>
      %swap3A_256 = vector.shape_cast %broadcast_in_dim3A_7 : vector<16xf32> to vector<1x16xf32>
      tpu.vector_store %arg10[%swap3A_252, %swap3A_253], %swap3A_256 {strides = array<i32>} : memref<128x256xf32, #tpu.memory_space<vmem>>, vector<1x16xf32>,
      %swap3A_257 = arith.index_cast %while3A_106 : i32 to index
      %swap3A_258 = arith.constant 240 : index
      %swap3A_259 = tpu.vector_load %arg9[%swap3A_257, %swap3A_258] {strides = array<i32>} : memref<128x256xf32, #tpu.memory_space<vmem>>, vector<1x16xf32>,
      %swap3A_260 = vector.shape_cast %swap3A_259 : vector<1x16xf32> to vector<16xf32>
      %swap3A_261 = vector.shape_cast %broadcast_in_dim3A_5 : vector<16xf32> to vector<1x16xf32>
      tpu.vector_store %arg9[%swap3A_257, %swap3A_258], %swap3A_261 {strides = array<i32>} : memref<128x256xf32, #tpu.memory_space<vmem>>, vector<1x16xf32>,
      %swap3A_262 = arith.index_cast %while3A_106 : i32 to index
      %swap3A_263 = arith.constant 240 : index
      %swap3A_264 = tpu.vector_load %arg10[%swap3A_262, %swap3A_263] {strides = array<i32>} : memref<128x256xf32, #tpu.memory_space<vmem>>, vector<1x16xf32>,
      %swap3A_265 = vector.shape_cast %swap3A_264 : vector<1x16xf32> to vector<16xf32>
      %swap3A_266 = vector.shape_cast %broadcast_in_dim3A_7 : vector<16xf32> to vector<1x16xf32>
      tpu.vector_store %arg10[%swap3A_262, %swap3A_263], %swap3A_266 {strides = array<i32>} : memref<128x256xf32, #tpu.memory_space<vmem>>, vector<1x16xf32>,
      %while3A_267 = arith.constant 0 : i32
      scf.yield %while3A_267 : i32
    }
    %while3A_68 = arith.constant 0 : i32
    %while3A_69 = arith.constant 0 : i32
    %while3A_70 = arith.subi %select_n3A, %while3A_68 : i32
    %while3A_71 = arith.addi %while3A_68, %while3A_70 : i32
    %while3A_72 = arith.constant 1 : i32
    %while3A_73 = arith.divsi %while3A_70, %while3A_72 : i32
    %while3A_74 = arith.muli %while3A_73, %while3A_72 : i32
    %while3A_75 = arith.addi %while3A_68, %while3A_74 : i32
    %while3A_76 = arith.constant 1 : i32
    %while3A_77 = scf.for %while3A_106 = %while3A_68 to %while3A_75 step %while3A_76 iter_args(%while3A_107 = %while3A_69) -> (i32)  : i32 {
      %dma_wait3A = arith.constant 0 : i32
      %dma_wait3A_108 = arith.constant 0 : i32
      %dma_wait3A_109 = arith.constant 0 : i32
      %dma_wait3A_110 = tpu.memref_slice %arg7[%dma_wait3A, %dma_wait3A_108, %dma_wait3A_109] : memref<5x32x256xf32, #tpu.memory_space<vmem>> -> memref<1x32x256xf32, #tpu.memory_space<vmem>>
      %dma_wait3A_111 = tpu.memref_squeeze %dma_wait3A_110 : memref<1x32x256xf32, #tpu.memory_space<vmem>> -> memref<32x256xf32, #tpu.memory_space<vmem>>
      %dma_wait3A_112 = arith.constant 0 : i32
      %dma_wait3A_113 = arith.constant 0 : i32
      %dma_wait3A_114 = tpu.memref_slice %arg2[%dma_wait3A_112, %dma_wait3A_113] : memref<100000x256xf32, #tpu.memory_space<hbm>> -> memref<32x256xf32, #tpu.memory_space<hbm>>
      %dma_wait3A_115 = arith.constant 0 : i32
      %dma_wait3A_116 = arith.constant 0 : i32
      %dma_wait3A_117 = tpu.memref_slice %arg7[%dma_wait3A, %dma_wait3A_115, %dma_wait3A_116] : memref<5x32x256xf32, #tpu.memory_space<vmem>> -> memref<1x32x256xf32, #tpu.memory_space<vmem>>
      %dma_wait3A_118 = tpu.memref_squeeze %dma_wait3A_117 : memref<1x32x256xf32, #tpu.memory_space<vmem>> -> memref<32x256xf32, #tpu.memory_space<vmem>>
      %dma_wait3A_119 = arith.constant 0 : i32
      %dma_wait3A_120 = arith.constant 0 : i32
      %dma_wait3A_121 = tpu.memref_slice %arg2[%dma_wait3A_119, %dma_wait3A_120] : memref<100000x256xf32, #tpu.memory_space<hbm>> -> memref<32x256xf32, #tpu.memory_space<hbm>>
      tpu.wait_dma2 semaphore(%arg12 : memref<!tpu.dma_semaphore, #tpu.memory_space<semaphore_mem>>) src(%dma_wait3A_121 : memref<32x256xf32, #tpu.memory_space<hbm>>) dst(%dma_wait3A_118 : memref<32x256xf32, #tpu.memory_space<vmem>>)
      %rem3A = arith.constant 5 : i32
      %rem3A_122 = arith.remsi %while3A_106, %rem3A : i32
      %mul3A_123 = arith.constant 32 : i32
      %mul3A_124 = arith.muli %while3A_106, %mul3A_123 : i32
      %get3A_125 = arith.index_cast %mul3A_124 : i32 to index
      %get3A_126 = tpu.vector_load %arg8[%get3A_125] {strides = array<i32>} : memref<3152xi32, #tpu.memory_space<vmem>>, vector<16xi32>,
      %get3A_127 = vector.shape_cast %get3A_126 : vector<16xi32> to vector<16xi32>
      %slice3A_128 = vector.extract_strided_slice %get3A_127 {offsets = [0], sizes = [1], strides = [1]} : vector<16xi32> to vector<1xi32>
      %squeeze3A_129 = vector.extract %slice3A_128[0] : i32 from vector<1xi32>
      %add3A_130 = arith.constant 32 : i32
      %add3A_131 = arith.addi %mul3A_124, %add3A_130 : i32
      %sub3A_132 = arith.constant 16 : i32
      %sub3A_133 = arith.subi %add3A_131, %sub3A_132 : i32
      %get3A_134 = arith.index_cast %sub3A_133 : i32 to index
      %get3A_135 = tpu.vector_load %arg8[%get3A_134] {strides = array<i32>} : memref<3152xi32, #tpu.memory_space<vmem>>, vector<16xi32>,
      %get3A_136 = vector.shape_cast %get3A_135 : vector<16xi32> to vector<16xi32>
      %slice3A_137 = vector.extract_strided_slice %get3A_136 {offsets = [15], sizes = [1], strides = [1]} : vector<16xi32> to vector<1xi32>
      %squeeze3A_138 = vector.extract %slice3A_137[0] : i32 from vector<1xi32>
      %eq3A_139 = arith.cmpi eq, %squeeze3A_129, %squeeze3A_138 : i32
      %convert_element_type3A_140 = arith.extui %eq3A_139 : i1 to i32
      %cond3A_141 = arith.constant 0 : i32
      %cond3A_142 = arith.constant 0 : i32
      %cond3A_143 = arith.cmpi ne, %convert_element_type3A_140, %cond3A_142 : i32
      %cond3A_144 = scf.if %cond3A_143 -> (i32) {
        %scan3A_151 = arith.constant 0 : i32
        %scan3A_152 = arith.constant 32 : i32
        %scan3A_153 = arith.addi %scan3A_151, %scan3A_152 : i32
        %scan3A_154 = arith.constant 1 : i32
        %scan3A_155:32 = scf.for %scan3A_401 = %scan3A_151 to %scan3A_153 step %scan3A_154 iter_args(%scan3A_402 = %broadcast_in_dim3A_5, %scan3A_403 = %broadcast_in_dim3A_5, %scan3A_404 = %broadcast_in_dim3A_5, %scan3A_405 = %broadcast_in_dim3A_5, %scan3A_406 = %broadcast_in_dim3A_5, %scan3A_407 = %broadcast_in_dim3A_5, %scan3A_408 = %broadcast_in_dim3A_5, %scan3A_409 = %broadcast_in_dim3A_5, %scan3A_410 = %broadcast_in_dim3A_5, %scan3A_411 = %broadcast_in_dim3A_5, %scan3A_412 = %broadcast_in_dim3A_5, %scan3A_413 = %broadcast_in_dim3A_5, %scan3A_414 = %broadcast_in_dim3A_5, %scan3A_415 = %broadcast_in_dim3A_5, %scan3A_416 = %broadcast_in_dim3A_5, %scan3A_417 = %broadcast_in_dim3A_5, %scan3A_418 = %broadcast_in_dim3A_7, %scan3A_419 = %broadcast_in_dim3A_7, %scan3A_420 = %broadcast_in_dim3A_7, %scan3A_421 = %broadcast_in_dim3A_7, %scan3A_422 = %broadcast_in_dim3A_7, %scan3A_423 = %broadcast_in_dim3A_7, %scan3A_424 = %broadcast_in_dim3A_7, %scan3A_425 = %broadcast_in_dim3A_7, %scan3A_426 = %broadcast_in_dim3A_7, %scan3A_427 = %broadcast_in_dim3A_7, %scan3A_428 = %broadcast_in_dim3A_7, %scan3A_429 = %broadcast_in_dim3A_7, %scan3A_430 = %broadcast_in_dim3A_7, %scan3A_431 = %broadcast_in_dim3A_7, %scan3A_432 = %broadcast_in_dim3A_7, %scan3A_433 = %broadcast_in_dim3A_7) -> (vector<16xf32>, vector<16xf32>, vector<16xf32>, vector<16xf32>, vector<16xf32>, vector<16xf32>, vector<16xf32>, vector<16xf32>, vector<16xf32>, vector<16xf32>, vector<16xf32>, vector<16xf32>, vector<16xf32>, vector<16xf32>, vector<16xf32>, vector<16xf32>, vector<16xf32>, vector<16xf32>, vector<16xf32>, vector<16xf32>, vector<16xf32>, vector<16xf32>, vector<16xf32>, vector<16xf32>, vector<16xf32>, vector<16xf32>, vector<16xf32>, vector<16xf32>, vector<16xf32>, vector<16xf32>, vector<16xf32>, vector<16xf32>)  : i32 {
          %get3A_434 = arith.index_cast %rem3A_122 : i32 to index
          %get3A_435 = arith.index_cast %scan3A_401 : i32 to index
          %get3A_436 = arith.constant 0 : index
          %get3A_437 = tpu.vector_load %arg7[%get3A_434, %get3A_435, %get3A_436] {strides = array<i32>} : memref<5x32x256xf32, #tpu.memory_space<vmem>>, vector<1x1x16xf32>,
          %get3A_438 = vector.shape_cast %get3A_437 : vector<1x1x16xf32> to vector<16xf32>
          %add3A_439 = arith.addf %scan3A_402, %get3A_438 : vector<16xf32>
          %get3A_440 = arith.index_cast %rem3A_122 : i32 to index
          %get3A_441 = arith.index_cast %scan3A_401 : i32 to index
          %get3A_442 = arith.constant 16 : index
          %get3A_443 = tpu.vector_load %arg7[%get3A_440, %get3A_441, %get3A_442] {strides = array<i32>} : memref<5x32x256xf32, #tpu.memory_space<vmem>>, vector<1x1x16xf32>,
          %get3A_444 = vector.shape_cast %get3A_443 : vector<1x1x16xf32> to vector<16xf32>
          %add3A_445 = arith.addf %scan3A_403, %get3A_444 : vector<16xf32>
          %get3A_446 = arith.index_cast %rem3A_122 : i32 to index
          %get3A_447 = arith.index_cast %scan3A_401 : i32 to index
          %get3A_448 = arith.constant 32 : index
          %get3A_449 = tpu.vector_load %arg7[%get3A_446, %get3A_447, %get3A_448] {strides = array<i32>} : memref<5x32x256xf32, #tpu.memory_space<vmem>>, vector<1x1x16xf32>,
          %get3A_450 = vector.shape_cast %get3A_449 : vector<1x1x16xf32> to vector<16xf32>
          %add3A_451 = arith.addf %scan3A_404, %get3A_450 : vector<16xf32>
          %get3A_452 = arith.index_cast %rem3A_122 : i32 to index
          %get3A_453 = arith.index_cast %scan3A_401 : i32 to index
          %get3A_454 = arith.constant 48 : index
          %get3A_455 = tpu.vector_load %arg7[%get3A_452, %get3A_453, %get3A_454] {strides = array<i32>} : memref<5x32x256xf32, #tpu.memory_space<vmem>>, vector<1x1x16xf32>,
          %get3A_456 = vector.shape_cast %get3A_455 : vector<1x1x16xf32> to vector<16xf32>
          %add3A_457 = arith.addf %scan3A_405, %get3A_456 : vector<16xf32>
          %get3A_458 = arith.index_cast %rem3A_122 : i32 to index
          %get3A_459 = arith.index_cast %scan3A_401 : i32 to index
          %get3A_460 = arith.constant 64 : index
          %get3A_461 = tpu.vector_load %arg7[%get3A_458, %get3A_459, %get3A_460] {strides = array<i32>} : memref<5x32x256xf32, #tpu.memory_space<vmem>>, vector<1x1x16xf32>,
          %get3A_462 = vector.shape_cast %get3A_461 : vector<1x1x16xf32> to vector<16xf32>
          %add3A_463 = arith.addf %scan3A_406, %get3A_462 : vector<16xf32>
          %get3A_464 = arith.index_cast %rem3A_122 : i32 to index
          %get3A_465 = arith.index_cast %scan3A_401 : i32 to index
          %get3A_466 = arith.constant 80 : index
          %get3A_467 = tpu.vector_load %arg7[%get3A_464, %get3A_465, %get3A_466] {strides = array<i32>} : memref<5x32x256xf32, #tpu.memory_space<vmem>>, vector<1x1x16xf32>,
          %get3A_468 = vector.shape_cast %get3A_467 : vector<1x1x16xf32> to vector<16xf32>
          %add3A_469 = arith.addf %scan3A_407, %get3A_468 : vector<16xf32>
          %get3A_470 = arith.index_cast %rem3A_122 : i32 to index
          %get3A_471 = arith.index_cast %scan3A_401 : i32 to index
          %get3A_472 = arith.constant 96 : index
          %get3A_473 = tpu.vector_load %arg7[%get3A_470, %get3A_471, %get3A_472] {strides = array<i32>} : memref<5x32x256xf32, #tpu.memory_space<vmem>>, vector<1x1x16xf32>,
          %get3A_474 = vector.shape_cast %get3A_473 : vector<1x1x16xf32> to vector<16xf32>
          %add3A_475 = arith.addf %scan3A_408, %get3A_474 : vector<16xf32>
          %get3A_476 = arith.index_cast %rem3A_122 : i32 to index
          %get3A_477 = arith.index_cast %scan3A_401 : i32 to index
          %get3A_478 = arith.constant 112 : index
          %get3A_479 = tpu.vector_load %arg7[%get3A_476, %get3A_477, %get3A_478] {strides = array<i32>} : memref<5x32x256xf32, #tpu.memory_space<vmem>>, vector<1x1x16xf32>,
          %get3A_480 = vector.shape_cast %get3A_479 : vector<1x1x16xf32> to vector<16xf32>
          %add3A_481 = arith.addf %scan3A_409, %get3A_480 : vector<16xf32>
          %get3A_482 = arith.index_cast %rem3A_122 : i32 to index
          %get3A_483 = arith.index_cast %scan3A_401 : i32 to index
          %get3A_484 = arith.constant 128 : index
          %get3A_485 = tpu.vector_load %arg7[%get3A_482, %get3A_483, %get3A_484] {strides = array<i32>} : memref<5x32x256xf32, #tpu.memory_space<vmem>>, vector<1x1x16xf32>,
          %get3A_486 = vector.shape_cast %get3A_485 : vector<1x1x16xf32> to vector<16xf32>
          %add3A_487 = arith.addf %scan3A_410, %get3A_486 : vector<16xf32>
          %get3A_488 = arith.index_cast %rem3A_122 : i32 to index
          %get3A_489 = arith.index_cast %scan3A_401 : i32 to index
          %get3A_490 = arith.constant 144 : index
          %get3A_491 = tpu.vector_load %arg7[%get3A_488, %get3A_489, %get3A_490] {strides = array<i32>} : memref<5x32x256xf32, #tpu.memory_space<vmem>>, vector<1x1x16xf32>,
          %get3A_492 = vector.shape_cast %get3A_491 : vector<1x1x16xf32> to vector<16xf32>
          %add3A_493 = arith.addf %scan3A_411, %get3A_492 : vector<16xf32>
          %get3A_494 = arith.index_cast %rem3A_122 : i32 to index
          %get3A_495 = arith.index_cast %scan3A_401 : i32 to index
          %get3A_496 = arith.constant 160 : index
          %get3A_497 = tpu.vector_load %arg7[%get3A_494, %get3A_495, %get3A_496] {strides = array<i32>} : memref<5x32x256xf32, #tpu.memory_space<vmem>>, vector<1x1x16xf32>,
          %get3A_498 = vector.shape_cast %get3A_497 : vector<1x1x16xf32> to vector<16xf32>
          %add3A_499 = arith.addf %scan3A_412, %get3A_498 : vector<16xf32>
          %get3A_500 = arith.index_cast %rem3A_122 : i32 to index
          %get3A_501 = arith.index_cast %scan3A_401 : i32 to index
          %get3A_502 = arith.constant 176 : index
          %get3A_503 = tpu.vector_load %arg7[%get3A_500, %get3A_501, %get3A_502] {strides = array<i32>} : memref<5x32x256xf32, #tpu.memory_space<vmem>>, vector<1x1x16xf32>,
          %get3A_504 = vector.shape_cast %get3A_503 : vector<1x1x16xf32> to vector<16xf32>
          %add3A_505 = arith.addf %scan3A_413, %get3A_504 : vector<16xf32>
          %get3A_506 = arith.index_cast %rem3A_122 : i32 to index
          %get3A_507 = arith.index_cast %scan3A_401 : i32 to index
          %get3A_508 = arith.constant 192 : index
          %get3A_509 = tpu.vector_load %arg7[%get3A_506, %get3A_507, %get3A_508] {strides = array<i32>} : memref<5x32x256xf32, #tpu.memory_space<vmem>>, vector<1x1x16xf32>,
          %get3A_510 = vector.shape_cast %get3A_509 : vector<1x1x16xf32> to vector<16xf32>
          %add3A_511 = arith.addf %scan3A_414, %get3A_510 : vector<16xf32>
          %get3A_512 = arith.index_cast %rem3A_122 : i32 to index
          %get3A_513 = arith.index_cast %scan3A_401 : i32 to index
          %get3A_514 = arith.constant 208 : index
          %get3A_515 = tpu.vector_load %arg7[%get3A_512, %get3A_513, %get3A_514] {strides = array<i32>} : memref<5x32x256xf32, #tpu.memory_space<vmem>>, vector<1x1x16xf32>,
          %get3A_516 = vector.shape_cast %get3A_515 : vector<1x1x16xf32> to vector<16xf32>
          %add3A_517 = arith.addf %scan3A_415, %get3A_516 : vector<16xf32>
          %get3A_518 = arith.index_cast %rem3A_122 : i32 to index
          %get3A_519 = arith.index_cast %scan3A_401 : i32 to index
          %get3A_520 = arith.constant 224 : index
          %get3A_521 = tpu.vector_load %arg7[%get3A_518, %get3A_519, %get3A_520] {strides = array<i32>} : memref<5x32x256xf32, #tpu.memory_space<vmem>>, vector<1x1x16xf32>,
          %get3A_522 = vector.shape_cast %get3A_521 : vector<1x1x16xf32> to vector<16xf32>
          %add3A_523 = arith.addf %scan3A_416, %get3A_522 : vector<16xf32>
          %get3A_524 = arith.index_cast %rem3A_122 : i32 to index
          %get3A_525 = arith.index_cast %scan3A_401 : i32 to index
          %get3A_526 = arith.constant 240 : index
          %get3A_527 = tpu.vector_load %arg7[%get3A_524, %get3A_525, %get3A_526] {strides = array<i32>} : memref<5x32x256xf32, #tpu.memory_space<vmem>>, vector<1x1x16xf32>,
          %get3A_528 = vector.shape_cast %get3A_527 : vector<1x1x16xf32> to vector<16xf32>
          %add3A_529 = arith.addf %scan3A_417, %get3A_528 : vector<16xf32>
          %get3A_530 = arith.index_cast %rem3A_122 : i32 to index
          %get3A_531 = arith.index_cast %scan3A_401 : i32 to index
          %get3A_532 = arith.constant 0 : index
          %get3A_533 = tpu.vector_load %arg7[%get3A_530, %get3A_531, %get3A_532] {strides = array<i32>} : memref<5x32x256xf32, #tpu.memory_space<vmem>>, vector<1x1x16xf32>,
          %get3A_534 = vector.shape_cast %get3A_533 : vector<1x1x16xf32> to vector<16xf32>
          %max3A_535 = arith.maximumf %scan3A_418, %get3A_534 : vector<16xf32>
          %get3A_536 = arith.index_cast %rem3A_122 : i32 to index
          %get3A_537 = arith.index_cast %scan3A_401 : i32 to index
          %get3A_538 = arith.constant 16 : index
          %get3A_539 = tpu.vector_load %arg7[%get3A_536, %get3A_537, %get3A_538] {strides = array<i32>} : memref<5x32x256xf32, #tpu.memory_space<vmem>>, vector<1x1x16xf32>,
          %get3A_540 = vector.shape_cast %get3A_539 : vector<1x1x16xf32> to vector<16xf32>
          %max3A_541 = arith.maximumf %scan3A_419, %get3A_540 : vector<16xf32>
          %get3A_542 = arith.index_cast %rem3A_122 : i32 to index
          %get3A_543 = arith.index_cast %scan3A_401 : i32 to index
          %get3A_544 = arith.constant 32 : index
          %get3A_545 = tpu.vector_load %arg7[%get3A_542, %get3A_543, %get3A_544] {strides = array<i32>} : memref<5x32x256xf32, #tpu.memory_space<vmem>>, vector<1x1x16xf32>,
          %get3A_546 = vector.shape_cast %get3A_545 : vector<1x1x16xf32> to vector<16xf32>
          %max3A_547 = arith.maximumf %scan3A_420, %get3A_546 : vector<16xf32>
          %get3A_548 = arith.index_cast %rem3A_122 : i32 to index
          %get3A_549 = arith.index_cast %scan3A_401 : i32 to index
          %get3A_550 = arith.constant 48 : index
          %get3A_551 = tpu.vector_load %arg7[%get3A_548, %get3A_549, %get3A_550] {strides = array<i32>} : memref<5x32x256xf32, #tpu.memory_space<vmem>>, vector<1x1x16xf32>,
          %get3A_552 = vector.shape_cast %get3A_551 : vector<1x1x16xf32> to vector<16xf32>
          %max3A_553 = arith.maximumf %scan3A_421, %get3A_552 : vector<16xf32>
          %get3A_554 = arith.index_cast %rem3A_122 : i32 to index
          %get3A_555 = arith.index_cast %scan3A_401 : i32 to index
          %get3A_556 = arith.constant 64 : index
          %get3A_557 = tpu.vector_load %arg7[%get3A_554, %get3A_555, %get3A_556] {strides = array<i32>} : memref<5x32x256xf32, #tpu.memory_space<vmem>>, vector<1x1x16xf32>,
          %get3A_558 = vector.shape_cast %get3A_557 : vector<1x1x16xf32> to vector<16xf32>
          %max3A_559 = arith.maximumf %scan3A_422, %get3A_558 : vector<16xf32>
          %get3A_560 = arith.index_cast %rem3A_122 : i32 to index
          %get3A_561 = arith.index_cast %scan3A_401 : i32 to index
          %get3A_562 = arith.constant 80 : index
          %get3A_563 = tpu.vector_load %arg7[%get3A_560, %get3A_561, %get3A_562] {strides = array<i32>} : memref<5x32x256xf32, #tpu.memory_space<vmem>>, vector<1x1x16xf32>,
          %get3A_564 = vector.shape_cast %get3A_563 : vector<1x1x16xf32> to vector<16xf32>
          %max3A_565 = arith.maximumf %scan3A_423, %get3A_564 : vector<16xf32>
          %get3A_566 = arith.index_cast %rem3A_122 : i32 to index
          %get3A_567 = arith.index_cast %scan3A_401 : i32 to index
          %get3A_568 = arith.constant 96 : index
          %get3A_569 = tpu.vector_load %arg7[%get3A_566, %get3A_567, %get3A_568] {strides = array<i32>} : memref<5x32x256xf32, #tpu.memory_space<vmem>>, vector<1x1x16xf32>,
          %get3A_570 = vector.shape_cast %get3A_569 : vector<1x1x16xf32> to vector<16xf32>
          %max3A_571 = arith.maximumf %scan3A_424, %get3A_570 : vector<16xf32>
          %get3A_572 = arith.index_cast %rem3A_122 : i32 to index
          %get3A_573 = arith.index_cast %scan3A_401 : i32 to index
          %get3A_574 = arith.constant 112 : index
          %get3A_575 = tpu.vector_load %arg7[%get3A_572, %get3A_573, %get3A_574] {strides = array<i32>} : memref<5x32x256xf32, #tpu.memory_space<vmem>>, vector<1x1x16xf32>,
          %get3A_576 = vector.shape_cast %get3A_575 : vector<1x1x16xf32> to vector<16xf32>
          %max3A_577 = arith.maximumf %scan3A_425, %get3A_576 : vector<16xf32>
          %get3A_578 = arith.index_cast %rem3A_122 : i32 to index
          %get3A_579 = arith.index_cast %scan3A_401 : i32 to index
          %get3A_580 = arith.constant 128 : index
          %get3A_581 = tpu.vector_load %arg7[%get3A_578, %get3A_579, %get3A_580] {strides = array<i32>} : memref<5x32x256xf32, #tpu.memory_space<vmem>>, vector<1x1x16xf32>,
          %get3A_582 = vector.shape_cast %get3A_581 : vector<1x1x16xf32> to vector<16xf32>
          %max3A_583 = arith.maximumf %scan3A_426, %get3A_582 : vector<16xf32>
          %get3A_584 = arith.index_cast %rem3A_122 : i32 to index
          %get3A_585 = arith.index_cast %scan3A_401 : i32 to index
          %get3A_586 = arith.constant 144 : index
          %get3A_587 = tpu.vector_load %arg7[%get3A_584, %get3A_585, %get3A_586] {strides = array<i32>} : memref<5x32x256xf32, #tpu.memory_space<vmem>>, vector<1x1x16xf32>,
          %get3A_588 = vector.shape_cast %get3A_587 : vector<1x1x16xf32> to vector<16xf32>
          %max3A_589 = arith.maximumf %scan3A_427, %get3A_588 : vector<16xf32>
          %get3A_590 = arith.index_cast %rem3A_122 : i32 to index
          %get3A_591 = arith.index_cast %scan3A_401 : i32 to index
          %get3A_592 = arith.constant 160 : index
          %get3A_593 = tpu.vector_load %arg7[%get3A_590, %get3A_591, %get3A_592] {strides = array<i32>} : memref<5x32x256xf32, #tpu.memory_space<vmem>>, vector<1x1x16xf32>,
          %get3A_594 = vector.shape_cast %get3A_593 : vector<1x1x16xf32> to vector<16xf32>
          %max3A_595 = arith.maximumf %scan3A_428, %get3A_594 : vector<16xf32>
          %get3A_596 = arith.index_cast %rem3A_122 : i32 to index
          %get3A_597 = arith.index_cast %scan3A_401 : i32 to index
          %get3A_598 = arith.constant 176 : index
          %get3A_599 = tpu.vector_load %arg7[%get3A_596, %get3A_597, %get3A_598] {strides = array<i32>} : memref<5x32x256xf32, #tpu.memory_space<vmem>>, vector<1x1x16xf32>,
          %get3A_600 = vector.shape_cast %get3A_599 : vector<1x1x16xf32> to vector<16xf32>
          %max3A_601 = arith.maximumf %scan3A_429, %get3A_600 : vector<16xf32>
          %get3A_602 = arith.index_cast %rem3A_122 : i32 to index
          %get3A_603 = arith.index_cast %scan3A_401 : i32 to index
          %get3A_604 = arith.constant 192 : index
          %get3A_605 = tpu.vector_load %arg7[%get3A_602, %get3A_603, %get3A_604] {strides = array<i32>} : memref<5x32x256xf32, #tpu.memory_space<vmem>>, vector<1x1x16xf32>,
          %get3A_606 = vector.shape_cast %get3A_605 : vector<1x1x16xf32> to vector<16xf32>
          %max3A_607 = arith.maximumf %scan3A_430, %get3A_606 : vector<16xf32>
          %get3A_608 = arith.index_cast %rem3A_122 : i32 to index
          %get3A_609 = arith.index_cast %scan3A_401 : i32 to index
          %get3A_610 = arith.constant 208 : index
          %get3A_611 = tpu.vector_load %arg7[%get3A_608, %get3A_609, %get3A_610] {strides = array<i32>} : memref<5x32x256xf32, #tpu.memory_space<vmem>>, vector<1x1x16xf32>,
          %get3A_612 = vector.shape_cast %get3A_611 : vector<1x1x16xf32> to vector<16xf32>
          %max3A_613 = arith.maximumf %scan3A_431, %get3A_612 : vector<16xf32>
          %get3A_614 = arith.index_cast %rem3A_122 : i32 to index
          %get3A_615 = arith.index_cast %scan3A_401 : i32 to index
          %get3A_616 = arith.constant 224 : index
          %get3A_617 = tpu.vector_load %arg7[%get3A_614, %get3A_615, %get3A_616] {strides = array<i32>} : memref<5x32x256xf32, #tpu.memory_space<vmem>>, vector<1x1x16xf32>,
          %get3A_618 = vector.shape_cast %get3A_617 : vector<1x1x16xf32> to vector<16xf32>
          %max3A_619 = arith.maximumf %scan3A_432, %get3A_618 : vector<16xf32>
          %get3A_620 = arith.index_cast %rem3A_122 : i32 to index
          %get3A_621 = arith.index_cast %scan3A_401 : i32 to index
          %get3A_622 = arith.constant 240 : index
          %get3A_623 = tpu.vector_load %arg7[%get3A_620, %get3A_621, %get3A_622] {strides = array<i32>} : memref<5x32x256xf32, #tpu.memory_space<vmem>>, vector<1x1x16xf32>,
          %get3A_624 = vector.shape_cast %get3A_623 : vector<1x1x16xf32> to vector<16xf32>
          %max3A_625 = arith.maximumf %scan3A_433, %get3A_624 : vector<16xf32>
          scf.yield %add3A_439, %add3A_445, %add3A_451, %add3A_457, %add3A_463, %add3A_469, %add3A_475, %add3A_481, %add3A_487, %add3A_493, %add3A_499, %add3A_505, %add3A_511, %add3A_517, %add3A_523, %add3A_529, %max3A_535, %max3A_541, %max3A_547, %max3A_553, %max3A_559, %max3A_565, %max3A_571, %max3A_577, %max3A_583, %max3A_589, %max3A_595, %max3A_601, %max3A_607, %max3A_613, %max3A_619, %max3A_625 : vector<16xf32>, vector<16xf32>, vector<16xf32>, vector<16xf32>, vector<16xf32>, vector<16xf32>, vector<16xf32>, vector<16xf32>, vector<16xf32>, vector<16xf32>, vector<16xf32>, vector<16xf32>, vector<16xf32>, vector<16xf32>, vector<16xf32>, vector<16xf32>, vector<16xf32>, vector<16xf32>, vector<16xf32>, vector<16xf32>, vector<16xf32>, vector<16xf32>, vector<16xf32>, vector<16xf32>, vector<16xf32>, vector<16xf32>, vector<16xf32>, vector<16xf32>, vector<16xf32>, vector<16xf32>, vector<16xf32>, vector<16xf32>
        }
        %scan3A_156 = arith.constant 32 : i32
        %swap3A = arith.index_cast %squeeze3A_129 : i32 to index
        %swap3A_157 = arith.constant 0 : index
        %swap3A_158 = tpu.vector_load %arg9[%swap3A, %swap3A_157] {strides = array<i32>} : memref<128x256xf32, #tpu.memory_space<vmem>>, vector<1x16xf32>,
        %swap3A_159 = vector.shape_cast %swap3A_158 : vector<1x16xf32> to vector<16xf32>
        %swap3A_160 = vector.shape_cast %scan3A_155#0 : vector<16xf32> to vector<1x16xf32>
        tpu.vector_store %arg9[%swap3A, %swap3A_157], %swap3A_160 {add = true, strides = array<i32>} : memref<128x256xf32, #tpu.memory_space<vmem>>, vector<1x16xf32>,
        %get3A_161 = arith.index_cast %squeeze3A_129 : i32 to index
        %get3A_162 = arith.constant 0 : index
        %get3A_163 = tpu.vector_load %arg10[%get3A_161, %get3A_162] {strides = array<i32>} : memref<128x256xf32, #tpu.memory_space<vmem>>, vector<1x16xf32>,
        %get3A_164 = vector.shape_cast %get3A_163 : vector<1x16xf32> to vector<16xf32>
        %max3A = arith.maximumf %get3A_164, %scan3A_155#16 : vector<16xf32>
        %swap3A_165 = arith.index_cast %squeeze3A_129 : i32 to index
        %swap3A_166 = arith.constant 0 : index
        %swap3A_167 = tpu.vector_load %arg10[%swap3A_165, %swap3A_166] {strides = array<i32>} : memref<128x256xf32, #tpu.memory_space<vmem>>, vector<1x16xf32>,
        %swap3A_168 = vector.shape_cast %swap3A_167 : vector<1x16xf32> to vector<16xf32>
        %swap3A_169 = vector.shape_cast %max3A : vector<16xf32> to vector<1x16xf32>
        tpu.vector_store %arg10[%swap3A_165, %swap3A_166], %swap3A_169 {strides = array<i32>} : memref<128x256xf32, #tpu.memory_space<vmem>>, vector<1x16xf32>,
        %swap3A_170 = arith.index_cast %squeeze3A_129 : i32 to index
        %swap3A_171 = arith.constant 16 : index
        %swap3A_172 = tpu.vector_load %arg9[%swap3A_170, %swap3A_171] {strides = array<i32>} : memref<128x256xf32, #tpu.memory_space<vmem>>, vector<1x16xf32>,
        %swap3A_173 = vector.shape_cast %swap3A_172 : vector<1x16xf32> to vector<16xf32>
        %swap3A_174 = vector.shape_cast %scan3A_155#1 : vector<16xf32> to vector<1x16xf32>
        tpu.vector_store %arg9[%swap3A_170, %swap3A_171], %swap3A_174 {add = true, strides = array<i32>} : memref<128x256xf32, #tpu.memory_space<vmem>>, vector<1x16xf32>,
        %get3A_175 = arith.index_cast %squeeze3A_129 : i32 to index
        %get3A_176 = arith.constant 16 : index
        %get3A_177 = tpu.vector_load %arg10[%get3A_175, %get3A_176] {strides = array<i32>} : memref<128x256xf32, #tpu.memory_space<vmem>>, vector<1x16xf32>,
        %get3A_178 = vector.shape_cast %get3A_177 : vector<1x16xf32> to vector<16xf32>
        %max3A_179 = arith.maximumf %get3A_178, %scan3A_155#17 : vector<16xf32>
        %swap3A_180 = arith.index_cast %squeeze3A_129 : i32 to index
        %swap3A_181 = arith.constant 16 : index
        %swap3A_182 = tpu.vector_load %arg10[%swap3A_180, %swap3A_181] {strides = array<i32>} : memref<128x256xf32, #tpu.memory_space<vmem>>, vector<1x16xf32>,
        %swap3A_183 = vector.shape_cast %swap3A_182 : vector<1x16xf32> to vector<16xf32>
        %swap3A_184 = vector.shape_cast %max3A_179 : vector<16xf32> to vector<1x16xf32>
        tpu.vector_store %arg10[%swap3A_180, %swap3A_181], %swap3A_184 {strides = array<i32>} : memref<128x256xf32, #tpu.memory_space<vmem>>, vector<1x16xf32>,
        %swap3A_185 = arith.index_cast %squeeze3A_129 : i32 to index
        %swap3A_186 = arith.constant 32 : index
        %swap3A_187 = tpu.vector_load %arg9[%swap3A_185, %swap3A_186] {strides = array<i32>} : memref<128x256xf32, #tpu.memory_space<vmem>>, vector<1x16xf32>,
        %swap3A_188 = vector.shape_cast %swap3A_187 : vector<1x16xf32> to vector<16xf32>
        %swap3A_189 = vector.shape_cast %scan3A_155#2 : vector<16xf32> to vector<1x16xf32>
        tpu.vector_store %arg9[%swap3A_185, %swap3A_186], %swap3A_189 {add = true, strides = array<i32>} : memref<128x256xf32, #tpu.memory_space<vmem>>, vector<1x16xf32>,
        %get3A_190 = arith.index_cast %squeeze3A_129 : i32 to index
        %get3A_191 = arith.constant 32 : index
        %get3A_192 = tpu.vector_load %arg10[%get3A_190, %get3A_191] {strides = array<i32>} : memref<128x256xf32, #tpu.memory_space<vmem>>, vector<1x16xf32>,
        %get3A_193 = vector.shape_cast %get3A_192 : vector<1x16xf32> to vector<16xf32>
        %max3A_194 = arith.maximumf %get3A_193, %scan3A_155#18 : vector<16xf32>
        %swap3A_195 = arith.index_cast %squeeze3A_129 : i32 to index
        %swap3A_196 = arith.constant 32 : index
        %swap3A_197 = tpu.vector_load %arg10[%swap3A_195, %swap3A_196] {strides = array<i32>} : memref<128x256xf32, #tpu.memory_space<vmem>>, vector<1x16xf32>,
        %swap3A_198 = vector.shape_cast %swap3A_197 : vector<1x16xf32> to vector<16xf32>
        %swap3A_199 = vector.shape_cast %max3A_194 : vector<16xf32> to vector<1x16xf32>
        tpu.vector_store %arg10[%swap3A_195, %swap3A_196], %swap3A_199 {strides = array<i32>} : memref<128x256xf32, #tpu.memory_space<vmem>>, vector<1x16xf32>,
        %swap3A_200 = arith.index_cast %squeeze3A_129 : i32 to index
        %swap3A_201 = arith.constant 48 : index
        %swap3A_202 = tpu.vector_load %arg9[%swap3A_200, %swap3A_201] {strides = array<i32>} : memref<128x256xf32, #tpu.memory_space<vmem>>, vector<1x16xf32>,
        %swap3A_203 = vector.shape_cast %swap3A_202 : vector<1x16xf32> to vector<16xf32>
        %swap3A_204 = vector.shape_cast %scan3A_155#3 : vector<16xf32> to vector<1x16xf32>
        tpu.vector_store %arg9[%swap3A_200, %swap3A_201], %swap3A_204 {add = true, strides = array<i32>} : memref<128x256xf32, #tpu.memory_space<vmem>>, vector<1x16xf32>,
        %get3A_205 = arith.index_cast %squeeze3A_129 : i32 to index
        %get3A_206 = arith.constant 48 : index
        %get3A_207 = tpu.vector_load %arg10[%get3A_205, %get3A_206] {strides = array<i32>} : memref<128x256xf32, #tpu.memory_space<vmem>>, vector<1x16xf32>,
        %get3A_208 = vector.shape_cast %get3A_207 : vector<1x16xf32> to vector<16xf32>
        %max3A_209 = arith.maximumf %get3A_208, %scan3A_155#19 : vector<16xf32>
        %swap3A_210 = arith.index_cast %squeeze3A_129 : i32 to index
        %swap3A_211 = arith.constant 48 : index
        %swap3A_212 = tpu.vector_load %arg10[%swap3A_210, %swap3A_211] {strides = array<i32>} : memref<128x256xf32, #tpu.memory_space<vmem>>, vector<1x16xf32>,
        %swap3A_213 = vector.shape_cast %swap3A_212 : vector<1x16xf32> to vector<16xf32>
        %swap3A_214 = vector.shape_cast %max3A_209 : vector<16xf32> to vector<1x16xf32>
        tpu.vector_store %arg10[%swap3A_210, %swap3A_211], %swap3A_214 {strides = array<i32>} : memref<128x256xf32, #tpu.memory_space<vmem>>, vector<1x16xf32>,
        %swap3A_215 = arith.index_cast %squeeze3A_129 : i32 to index
        %swap3A_216 = arith.constant 64 : index
        %swap3A_217 = tpu.vector_load %arg9[%swap3A_215, %swap3A_216] {strides = array<i32>} : memref<128x256xf32, #tpu.memory_space<vmem>>, vector<1x16xf32>,
        %swap3A_218 = vector.shape_cast %swap3A_217 : vector<1x16xf32> to vector<16xf32>
        %swap3A_219 = vector.shape_cast %scan3A_155#4 : vector<16xf32> to vector<1x16xf32>
        tpu.vector_store %arg9[%swap3A_215, %swap3A_216], %swap3A_219 {add = true, strides = array<i32>} : memref<128x256xf32, #tpu.memory_space<vmem>>, vector<1x16xf32>,
        %get3A_220 = arith.index_cast %squeeze3A_129 : i32 to index
        %get3A_221 = arith.constant 64 : index
        %get3A_222 = tpu.vector_load %arg10[%get3A_220, %get3A_221] {strides = array<i32>} : memref<128x256xf32, #tpu.memory_space<vmem>>, vector<1x16xf32>,
        %get3A_223 = vector.shape_cast %get3A_222 : vector<1x16xf32> to vector<16xf32>
        %max3A_224 = arith.maximumf %get3A_223, %scan3A_155#20 : vector<16xf32>
        %swap3A_225 = arith.index_cast %squeeze3A_129 : i32 to index
        %swap3A_226 = arith.constant 64 : index
        %swap3A_227 = tpu.vector_load %arg10[%swap3A_225, %swap3A_226] {strides = array<i32>} : memref<128x256xf32, #tpu.memory_space<vmem>>, vector<1x16xf32>,
        %swap3A_228 = vector.shape_cast %swap3A_227 : vector<1x16xf32> to vector<16xf32>
        %swap3A_229 = vector.shape_cast %max3A_224 : vector<16xf32> to vector<1x16xf32>
        tpu.vector_store %arg10[%swap3A_225, %swap3A_226], %swap3A_229 {strides = array<i32>} : memref<128x256xf32, #tpu.memory_space<vmem>>, vector<1x16xf32>,
        %swap3A_230 = arith.index_cast %squeeze3A_129 : i32 to index
        %swap3A_231 = arith.constant 80 : index
        %swap3A_232 = tpu.vector_load %arg9[%swap3A_230, %swap3A_231] {strides = array<i32>} : memref<128x256xf32, #tpu.memory_space<vmem>>, vector<1x16xf32>,
        %swap3A_233 = vector.shape_cast %swap3A_232 : vector<1x16xf32> to vector<16xf32>
        %swap3A_234 = vector.shape_cast %scan3A_155#5 : vector<16xf32> to vector<1x16xf32>
        tpu.vector_store %arg9[%swap3A_230, %swap3A_231], %swap3A_234 {add = true, strides = array<i32>} : memref<128x256xf32, #tpu.memory_space<vmem>>, vector<1x16xf32>,
        %get3A_235 = arith.index_cast %squeeze3A_129 : i32 to index
        %get3A_236 = arith.constant 80 : index
        %get3A_237 = tpu.vector_load %arg10[%get3A_235, %get3A_236] {strides = array<i32>} : memref<128x256xf32, #tpu.memory_space<vmem>>, vector<1x16xf32>,
        %get3A_238 = vector.shape_cast %get3A_237 : vector<1x16xf32> to vector<16xf32>
        %max3A_239 = arith.maximumf %get3A_238, %scan3A_155#21 : vector<16xf32>
        %swap3A_240 = arith.index_cast %squeeze3A_129 : i32 to index
        %swap3A_241 = arith.constant 80 : index
        %swap3A_242 = tpu.vector_load %arg10[%swap3A_240, %swap3A_241] {strides = array<i32>} : memref<128x256xf32, #tpu.memory_space<vmem>>, vector<1x16xf32>,
        %swap3A_243 = vector.shape_cast %swap3A_242 : vector<1x16xf32> to vector<16xf32>
        %swap3A_244 = vector.shape_cast %max3A_239 : vector<16xf32> to vector<1x16xf32>
        tpu.vector_store %arg10[%swap3A_240, %swap3A_241], %swap3A_244 {strides = array<i32>} : memref<128x256xf32, #tpu.memory_space<vmem>>, vector<1x16xf32>,
        %swap3A_245 = arith.index_cast %squeeze3A_129 : i32 to index
        %swap3A_246 = arith.constant 96 : index
        %swap3A_247 = tpu.vector_load %arg9[%swap3A_245, %swap3A_246] {strides = array<i32>} : memref<128x256xf32, #tpu.memory_space<vmem>>, vector<1x16xf32>,
        %swap3A_248 = vector.shape_cast %swap3A_247 : vector<1x16xf32> to vector<16xf32>
        %swap3A_249 = vector.shape_cast %scan3A_155#6 : vector<16xf32> to vector<1x16xf32>
        tpu.vector_store %arg9[%swap3A_245, %swap3A_246], %swap3A_249 {add = true, strides = array<i32>} : memref<128x256xf32, #tpu.memory_space<vmem>>, vector<1x16xf32>,
        %get3A_250 = arith.index_cast %squeeze3A_129 : i32 to index
        %get3A_251 = arith.constant 96 : index
        %get3A_252 = tpu.vector_load %arg10[%get3A_250, %get3A_251] {strides = array<i32>} : memref<128x256xf32, #tpu.memory_space<vmem>>, vector<1x16xf32>,
        %get3A_253 = vector.shape_cast %get3A_252 : vector<1x16xf32> to vector<16xf32>
        %max3A_254 = arith.maximumf %get3A_253, %scan3A_155#22 : vector<16xf32>
        %swap3A_255 = arith.index_cast %squeeze3A_129 : i32 to index
        %swap3A_256 = arith.constant 96 : index
        %swap3A_257 = tpu.vector_load %arg10[%swap3A_255, %swap3A_256] {strides = array<i32>} : memref<128x256xf32, #tpu.memory_space<vmem>>, vector<1x16xf32>,
        %swap3A_258 = vector.shape_cast %swap3A_257 : vector<1x16xf32> to vector<16xf32>
        %swap3A_259 = vector.shape_cast %max3A_254 : vector<16xf32> to vector<1x16xf32>
        tpu.vector_store %arg10[%swap3A_255, %swap3A_256], %swap3A_259 {strides = array<i32>} : memref<128x256xf32, #tpu.memory_space<vmem>>, vector<1x16xf32>,
        %swap3A_260 = arith.index_cast %squeeze3A_129 : i32 to index
        %swap3A_261 = arith.constant 112 : index
        %swap3A_262 = tpu.vector_load %arg9[%swap3A_260, %swap3A_261] {strides = array<i32>} : memref<128x256xf32, #tpu.memory_space<vmem>>, vector<1x16xf32>,
        %swap3A_263 = vector.shape_cast %swap3A_262 : vector<1x16xf32> to vector<16xf32>
        %swap3A_264 = vector.shape_cast %scan3A_155#7 : vector<16xf32> to vector<1x16xf32>
        tpu.vector_store %arg9[%swap3A_260, %swap3A_261], %swap3A_264 {add = true, strides = array<i32>} : memref<128x256xf32, #tpu.memory_space<vmem>>, vector<1x16xf32>,
        %get3A_265 = arith.index_cast %squeeze3A_129 : i32 to index
        %get3A_266 = arith.constant 112 : index
        %get3A_267 = tpu.vector_load %arg10[%get3A_265, %get3A_266] {strides = array<i32>} : memref<128x256xf32, #tpu.memory_space<vmem>>, vector<1x16xf32>,
        %get3A_268 = vector.shape_cast %get3A_267 : vector<1x16xf32> to vector<16xf32>
        %max3A_269 = arith.maximumf %get3A_268, %scan3A_155#23 : vector<16xf32>
        %swap3A_270 = arith.index_cast %squeeze3A_129 : i32 to index
        %swap3A_271 = arith.constant 112 : index
        %swap3A_272 = tpu.vector_load %arg10[%swap3A_270, %swap3A_271] {strides = array<i32>} : memref<128x256xf32, #tpu.memory_space<vmem>>, vector<1x16xf32>,
        %swap3A_273 = vector.shape_cast %swap3A_272 : vector<1x16xf32> to vector<16xf32>
        %swap3A_274 = vector.shape_cast %max3A_269 : vector<16xf32> to vector<1x16xf32>
        tpu.vector_store %arg10[%swap3A_270, %swap3A_271], %swap3A_274 {strides = array<i32>} : memref<128x256xf32, #tpu.memory_space<vmem>>, vector<1x16xf32>,
        %swap3A_275 = arith.index_cast %squeeze3A_129 : i32 to index
        %swap3A_276 = arith.constant 128 : index
        %swap3A_277 = tpu.vector_load %arg9[%swap3A_275, %swap3A_276] {strides = array<i32>} : memref<128x256xf32, #tpu.memory_space<vmem>>, vector<1x16xf32>,
        %swap3A_278 = vector.shape_cast %swap3A_277 : vector<1x16xf32> to vector<16xf32>
        %swap3A_279 = vector.shape_cast %scan3A_155#8 : vector<16xf32> to vector<1x16xf32>
        tpu.vector_store %arg9[%swap3A_275, %swap3A_276], %swap3A_279 {add = true, strides = array<i32>} : memref<128x256xf32, #tpu.memory_space<vmem>>, vector<1x16xf32>,
        %get3A_280 = arith.index_cast %squeeze3A_129 : i32 to index
        %get3A_281 = arith.constant 128 : index
        %get3A_282 = tpu.vector_load %arg10[%get3A_280, %get3A_281] {strides = array<i32>} : memref<128x256xf32, #tpu.memory_space<vmem>>, vector<1x16xf32>,
        %get3A_283 = vector.shape_cast %get3A_282 : vector<1x16xf32> to vector<16xf32>
        %max3A_284 = arith.maximumf %get3A_283, %scan3A_155#24 : vector<16xf32>
        %swap3A_285 = arith.index_cast %squeeze3A_129 : i32 to index
        %swap3A_286 = arith.constant 128 : index
        %swap3A_287 = tpu.vector_load %arg10[%swap3A_285, %swap3A_286] {strides = array<i32>} : memref<128x256xf32, #tpu.memory_space<vmem>>, vector<1x16xf32>,
        %swap3A_288 = vector.shape_cast %swap3A_287 : vector<1x16xf32> to vector<16xf32>
        %swap3A_289 = vector.shape_cast %max3A_284 : vector<16xf32> to vector<1x16xf32>
        tpu.vector_store %arg10[%swap3A_285, %swap3A_286], %swap3A_289 {strides = array<i32>} : memref<128x256xf32, #tpu.memory_space<vmem>>, vector<1x16xf32>,
        %swap3A_290 = arith.index_cast %squeeze3A_129 : i32 to index
        %swap3A_291 = arith.constant 144 : index
        %swap3A_292 = tpu.vector_load %arg9[%swap3A_290, %swap3A_291] {strides = array<i32>} : memref<128x256xf32, #tpu.memory_space<vmem>>, vector<1x16xf32>,
        %swap3A_293 = vector.shape_cast %swap3A_292 : vector<1x16xf32> to vector<16xf32>
        %swap3A_294 = vector.shape_cast %scan3A_155#9 : vector<16xf32> to vector<1x16xf32>
        tpu.vector_store %arg9[%swap3A_290, %swap3A_291], %swap3A_294 {add = true, strides = array<i32>} : memref<128x256xf32, #tpu.memory_space<vmem>>, vector<1x16xf32>,
        %get3A_295 = arith.index_cast %squeeze3A_129 : i32 to index
        %get3A_296 = arith.constant 144 : index
        %get3A_297 = tpu.vector_load %arg10[%get3A_295, %get3A_296] {strides = array<i32>} : memref<128x256xf32, #tpu.memory_space<vmem>>, vector<1x16xf32>,
        %get3A_298 = vector.shape_cast %get3A_297 : vector<1x16xf32> to vector<16xf32>
        %max3A_299 = arith.maximumf %get3A_298, %scan3A_155#25 : vector<16xf32>
        %swap3A_300 = arith.index_cast %squeeze3A_129 : i32 to index
        %swap3A_301 = arith.constant 144 : index
        %swap3A_302 = tpu.vector_load %arg10[%swap3A_300, %swap3A_301] {strides = array<i32>} : memref<128x256xf32, #tpu.memory_space<vmem>>, vector<1x16xf32>,
        %swap3A_303 = vector.shape_cast %swap3A_302 : vector<1x16xf32> to vector<16xf32>
        %swap3A_304 = vector.shape_cast %max3A_299 : vector<16xf32> to vector<1x16xf32>
        tpu.vector_store %arg10[%swap3A_300, %swap3A_301], %swap3A_304 {strides = array<i32>} : memref<128x256xf32, #tpu.memory_space<vmem>>, vector<1x16xf32>,
        %swap3A_305 = arith.index_cast %squeeze3A_129 : i32 to index
        %swap3A_306 = arith.constant 160 : index
        %swap3A_307 = tpu.vector_load %arg9[%swap3A_305, %swap3A_306] {strides = array<i32>} : memref<128x256xf32, #tpu.memory_space<vmem>>, vector<1x16xf32>,
        %swap3A_308 = vector.shape_cast %swap3A_307 : vector<1x16xf32> to vector<16xf32>
        %swap3A_309 = vector.shape_cast %scan3A_155#10 : vector<16xf32> to vector<1x16xf32>
        tpu.vector_store %arg9[%swap3A_305, %swap3A_306], %swap3A_309 {add = true, strides = array<i32>} : memref<128x256xf32, #tpu.memory_space<vmem>>, vector<1x16xf32>,
        %get3A_310 = arith.index_cast %squeeze3A_129 : i32 to index
        %get3A_311 = arith.constant 160 : index
        %get3A_312 = tpu.vector_load %arg10[%get3A_310, %get3A_311] {strides = array<i32>} : memref<128x256xf32, #tpu.memory_space<vmem>>, vector<1x16xf32>,
        %get3A_313 = vector.shape_cast %get3A_312 : vector<1x16xf32> to vector<16xf32>
        %max3A_314 = arith.maximumf %get3A_313, %scan3A_155#26 : vector<16xf32>
        %swap3A_315 = arith.index_cast %squeeze3A_129 : i32 to index
        %swap3A_316 = arith.constant 160 : index
        %swap3A_317 = tpu.vector_load %arg10[%swap3A_315, %swap3A_316] {strides = array<i32>} : memref<128x256xf32, #tpu.memory_space<vmem>>, vector<1x16xf32>,
        %swap3A_318 = vector.shape_cast %swap3A_317 : vector<1x16xf32> to vector<16xf32>
        %swap3A_319 = vector.shape_cast %max3A_314 : vector<16xf32> to vector<1x16xf32>
        tpu.vector_store %arg10[%swap3A_315, %swap3A_316], %swap3A_319 {strides = array<i32>} : memref<128x256xf32, #tpu.memory_space<vmem>>, vector<1x16xf32>,
        %swap3A_320 = arith.index_cast %squeeze3A_129 : i32 to index
        %swap3A_321 = arith.constant 176 : index
        %swap3A_322 = tpu.vector_load %arg9[%swap3A_320, %swap3A_321] {strides = array<i32>} : memref<128x256xf32, #tpu.memory_space<vmem>>, vector<1x16xf32>,
        %swap3A_323 = vector.shape_cast %swap3A_322 : vector<1x16xf32> to vector<16xf32>
        %swap3A_324 = vector.shape_cast %scan3A_155#11 : vector<16xf32> to vector<1x16xf32>
        tpu.vector_store %arg9[%swap3A_320, %swap3A_321], %swap3A_324 {add = true, strides = array<i32>} : memref<128x256xf32, #tpu.memory_space<vmem>>, vector<1x16xf32>,
        %get3A_325 = arith.index_cast %squeeze3A_129 : i32 to index
        %get3A_326 = arith.constant 176 : index
        %get3A_327 = tpu.vector_load %arg10[%get3A_325, %get3A_326] {strides = array<i32>} : memref<128x256xf32, #tpu.memory_space<vmem>>, vector<1x16xf32>,
        %get3A_328 = vector.shape_cast %get3A_327 : vector<1x16xf32> to vector<16xf32>
        %max3A_329 = arith.maximumf %get3A_328, %scan3A_155#27 : vector<16xf32>
        %swap3A_330 = arith.index_cast %squeeze3A_129 : i32 to index
        %swap3A_331 = arith.constant 176 : index
        %swap3A_332 = tpu.vector_load %arg10[%swap3A_330, %swap3A_331] {strides = array<i32>} : memref<128x256xf32, #tpu.memory_space<vmem>>, vector<1x16xf32>,
        %swap3A_333 = vector.shape_cast %swap3A_332 : vector<1x16xf32> to vector<16xf32>
        %swap3A_334 = vector.shape_cast %max3A_329 : vector<16xf32> to vector<1x16xf32>
        tpu.vector_store %arg10[%swap3A_330, %swap3A_331], %swap3A_334 {strides = array<i32>} : memref<128x256xf32, #tpu.memory_space<vmem>>, vector<1x16xf32>,
        %swap3A_335 = arith.index_cast %squeeze3A_129 : i32 to index
        %swap3A_336 = arith.constant 192 : index
        %swap3A_337 = tpu.vector_load %arg9[%swap3A_335, %swap3A_336] {strides = array<i32>} : memref<128x256xf32, #tpu.memory_space<vmem>>, vector<1x16xf32>,
        %swap3A_338 = vector.shape_cast %swap3A_337 : vector<1x16xf32> to vector<16xf32>
        %swap3A_339 = vector.shape_cast %scan3A_155#12 : vector<16xf32> to vector<1x16xf32>
        tpu.vector_store %arg9[%swap3A_335, %swap3A_336], %swap3A_339 {add = true, strides = array<i32>} : memref<128x256xf32, #tpu.memory_space<vmem>>, vector<1x16xf32>,
        %get3A_340 = arith.index_cast %squeeze3A_129 : i32 to index
        %get3A_341 = arith.constant 192 : index
        %get3A_342 = tpu.vector_load %arg10[%get3A_340, %get3A_341] {strides = array<i32>} : memref<128x256xf32, #tpu.memory_space<vmem>>, vector<1x16xf32>,
        %get3A_343 = vector.shape_cast %get3A_342 : vector<1x16xf32> to vector<16xf32>
        %max3A_344 = arith.maximumf %get3A_343, %scan3A_155#28 : vector<16xf32>
        %swap3A_345 = arith.index_cast %squeeze3A_129 : i32 to index
        %swap3A_346 = arith.constant 192 : index
        %swap3A_347 = tpu.vector_load %arg10[%swap3A_345, %swap3A_346] {strides = array<i32>} : memref<128x256xf32, #tpu.memory_space<vmem>>, vector<1x16xf32>,
        %swap3A_348 = vector.shape_cast %swap3A_347 : vector<1x16xf32> to vector<16xf32>
        %swap3A_349 = vector.shape_cast %max3A_344 : vector<16xf32> to vector<1x16xf32>
        tpu.vector_store %arg10[%swap3A_345, %swap3A_346], %swap3A_349 {strides = array<i32>} : memref<128x256xf32, #tpu.memory_space<vmem>>, vector<1x16xf32>,
        %swap3A_350 = arith.index_cast %squeeze3A_129 : i32 to index
        %swap3A_351 = arith.constant 208 : index
        %swap3A_352 = tpu.vector_load %arg9[%swap3A_350, %swap3A_351] {strides = array<i32>} : memref<128x256xf32, #tpu.memory_space<vmem>>, vector<1x16xf32>,
        %swap3A_353 = vector.shape_cast %swap3A_352 : vector<1x16xf32> to vector<16xf32>
        %swap3A_354 = vector.shape_cast %scan3A_155#13 : vector<16xf32> to vector<1x16xf32>
        tpu.vector_store %arg9[%swap3A_350, %swap3A_351], %swap3A_354 {add = true, strides = array<i32>} : memref<128x256xf32, #tpu.memory_space<vmem>>, vector<1x16xf32>,
        %get3A_355 = arith.index_cast %squeeze3A_129 : i32 to index
        %get3A_356 = arith.constant 208 : index
        %get3A_357 = tpu.vector_load %arg10[%get3A_355, %get3A_356] {strides = array<i32>} : memref<128x256xf32, #tpu.memory_space<vmem>>, vector<1x16xf32>,
        %get3A_358 = vector.shape_cast %get3A_357 : vector<1x16xf32> to vector<16xf32>
        %max3A_359 = arith.maximumf %get3A_358, %scan3A_155#29 : vector<16xf32>
        %swap3A_360 = arith.index_cast %squeeze3A_129 : i32 to index
        %swap3A_361 = arith.constant 208 : index
        %swap3A_362 = tpu.vector_load %arg10[%swap3A_360, %swap3A_361] {strides = array<i32>} : memref<128x256xf32, #tpu.memory_space<vmem>>, vector<1x16xf32>,
        %swap3A_363 = vector.shape_cast %swap3A_362 : vector<1x16xf32> to vector<16xf32>
        %swap3A_364 = vector.shape_cast %max3A_359 : vector<16xf32> to vector<1x16xf32>
        tpu.vector_store %arg10[%swap3A_360, %swap3A_361], %swap3A_364 {strides = array<i32>} : memref<128x256xf32, #tpu.memory_space<vmem>>, vector<1x16xf32>,
        %swap3A_365 = arith.index_cast %squeeze3A_129 : i32 to index
        %swap3A_366 = arith.constant 224 : index
        %swap3A_367 = tpu.vector_load %arg9[%swap3A_365, %swap3A_366] {strides = array<i32>} : memref<128x256xf32, #tpu.memory_space<vmem>>, vector<1x16xf32>,
        %swap3A_368 = vector.shape_cast %swap3A_367 : vector<1x16xf32> to vector<16xf32>
        %swap3A_369 = vector.shape_cast %scan3A_155#14 : vector<16xf32> to vector<1x16xf32>
        tpu.vector_store %arg9[%swap3A_365, %swap3A_366], %swap3A_369 {add = true, strides = array<i32>} : memref<128x256xf32, #tpu.memory_space<vmem>>, vector<1x16xf32>,
        %get3A_370 = arith.index_cast %squeeze3A_129 : i32 to index
        %get3A_371 = arith.constant 224 : index
        %get3A_372 = tpu.vector_load %arg10[%get3A_370, %get3A_371] {strides = array<i32>} : memref<128x256xf32, #tpu.memory_space<vmem>>, vector<1x16xf32>,
        %get3A_373 = vector.shape_cast %get3A_372 : vector<1x16xf32> to vector<16xf32>
        %max3A_374 = arith.maximumf %get3A_373, %scan3A_155#30 : vector<16xf32>
        %swap3A_375 = arith.index_cast %squeeze3A_129 : i32 to index
        %swap3A_376 = arith.constant 224 : index
        %swap3A_377 = tpu.vector_load %arg10[%swap3A_375, %swap3A_376] {strides = array<i32>} : memref<128x256xf32, #tpu.memory_space<vmem>>, vector<1x16xf32>,
        %swap3A_378 = vector.shape_cast %swap3A_377 : vector<1x16xf32> to vector<16xf32>
        %swap3A_379 = vector.shape_cast %max3A_374 : vector<16xf32> to vector<1x16xf32>
        tpu.vector_store %arg10[%swap3A_375, %swap3A_376], %swap3A_379 {strides = array<i32>} : memref<128x256xf32, #tpu.memory_space<vmem>>, vector<1x16xf32>,
        %swap3A_380 = arith.index_cast %squeeze3A_129 : i32 to index
        %swap3A_381 = arith.constant 240 : index
        %swap3A_382 = tpu.vector_load %arg9[%swap3A_380, %swap3A_381] {strides = array<i32>} : memref<128x256xf32, #tpu.memory_space<vmem>>, vector<1x16xf32>,
        %swap3A_383 = vector.shape_cast %swap3A_382 : vector<1x16xf32> to vector<16xf32>
        %swap3A_384 = vector.shape_cast %scan3A_155#15 : vector<16xf32> to vector<1x16xf32>
        tpu.vector_store %arg9[%swap3A_380, %swap3A_381], %swap3A_384 {add = true, strides = array<i32>} : memref<128x256xf32, #tpu.memory_space<vmem>>, vector<1x16xf32>,
        %get3A_385 = arith.index_cast %squeeze3A_129 : i32 to index
        %get3A_386 = arith.constant 240 : index
        %get3A_387 = tpu.vector_load %arg10[%get3A_385, %get3A_386] {strides = array<i32>} : memref<128x256xf32, #tpu.memory_space<vmem>>, vector<1x16xf32>,
        %get3A_388 = vector.shape_cast %get3A_387 : vector<1x16xf32> to vector<16xf32>
        %max3A_389 = arith.maximumf %get3A_388, %scan3A_155#31 : vector<16xf32>
        %swap3A_390 = arith.index_cast %squeeze3A_129 : i32 to index
        %swap3A_391 = arith.constant 240 : index
        %swap3A_392 = tpu.vector_load %arg10[%swap3A_390, %swap3A_391] {strides = array<i32>} : memref<128x256xf32, #tpu.memory_space<vmem>>, vector<1x16xf32>,
        %swap3A_393 = vector.shape_cast %swap3A_392 : vector<1x16xf32> to vector<16xf32>
        %swap3A_394 = vector.shape_cast %max3A_389 : vector<16xf32> to vector<1x16xf32>
        tpu.vector_store %arg10[%swap3A_390, %swap3A_391], %swap3A_394 {strides = array<i32>} : memref<128x256xf32, #tpu.memory_space<vmem>>, vector<1x16xf32>,
        %swap3A_395 = arith.index_cast %squeeze3A_129 : i32 to index
        %swap3A_396 = arith.constant 0 : index
        %swap3A_397 = tpu.vector_load %arg11[%swap3A_395, %swap3A_396] {strides = array<i32>} : memref<128x16xf32, #tpu.memory_space<vmem>>, vector<1x16xf32>,
        %swap3A_398 = vector.shape_cast %swap3A_397 : vector<1x16xf32> to vector<16xf32>
        %swap3A_399 = vector.shape_cast %broadcast_in_dim3A_11 : vector<16xf32> to vector<1x16xf32>
        tpu.vector_store %arg11[%swap3A_395, %swap3A_396], %swap3A_399 {add = true, strides = array<i32>} : memref<128x16xf32, #tpu.memory_space<vmem>>, vector<1x16xf32>,
        %cond3A_400 = arith.constant 0 : i32
        scf.yield %cond3A_400 : i32
      } else {
        %scan3A_151 = arith.constant 0 : i32
        %scan3A_152 = arith.constant 0 : i32
        %scan3A_153 = arith.constant 32 : i32
        %scan3A_154 = arith.addi %scan3A_152, %scan3A_153 : i32
        %scan3A_155 = arith.constant 1 : i32
        %scan3A_156 = scf.for %scan3A_159 = %scan3A_152 to %scan3A_154 step %scan3A_155 iter_args(%scan3A_160 = %scan3A_151) -> (i32)  : i32 {
          %add3A_161 = arith.addi %mul3A_124, %scan3A_159 : i32
          %get3A_162 = arith.index_cast %add3A_161 : i32 to index
          %get3A_163 = tpu.vector_load %arg8[%get3A_162] {strides = array<i32>} : memref<3152xi32, #tpu.memory_space<vmem>>, vector<16xi32>,
          %get3A_164 = vector.shape_cast %get3A_163 : vector<16xi32> to vector<16xi32>
          %slice3A_165 = vector.extract_strided_slice %get3A_164 {offsets = [0], sizes = [1], strides = [1]} : vector<16xi32> to vector<1xi32>
          %squeeze3A_166 = vector.extract %slice3A_165[0] : i32 from vector<1xi32>
          %get3A_167 = arith.index_cast %rem3A_122 : i32 to index
          %get3A_168 = arith.index_cast %scan3A_159 : i32 to index
          %get3A_169 = arith.constant 0 : index
          %get3A_170 = tpu.vector_load %arg7[%get3A_167, %get3A_168, %get3A_169] {strides = array<i32>} : memref<5x32x256xf32, #tpu.memory_space<vmem>>, vector<1x1x16xf32>,
          %get3A_171 = vector.shape_cast %get3A_170 : vector<1x1x16xf32> to vector<16xf32>
          %swap3A = arith.index_cast %squeeze3A_166 : i32 to index
          %swap3A_172 = arith.constant 0 : index
          %swap3A_173 = tpu.vector_load %arg9[%swap3A, %swap3A_172] {strides = array<i32>} : memref<128x256xf32, #tpu.memory_space<vmem>>, vector<1x16xf32>,
          %swap3A_174 = vector.shape_cast %swap3A_173 : vector<1x16xf32> to vector<16xf32>
          %swap3A_175 = vector.shape_cast %get3A_171 : vector<16xf32> to vector<1x16xf32>
          tpu.vector_store %arg9[%swap3A, %swap3A_172], %swap3A_175 {add = true, strides = array<i32>} : memref<128x256xf32, #tpu.memory_space<vmem>>, vector<1x16xf32>,
          %get3A_176 = arith.index_cast %squeeze3A_166 : i32 to index
          %get3A_177 = arith.constant 0 : index
          %get3A_178 = tpu.vector_load %arg10[%get3A_176, %get3A_177] {strides = array<i32>} : memref<128x256xf32, #tpu.memory_space<vmem>>, vector<1x16xf32>,
          %get3A_179 = vector.shape_cast %get3A_178 : vector<1x16xf32> to vector<16xf32>
          %max3A = arith.maximumf %get3A_179, %get3A_171 : vector<16xf32>
          %swap3A_180 = arith.index_cast %squeeze3A_166 : i32 to index
          %swap3A_181 = arith.constant 0 : index
          %swap3A_182 = tpu.vector_load %arg10[%swap3A_180, %swap3A_181] {strides = array<i32>} : memref<128x256xf32, #tpu.memory_space<vmem>>, vector<1x16xf32>,
          %swap3A_183 = vector.shape_cast %swap3A_182 : vector<1x16xf32> to vector<16xf32>
          %swap3A_184 = vector.shape_cast %max3A : vector<16xf32> to vector<1x16xf32>
          tpu.vector_store %arg10[%swap3A_180, %swap3A_181], %swap3A_184 {strides = array<i32>} : memref<128x256xf32, #tpu.memory_space<vmem>>, vector<1x16xf32>,
          %get3A_185 = arith.index_cast %rem3A_122 : i32 to index
          %get3A_186 = arith.index_cast %scan3A_159 : i32 to index
          %get3A_187 = arith.constant 16 : index
          %get3A_188 = tpu.vector_load %arg7[%get3A_185, %get3A_186, %get3A_187] {strides = array<i32>} : memref<5x32x256xf32, #tpu.memory_space<vmem>>, vector<1x1x16xf32>,
          %get3A_189 = vector.shape_cast %get3A_188 : vector<1x1x16xf32> to vector<16xf32>
          %swap3A_190 = arith.index_cast %squeeze3A_166 : i32 to index
          %swap3A_191 = arith.constant 16 : index
          %swap3A_192 = tpu.vector_load %arg9[%swap3A_190, %swap3A_191] {strides = array<i32>} : memref<128x256xf32, #tpu.memory_space<vmem>>, vector<1x16xf32>,
          %swap3A_193 = vector.shape_cast %swap3A_192 : vector<1x16xf32> to vector<16xf32>
          %swap3A_194 = vector.shape_cast %get3A_189 : vector<16xf32> to vector<1x16xf32>
          tpu.vector_store %arg9[%swap3A_190, %swap3A_191], %swap3A_194 {add = true, strides = array<i32>} : memref<128x256xf32, #tpu.memory_space<vmem>>, vector<1x16xf32>,
          %get3A_195 = arith.index_cast %squeeze3A_166 : i32 to index
          %get3A_196 = arith.constant 16 : index
          %get3A_197 = tpu.vector_load %arg10[%get3A_195, %get3A_196] {strides = array<i32>} : memref<128x256xf32, #tpu.memory_space<vmem>>, vector<1x16xf32>,
          %get3A_198 = vector.shape_cast %get3A_197 : vector<1x16xf32> to vector<16xf32>
          %max3A_199 = arith.maximumf %get3A_198, %get3A_189 : vector<16xf32>
          %swap3A_200 = arith.index_cast %squeeze3A_166 : i32 to index
          %swap3A_201 = arith.constant 16 : index
          %swap3A_202 = tpu.vector_load %arg10[%swap3A_200, %swap3A_201] {strides = array<i32>} : memref<128x256xf32, #tpu.memory_space<vmem>>, vector<1x16xf32>,
          %swap3A_203 = vector.shape_cast %swap3A_202 : vector<1x16xf32> to vector<16xf32>
          %swap3A_204 = vector.shape_cast %max3A_199 : vector<16xf32> to vector<1x16xf32>
          tpu.vector_store %arg10[%swap3A_200, %swap3A_201], %swap3A_204 {strides = array<i32>} : memref<128x256xf32, #tpu.memory_space<vmem>>, vector<1x16xf32>,
          %get3A_205 = arith.index_cast %rem3A_122 : i32 to index
          %get3A_206 = arith.index_cast %scan3A_159 : i32 to index
          %get3A_207 = arith.constant 32 : index
          %get3A_208 = tpu.vector_load %arg7[%get3A_205, %get3A_206, %get3A_207] {strides = array<i32>} : memref<5x32x256xf32, #tpu.memory_space<vmem>>, vector<1x1x16xf32>,
          %get3A_209 = vector.shape_cast %get3A_208 : vector<1x1x16xf32> to vector<16xf32>
          %swap3A_210 = arith.index_cast %squeeze3A_166 : i32 to index
          %swap3A_211 = arith.constant 32 : index
          %swap3A_212 = tpu.vector_load %arg9[%swap3A_210, %swap3A_211] {strides = array<i32>} : memref<128x256xf32, #tpu.memory_space<vmem>>, vector<1x16xf32>,
          %swap3A_213 = vector.shape_cast %swap3A_212 : vector<1x16xf32> to vector<16xf32>
          %swap3A_214 = vector.shape_cast %get3A_209 : vector<16xf32> to vector<1x16xf32>
          tpu.vector_store %arg9[%swap3A_210, %swap3A_211], %swap3A_214 {add = true, strides = array<i32>} : memref<128x256xf32, #tpu.memory_space<vmem>>, vector<1x16xf32>,
          %get3A_215 = arith.index_cast %squeeze3A_166 : i32 to index
          %get3A_216 = arith.constant 32 : index
          %get3A_217 = tpu.vector_load %arg10[%get3A_215, %get3A_216] {strides = array<i32>} : memref<128x256xf32, #tpu.memory_space<vmem>>, vector<1x16xf32>,
          %get3A_218 = vector.shape_cast %get3A_217 : vector<1x16xf32> to vector<16xf32>
          %max3A_219 = arith.maximumf %get3A_218, %get3A_209 : vector<16xf32>
          %swap3A_220 = arith.index_cast %squeeze3A_166 : i32 to index
          %swap3A_221 = arith.constant 32 : index
          %swap3A_222 = tpu.vector_load %arg10[%swap3A_220, %swap3A_221] {strides = array<i32>} : memref<128x256xf32, #tpu.memory_space<vmem>>, vector<1x16xf32>,
          %swap3A_223 = vector.shape_cast %swap3A_222 : vector<1x16xf32> to vector<16xf32>
          %swap3A_224 = vector.shape_cast %max3A_219 : vector<16xf32> to vector<1x16xf32>
          tpu.vector_store %arg10[%swap3A_220, %swap3A_221], %swap3A_224 {strides = array<i32>} : memref<128x256xf32, #tpu.memory_space<vmem>>, vector<1x16xf32>,
          %get3A_225 = arith.index_cast %rem3A_122 : i32 to index
          %get3A_226 = arith.index_cast %scan3A_159 : i32 to index
          %get3A_227 = arith.constant 48 : index
          %get3A_228 = tpu.vector_load %arg7[%get3A_225, %get3A_226, %get3A_227] {strides = array<i32>} : memref<5x32x256xf32, #tpu.memory_space<vmem>>, vector<1x1x16xf32>,
          %get3A_229 = vector.shape_cast %get3A_228 : vector<1x1x16xf32> to vector<16xf32>
          %swap3A_230 = arith.index_cast %squeeze3A_166 : i32 to index
          %swap3A_231 = arith.constant 48 : index
          %swap3A_232 = tpu.vector_load %arg9[%swap3A_230, %swap3A_231] {strides = array<i32>} : memref<128x256xf32, #tpu.memory_space<vmem>>, vector<1x16xf32>,
          %swap3A_233 = vector.shape_cast %swap3A_232 : vector<1x16xf32> to vector<16xf32>
          %swap3A_234 = vector.shape_cast %get3A_229 : vector<16xf32> to vector<1x16xf32>
          tpu.vector_store %arg9[%swap3A_230, %swap3A_231], %swap3A_234 {add = true, strides = array<i32>} : memref<128x256xf32, #tpu.memory_space<vmem>>, vector<1x16xf32>,
          %get3A_235 = arith.index_cast %squeeze3A_166 : i32 to index
          %get3A_236 = arith.constant 48 : index
          %get3A_237 = tpu.vector_load %arg10[%get3A_235, %get3A_236] {strides = array<i32>} : memref<128x256xf32, #tpu.memory_space<vmem>>, vector<1x16xf32>,
          %get3A_238 = vector.shape_cast %get3A_237 : vector<1x16xf32> to vector<16xf32>
          %max3A_239 = arith.maximumf %get3A_238, %get3A_229 : vector<16xf32>
          %swap3A_240 = arith.index_cast %squeeze3A_166 : i32 to index
          %swap3A_241 = arith.constant 48 : index
          %swap3A_242 = tpu.vector_load %arg10[%swap3A_240, %swap3A_241] {strides = array<i32>} : memref<128x256xf32, #tpu.memory_space<vmem>>, vector<1x16xf32>,
          %swap3A_243 = vector.shape_cast %swap3A_242 : vector<1x16xf32> to vector<16xf32>
          %swap3A_244 = vector.shape_cast %max3A_239 : vector<16xf32> to vector<1x16xf32>
          tpu.vector_store %arg10[%swap3A_240, %swap3A_241], %swap3A_244 {strides = array<i32>} : memref<128x256xf32, #tpu.memory_space<vmem>>, vector<1x16xf32>,
          %get3A_245 = arith.index_cast %rem3A_122 : i32 to index
          %get3A_246 = arith.index_cast %scan3A_159 : i32 to index
          %get3A_247 = arith.constant 64 : index
          %get3A_248 = tpu.vector_load %arg7[%get3A_245, %get3A_246, %get3A_247] {strides = array<i32>} : memref<5x32x256xf32, #tpu.memory_space<vmem>>, vector<1x1x16xf32>,
          %get3A_249 = vector.shape_cast %get3A_248 : vector<1x1x16xf32> to vector<16xf32>
          %swap3A_250 = arith.index_cast %squeeze3A_166 : i32 to index
          %swap3A_251 = arith.constant 64 : index
          %swap3A_252 = tpu.vector_load %arg9[%swap3A_250, %swap3A_251] {strides = array<i32>} : memref<128x256xf32, #tpu.memory_space<vmem>>, vector<1x16xf32>,
          %swap3A_253 = vector.shape_cast %swap3A_252 : vector<1x16xf32> to vector<16xf32>
          %swap3A_254 = vector.shape_cast %get3A_249 : vector<16xf32> to vector<1x16xf32>
          tpu.vector_store %arg9[%swap3A_250, %swap3A_251], %swap3A_254 {add = true, strides = array<i32>} : memref<128x256xf32, #tpu.memory_space<vmem>>, vector<1x16xf32>,
          %get3A_255 = arith.index_cast %squeeze3A_166 : i32 to index
          %get3A_256 = arith.constant 64 : index
          %get3A_257 = tpu.vector_load %arg10[%get3A_255, %get3A_256] {strides = array<i32>} : memref<128x256xf32, #tpu.memory_space<vmem>>, vector<1x16xf32>,
          %get3A_258 = vector.shape_cast %get3A_257 : vector<1x16xf32> to vector<16xf32>
          %max3A_259 = arith.maximumf %get3A_258, %get3A_249 : vector<16xf32>
          %swap3A_260 = arith.index_cast %squeeze3A_166 : i32 to index
          %swap3A_261 = arith.constant 64 : index
          %swap3A_262 = tpu.vector_load %arg10[%swap3A_260, %swap3A_261] {strides = array<i32>} : memref<128x256xf32, #tpu.memory_space<vmem>>, vector<1x16xf32>,
          %swap3A_263 = vector.shape_cast %swap3A_262 : vector<1x16xf32> to vector<16xf32>
          %swap3A_264 = vector.shape_cast %max3A_259 : vector<16xf32> to vector<1x16xf32>
          tpu.vector_store %arg10[%swap3A_260, %swap3A_261], %swap3A_264 {strides = array<i32>} : memref<128x256xf32, #tpu.memory_space<vmem>>, vector<1x16xf32>,
          %get3A_265 = arith.index_cast %rem3A_122 : i32 to index
          %get3A_266 = arith.index_cast %scan3A_159 : i32 to index
          %get3A_267 = arith.constant 80 : index
          %get3A_268 = tpu.vector_load %arg7[%get3A_265, %get3A_266, %get3A_267] {strides = array<i32>} : memref<5x32x256xf32, #tpu.memory_space<vmem>>, vector<1x1x16xf32>,
          %get3A_269 = vector.shape_cast %get3A_268 : vector<1x1x16xf32> to vector<16xf32>
          %swap3A_270 = arith.index_cast %squeeze3A_166 : i32 to index
          %swap3A_271 = arith.constant 80 : index
          %swap3A_272 = tpu.vector_load %arg9[%swap3A_270, %swap3A_271] {strides = array<i32>} : memref<128x256xf32, #tpu.memory_space<vmem>>, vector<1x16xf32>,
          %swap3A_273 = vector.shape_cast %swap3A_272 : vector<1x16xf32> to vector<16xf32>
          %swap3A_274 = vector.shape_cast %get3A_269 : vector<16xf32> to vector<1x16xf32>
          tpu.vector_store %arg9[%swap3A_270, %swap3A_271], %swap3A_274 {add = true, strides = array<i32>} : memref<128x256xf32, #tpu.memory_space<vmem>>, vector<1x16xf32>,
          %get3A_275 = arith.index_cast %squeeze3A_166 : i32 to index
          %get3A_276 = arith.constant 80 : index
          %get3A_277 = tpu.vector_load %arg10[%get3A_275, %get3A_276] {strides = array<i32>} : memref<128x256xf32, #tpu.memory_space<vmem>>, vector<1x16xf32>,
          %get3A_278 = vector.shape_cast %get3A_277 : vector<1x16xf32> to vector<16xf32>
          %max3A_279 = arith.maximumf %get3A_278, %get3A_269 : vector<16xf32>
          %swap3A_280 = arith.index_cast %squeeze3A_166 : i32 to index
          %swap3A_281 = arith.constant 80 : index
          %swap3A_282 = tpu.vector_load %arg10[%swap3A_280, %swap3A_281] {strides = array<i32>} : memref<128x256xf32, #tpu.memory_space<vmem>>, vector<1x16xf32>,
          %swap3A_283 = vector.shape_cast %swap3A_282 : vector<1x16xf32> to vector<16xf32>
          %swap3A_284 = vector.shape_cast %max3A_279 : vector<16xf32> to vector<1x16xf32>
          tpu.vector_store %arg10[%swap3A_280, %swap3A_281], %swap3A_284 {strides = array<i32>} : memref<128x256xf32, #tpu.memory_space<vmem>>, vector<1x16xf32>,
          %get3A_285 = arith.index_cast %rem3A_122 : i32 to index
          %get3A_286 = arith.index_cast %scan3A_159 : i32 to index
          %get3A_287 = arith.constant 96 : index
          %get3A_288 = tpu.vector_load %arg7[%get3A_285, %get3A_286, %get3A_287] {strides = array<i32>} : memref<5x32x256xf32, #tpu.memory_space<vmem>>, vector<1x1x16xf32>,
          %get3A_289 = vector.shape_cast %get3A_288 : vector<1x1x16xf32> to vector<16xf32>
          %swap3A_290 = arith.index_cast %squeeze3A_166 : i32 to index
          %swap3A_291 = arith.constant 96 : index
          %swap3A_292 = tpu.vector_load %arg9[%swap3A_290, %swap3A_291] {strides = array<i32>} : memref<128x256xf32, #tpu.memory_space<vmem>>, vector<1x16xf32>,
          %swap3A_293 = vector.shape_cast %swap3A_292 : vector<1x16xf32> to vector<16xf32>
          %swap3A_294 = vector.shape_cast %get3A_289 : vector<16xf32> to vector<1x16xf32>
          tpu.vector_store %arg9[%swap3A_290, %swap3A_291], %swap3A_294 {add = true, strides = array<i32>} : memref<128x256xf32, #tpu.memory_space<vmem>>, vector<1x16xf32>,
          %get3A_295 = arith.index_cast %squeeze3A_166 : i32 to index
          %get3A_296 = arith.constant 96 : index
          %get3A_297 = tpu.vector_load %arg10[%get3A_295, %get3A_296] {strides = array<i32>} : memref<128x256xf32, #tpu.memory_space<vmem>>, vector<1x16xf32>,
          %get3A_298 = vector.shape_cast %get3A_297 : vector<1x16xf32> to vector<16xf32>
          %max3A_299 = arith.maximumf %get3A_298, %get3A_289 : vector<16xf32>
          %swap3A_300 = arith.index_cast %squeeze3A_166 : i32 to index
          %swap3A_301 = arith.constant 96 : index
          %swap3A_302 = tpu.vector_load %arg10[%swap3A_300, %swap3A_301] {strides = array<i32>} : memref<128x256xf32, #tpu.memory_space<vmem>>, vector<1x16xf32>,
          %swap3A_303 = vector.shape_cast %swap3A_302 : vector<1x16xf32> to vector<16xf32>
          %swap3A_304 = vector.shape_cast %max3A_299 : vector<16xf32> to vector<1x16xf32>
          tpu.vector_store %arg10[%swap3A_300, %swap3A_301], %swap3A_304 {strides = array<i32>} : memref<128x256xf32, #tpu.memory_space<vmem>>, vector<1x16xf32>,
          %get3A_305 = arith.index_cast %rem3A_122 : i32 to index
          %get3A_306 = arith.index_cast %scan3A_159 : i32 to index
          %get3A_307 = arith.constant 112 : index
          %get3A_308 = tpu.vector_load %arg7[%get3A_305, %get3A_306, %get3A_307] {strides = array<i32>} : memref<5x32x256xf32, #tpu.memory_space<vmem>>, vector<1x1x16xf32>,
          %get3A_309 = vector.shape_cast %get3A_308 : vector<1x1x16xf32> to vector<16xf32>
          %swap3A_310 = arith.index_cast %squeeze3A_166 : i32 to index
          %swap3A_311 = arith.constant 112 : index
          %swap3A_312 = tpu.vector_load %arg9[%swap3A_310, %swap3A_311] {strides = array<i32>} : memref<128x256xf32, #tpu.memory_space<vmem>>, vector<1x16xf32>,
          %swap3A_313 = vector.shape_cast %swap3A_312 : vector<1x16xf32> to vector<16xf32>
          %swap3A_314 = vector.shape_cast %get3A_309 : vector<16xf32> to vector<1x16xf32>
          tpu.vector_store %arg9[%swap3A_310, %swap3A_311], %swap3A_314 {add = true, strides = array<i32>} : memref<128x256xf32, #tpu.memory_space<vmem>>, vector<1x16xf32>,
          %get3A_315 = arith.index_cast %squeeze3A_166 : i32 to index
          %get3A_316 = arith.constant 112 : index
          %get3A_317 = tpu.vector_load %arg10[%get3A_315, %get3A_316] {strides = array<i32>} : memref<128x256xf32, #tpu.memory_space<vmem>>, vector<1x16xf32>,
          %get3A_318 = vector.shape_cast %get3A_317 : vector<1x16xf32> to vector<16xf32>
          %max3A_319 = arith.maximumf %get3A_318, %get3A_309 : vector<16xf32>
          %swap3A_320 = arith.index_cast %squeeze3A_166 : i32 to index
          %swap3A_321 = arith.constant 112 : index
          %swap3A_322 = tpu.vector_load %arg10[%swap3A_320, %swap3A_321] {strides = array<i32>} : memref<128x256xf32, #tpu.memory_space<vmem>>, vector<1x16xf32>,
          %swap3A_323 = vector.shape_cast %swap3A_322 : vector<1x16xf32> to vector<16xf32>
          %swap3A_324 = vector.shape_cast %max3A_319 : vector<16xf32> to vector<1x16xf32>
          tpu.vector_store %arg10[%swap3A_320, %swap3A_321], %swap3A_324 {strides = array<i32>} : memref<128x256xf32, #tpu.memory_space<vmem>>, vector<1x16xf32>,
          %get3A_325 = arith.index_cast %rem3A_122 : i32 to index
          %get3A_326 = arith.index_cast %scan3A_159 : i32 to index
          %get3A_327 = arith.constant 128 : index
          %get3A_328 = tpu.vector_load %arg7[%get3A_325, %get3A_326, %get3A_327] {strides = array<i32>} : memref<5x32x256xf32, #tpu.memory_space<vmem>>, vector<1x1x16xf32>,
          %get3A_329 = vector.shape_cast %get3A_328 : vector<1x1x16xf32> to vector<16xf32>
          %swap3A_330 = arith.index_cast %squeeze3A_166 : i32 to index
          %swap3A_331 = arith.constant 128 : index
          %swap3A_332 = tpu.vector_load %arg9[%swap3A_330, %swap3A_331] {strides = array<i32>} : memref<128x256xf32, #tpu.memory_space<vmem>>, vector<1x16xf32>,
          %swap3A_333 = vector.shape_cast %swap3A_332 : vector<1x16xf32> to vector<16xf32>
          %swap3A_334 = vector.shape_cast %get3A_329 : vector<16xf32> to vector<1x16xf32>
          tpu.vector_store %arg9[%swap3A_330, %swap3A_331], %swap3A_334 {add = true, strides = array<i32>} : memref<128x256xf32, #tpu.memory_space<vmem>>, vector<1x16xf32>,
          %get3A_335 = arith.index_cast %squeeze3A_166 : i32 to index
          %get3A_336 = arith.constant 128 : index
          %get3A_337 = tpu.vector_load %arg10[%get3A_335, %get3A_336] {strides = array<i32>} : memref<128x256xf32, #tpu.memory_space<vmem>>, vector<1x16xf32>,
          %get3A_338 = vector.shape_cast %get3A_337 : vector<1x16xf32> to vector<16xf32>
          %max3A_339 = arith.maximumf %get3A_338, %get3A_329 : vector<16xf32>
          %swap3A_340 = arith.index_cast %squeeze3A_166 : i32 to index
          %swap3A_341 = arith.constant 128 : index
          %swap3A_342 = tpu.vector_load %arg10[%swap3A_340, %swap3A_341] {strides = array<i32>} : memref<128x256xf32, #tpu.memory_space<vmem>>, vector<1x16xf32>,
          %swap3A_343 = vector.shape_cast %swap3A_342 : vector<1x16xf32> to vector<16xf32>
          %swap3A_344 = vector.shape_cast %max3A_339 : vector<16xf32> to vector<1x16xf32>
          tpu.vector_store %arg10[%swap3A_340, %swap3A_341], %swap3A_344 {strides = array<i32>} : memref<128x256xf32, #tpu.memory_space<vmem>>, vector<1x16xf32>,
          %get3A_345 = arith.index_cast %rem3A_122 : i32 to index
          %get3A_346 = arith.index_cast %scan3A_159 : i32 to index
          %get3A_347 = arith.constant 144 : index
          %get3A_348 = tpu.vector_load %arg7[%get3A_345, %get3A_346, %get3A_347] {strides = array<i32>} : memref<5x32x256xf32, #tpu.memory_space<vmem>>, vector<1x1x16xf32>,
          %get3A_349 = vector.shape_cast %get3A_348 : vector<1x1x16xf32> to vector<16xf32>
          %swap3A_350 = arith.index_cast %squeeze3A_166 : i32 to index
          %swap3A_351 = arith.constant 144 : index
          %swap3A_352 = tpu.vector_load %arg9[%swap3A_350, %swap3A_351] {strides = array<i32>} : memref<128x256xf32, #tpu.memory_space<vmem>>, vector<1x16xf32>,
          %swap3A_353 = vector.shape_cast %swap3A_352 : vector<1x16xf32> to vector<16xf32>
          %swap3A_354 = vector.shape_cast %get3A_349 : vector<16xf32> to vector<1x16xf32>
          tpu.vector_store %arg9[%swap3A_350, %swap3A_351], %swap3A_354 {add = true, strides = array<i32>} : memref<128x256xf32, #tpu.memory_space<vmem>>, vector<1x16xf32>,
          %get3A_355 = arith.index_cast %squeeze3A_166 : i32 to index
          %get3A_356 = arith.constant 144 : index
          %get3A_357 = tpu.vector_load %arg10[%get3A_355, %get3A_356] {strides = array<i32>} : memref<128x256xf32, #tpu.memory_space<vmem>>, vector<1x16xf32>,
          %get3A_358 = vector.shape_cast %get3A_357 : vector<1x16xf32> to vector<16xf32>
          %max3A_359 = arith.maximumf %get3A_358, %get3A_349 : vector<16xf32>
          %swap3A_360 = arith.index_cast %squeeze3A_166 : i32 to index
          %swap3A_361 = arith.constant 144 : index
          %swap3A_362 = tpu.vector_load %arg10[%swap3A_360, %swap3A_361] {strides = array<i32>} : memref<128x256xf32, #tpu.memory_space<vmem>>, vector<1x16xf32>,
          %swap3A_363 = vector.shape_cast %swap3A_362 : vector<1x16xf32> to vector<16xf32>
          %swap3A_364 = vector.shape_cast %max3A_359 : vector<16xf32> to vector<1x16xf32>
          tpu.vector_store %arg10[%swap3A_360, %swap3A_361], %swap3A_364 {strides = array<i32>} : memref<128x256xf32, #tpu.memory_space<vmem>>, vector<1x16xf32>,
          %get3A_365 = arith.index_cast %rem3A_122 : i32 to index
          %get3A_366 = arith.index_cast %scan3A_159 : i32 to index
          %get3A_367 = arith.constant 160 : index
          %get3A_368 = tpu.vector_load %arg7[%get3A_365, %get3A_366, %get3A_367] {strides = array<i32>} : memref<5x32x256xf32, #tpu.memory_space<vmem>>, vector<1x1x16xf32>,
          %get3A_369 = vector.shape_cast %get3A_368 : vector<1x1x16xf32> to vector<16xf32>
          %swap3A_370 = arith.index_cast %squeeze3A_166 : i32 to index
          %swap3A_371 = arith.constant 160 : index
          %swap3A_372 = tpu.vector_load %arg9[%swap3A_370, %swap3A_371] {strides = array<i32>} : memref<128x256xf32, #tpu.memory_space<vmem>>, vector<1x16xf32>,
          %swap3A_373 = vector.shape_cast %swap3A_372 : vector<1x16xf32> to vector<16xf32>
          %swap3A_374 = vector.shape_cast %get3A_369 : vector<16xf32> to vector<1x16xf32>
          tpu.vector_store %arg9[%swap3A_370, %swap3A_371], %swap3A_374 {add = true, strides = array<i32>} : memref<128x256xf32, #tpu.memory_space<vmem>>, vector<1x16xf32>,
          %get3A_375 = arith.index_cast %squeeze3A_166 : i32 to index
          %get3A_376 = arith.constant 160 : index
          %get3A_377 = tpu.vector_load %arg10[%get3A_375, %get3A_376] {strides = array<i32>} : memref<128x256xf32, #tpu.memory_space<vmem>>, vector<1x16xf32>,
          %get3A_378 = vector.shape_cast %get3A_377 : vector<1x16xf32> to vector<16xf32>
          %max3A_379 = arith.maximumf %get3A_378, %get3A_369 : vector<16xf32>
          %swap3A_380 = arith.index_cast %squeeze3A_166 : i32 to index
          %swap3A_381 = arith.constant 160 : index
          %swap3A_382 = tpu.vector_load %arg10[%swap3A_380, %swap3A_381] {strides = array<i32>} : memref<128x256xf32, #tpu.memory_space<vmem>>, vector<1x16xf32>,
          %swap3A_383 = vector.shape_cast %swap3A_382 : vector<1x16xf32> to vector<16xf32>
          %swap3A_384 = vector.shape_cast %max3A_379 : vector<16xf32> to vector<1x16xf32>
          tpu.vector_store %arg10[%swap3A_380, %swap3A_381], %swap3A_384 {strides = array<i32>} : memref<128x256xf32, #tpu.memory_space<vmem>>, vector<1x16xf32>,
          %get3A_385 = arith.index_cast %rem3A_122 : i32 to index
          %get3A_386 = arith.index_cast %scan3A_159 : i32 to index
          %get3A_387 = arith.constant 176 : index
          %get3A_388 = tpu.vector_load %arg7[%get3A_385, %get3A_386, %get3A_387] {strides = array<i32>} : memref<5x32x256xf32, #tpu.memory_space<vmem>>, vector<1x1x16xf32>,
          %get3A_389 = vector.shape_cast %get3A_388 : vector<1x1x16xf32> to vector<16xf32>
          %swap3A_390 = arith.index_cast %squeeze3A_166 : i32 to index
          %swap3A_391 = arith.constant 176 : index
          %swap3A_392 = tpu.vector_load %arg9[%swap3A_390, %swap3A_391] {strides = array<i32>} : memref<128x256xf32, #tpu.memory_space<vmem>>, vector<1x16xf32>,
          %swap3A_393 = vector.shape_cast %swap3A_392 : vector<1x16xf32> to vector<16xf32>
          %swap3A_394 = vector.shape_cast %get3A_389 : vector<16xf32> to vector<1x16xf32>
          tpu.vector_store %arg9[%swap3A_390, %swap3A_391], %swap3A_394 {add = true, strides = array<i32>} : memref<128x256xf32, #tpu.memory_space<vmem>>, vector<1x16xf32>,
          %get3A_395 = arith.index_cast %squeeze3A_166 : i32 to index
          %get3A_396 = arith.constant 176 : index
          %get3A_397 = tpu.vector_load %arg10[%get3A_395, %get3A_396] {strides = array<i32>} : memref<128x256xf32, #tpu.memory_space<vmem>>, vector<1x16xf32>,
          %get3A_398 = vector.shape_cast %get3A_397 : vector<1x16xf32> to vector<16xf32>
          %max3A_399 = arith.maximumf %get3A_398, %get3A_389 : vector<16xf32>
          %swap3A_400 = arith.index_cast %squeeze3A_166 : i32 to index
          %swap3A_401 = arith.constant 176 : index
          %swap3A_402 = tpu.vector_load %arg10[%swap3A_400, %swap3A_401] {strides = array<i32>} : memref<128x256xf32, #tpu.memory_space<vmem>>, vector<1x16xf32>,
          %swap3A_403 = vector.shape_cast %swap3A_402 : vector<1x16xf32> to vector<16xf32>
          %swap3A_404 = vector.shape_cast %max3A_399 : vector<16xf32> to vector<1x16xf32>
          tpu.vector_store %arg10[%swap3A_400, %swap3A_401], %swap3A_404 {strides = array<i32>} : memref<128x256xf32, #tpu.memory_space<vmem>>, vector<1x16xf32>,
          %get3A_405 = arith.index_cast %rem3A_122 : i32 to index
          %get3A_406 = arith.index_cast %scan3A_159 : i32 to index
          %get3A_407 = arith.constant 192 : index
          %get3A_408 = tpu.vector_load %arg7[%get3A_405, %get3A_406, %get3A_407] {strides = array<i32>} : memref<5x32x256xf32, #tpu.memory_space<vmem>>, vector<1x1x16xf32>,
          %get3A_409 = vector.shape_cast %get3A_408 : vector<1x1x16xf32> to vector<16xf32>
          %swap3A_410 = arith.index_cast %squeeze3A_166 : i32 to index
          %swap3A_411 = arith.constant 192 : index
          %swap3A_412 = tpu.vector_load %arg9[%swap3A_410, %swap3A_411] {strides = array<i32>} : memref<128x256xf32, #tpu.memory_space<vmem>>, vector<1x16xf32>,
          %swap3A_413 = vector.shape_cast %swap3A_412 : vector<1x16xf32> to vector<16xf32>
          %swap3A_414 = vector.shape_cast %get3A_409 : vector<16xf32> to vector<1x16xf32>
          tpu.vector_store %arg9[%swap3A_410, %swap3A_411], %swap3A_414 {add = true, strides = array<i32>} : memref<128x256xf32, #tpu.memory_space<vmem>>, vector<1x16xf32>,
          %get3A_415 = arith.index_cast %squeeze3A_166 : i32 to index
          %get3A_416 = arith.constant 192 : index
          %get3A_417 = tpu.vector_load %arg10[%get3A_415, %get3A_416] {strides = array<i32>} : memref<128x256xf32, #tpu.memory_space<vmem>>, vector<1x16xf32>,
          %get3A_418 = vector.shape_cast %get3A_417 : vector<1x16xf32> to vector<16xf32>
          %max3A_419 = arith.maximumf %get3A_418, %get3A_409 : vector<16xf32>
          %swap3A_420 = arith.index_cast %squeeze3A_166 : i32 to index
          %swap3A_421 = arith.constant 192 : index
          %swap3A_422 = tpu.vector_load %arg10[%swap3A_420, %swap3A_421] {strides = array<i32>} : memref<128x256xf32, #tpu.memory_space<vmem>>, vector<1x16xf32>,
          %swap3A_423 = vector.shape_cast %swap3A_422 : vector<1x16xf32> to vector<16xf32>
          %swap3A_424 = vector.shape_cast %max3A_419 : vector<16xf32> to vector<1x16xf32>
          tpu.vector_store %arg10[%swap3A_420, %swap3A_421], %swap3A_424 {strides = array<i32>} : memref<128x256xf32, #tpu.memory_space<vmem>>, vector<1x16xf32>,
          %get3A_425 = arith.index_cast %rem3A_122 : i32 to index
          %get3A_426 = arith.index_cast %scan3A_159 : i32 to index
          %get3A_427 = arith.constant 208 : index
          %get3A_428 = tpu.vector_load %arg7[%get3A_425, %get3A_426, %get3A_427] {strides = array<i32>} : memref<5x32x256xf32, #tpu.memory_space<vmem>>, vector<1x1x16xf32>,
          %get3A_429 = vector.shape_cast %get3A_428 : vector<1x1x16xf32> to vector<16xf32>
          %swap3A_430 = arith.index_cast %squeeze3A_166 : i32 to index
          %swap3A_431 = arith.constant 208 : index
          %swap3A_432 = tpu.vector_load %arg9[%swap3A_430, %swap3A_431] {strides = array<i32>} : memref<128x256xf32, #tpu.memory_space<vmem>>, vector<1x16xf32>,
          %swap3A_433 = vector.shape_cast %swap3A_432 : vector<1x16xf32> to vector<16xf32>
          %swap3A_434 = vector.shape_cast %get3A_429 : vector<16xf32> to vector<1x16xf32>
          tpu.vector_store %arg9[%swap3A_430, %swap3A_431], %swap3A_434 {add = true, strides = array<i32>} : memref<128x256xf32, #tpu.memory_space<vmem>>, vector<1x16xf32>,
          %get3A_435 = arith.index_cast %squeeze3A_166 : i32 to index
          %get3A_436 = arith.constant 208 : index
          %get3A_437 = tpu.vector_load %arg10[%get3A_435, %get3A_436] {strides = array<i32>} : memref<128x256xf32, #tpu.memory_space<vmem>>, vector<1x16xf32>,
          %get3A_438 = vector.shape_cast %get3A_437 : vector<1x16xf32> to vector<16xf32>
          %max3A_439 = arith.maximumf %get3A_438, %get3A_429 : vector<16xf32>
          %swap3A_440 = arith.index_cast %squeeze3A_166 : i32 to index
          %swap3A_441 = arith.constant 208 : index
          %swap3A_442 = tpu.vector_load %arg10[%swap3A_440, %swap3A_441] {strides = array<i32>} : memref<128x256xf32, #tpu.memory_space<vmem>>, vector<1x16xf32>,
          %swap3A_443 = vector.shape_cast %swap3A_442 : vector<1x16xf32> to vector<16xf32>
          %swap3A_444 = vector.shape_cast %max3A_439 : vector<16xf32> to vector<1x16xf32>
          tpu.vector_store %arg10[%swap3A_440, %swap3A_441], %swap3A_444 {strides = array<i32>} : memref<128x256xf32, #tpu.memory_space<vmem>>, vector<1x16xf32>,
          %get3A_445 = arith.index_cast %rem3A_122 : i32 to index
          %get3A_446 = arith.index_cast %scan3A_159 : i32 to index
          %get3A_447 = arith.constant 224 : index
          %get3A_448 = tpu.vector_load %arg7[%get3A_445, %get3A_446, %get3A_447] {strides = array<i32>} : memref<5x32x256xf32, #tpu.memory_space<vmem>>, vector<1x1x16xf32>,
          %get3A_449 = vector.shape_cast %get3A_448 : vector<1x1x16xf32> to vector<16xf32>
          %swap3A_450 = arith.index_cast %squeeze3A_166 : i32 to index
          %swap3A_451 = arith.constant 224 : index
          %swap3A_452 = tpu.vector_load %arg9[%swap3A_450, %swap3A_451] {strides = array<i32>} : memref<128x256xf32, #tpu.memory_space<vmem>>, vector<1x16xf32>,
          %swap3A_453 = vector.shape_cast %swap3A_452 : vector<1x16xf32> to vector<16xf32>
          %swap3A_454 = vector.shape_cast %get3A_449 : vector<16xf32> to vector<1x16xf32>
          tpu.vector_store %arg9[%swap3A_450, %swap3A_451], %swap3A_454 {add = true, strides = array<i32>} : memref<128x256xf32, #tpu.memory_space<vmem>>, vector<1x16xf32>,
          %get3A_455 = arith.index_cast %squeeze3A_166 : i32 to index
          %get3A_456 = arith.constant 224 : index
          %get3A_457 = tpu.vector_load %arg10[%get3A_455, %get3A_456] {strides = array<i32>} : memref<128x256xf32, #tpu.memory_space<vmem>>, vector<1x16xf32>,
          %get3A_458 = vector.shape_cast %get3A_457 : vector<1x16xf32> to vector<16xf32>
          %max3A_459 = arith.maximumf %get3A_458, %get3A_449 : vector<16xf32>
          %swap3A_460 = arith.index_cast %squeeze3A_166 : i32 to index
          %swap3A_461 = arith.constant 224 : index
          %swap3A_462 = tpu.vector_load %arg10[%swap3A_460, %swap3A_461] {strides = array<i32>} : memref<128x256xf32, #tpu.memory_space<vmem>>, vector<1x16xf32>,
          %swap3A_463 = vector.shape_cast %swap3A_462 : vector<1x16xf32> to vector<16xf32>
          %swap3A_464 = vector.shape_cast %max3A_459 : vector<16xf32> to vector<1x16xf32>
          tpu.vector_store %arg10[%swap3A_460, %swap3A_461], %swap3A_464 {strides = array<i32>} : memref<128x256xf32, #tpu.memory_space<vmem>>, vector<1x16xf32>,
          %get3A_465 = arith.index_cast %rem3A_122 : i32 to index
          %get3A_466 = arith.index_cast %scan3A_159 : i32 to index
          %get3A_467 = arith.constant 240 : index
          %get3A_468 = tpu.vector_load %arg7[%get3A_465, %get3A_466, %get3A_467] {strides = array<i32>} : memref<5x32x256xf32, #tpu.memory_space<vmem>>, vector<1x1x16xf32>,
          %get3A_469 = vector.shape_cast %get3A_468 : vector<1x1x16xf32> to vector<16xf32>
          %swap3A_470 = arith.index_cast %squeeze3A_166 : i32 to index
          %swap3A_471 = arith.constant 240 : index
          %swap3A_472 = tpu.vector_load %arg9[%swap3A_470, %swap3A_471] {strides = array<i32>} : memref<128x256xf32, #tpu.memory_space<vmem>>, vector<1x16xf32>,
          %swap3A_473 = vector.shape_cast %swap3A_472 : vector<1x16xf32> to vector<16xf32>
          %swap3A_474 = vector.shape_cast %get3A_469 : vector<16xf32> to vector<1x16xf32>
          tpu.vector_store %arg9[%swap3A_470, %swap3A_471], %swap3A_474 {add = true, strides = array<i32>} : memref<128x256xf32, #tpu.memory_space<vmem>>, vector<1x16xf32>,
          %get3A_475 = arith.index_cast %squeeze3A_166 : i32 to index
          %get3A_476 = arith.constant 240 : index
          %get3A_477 = tpu.vector_load %arg10[%get3A_475, %get3A_476] {strides = array<i32>} : memref<128x256xf32, #tpu.memory_space<vmem>>, vector<1x16xf32>,
          %get3A_478 = vector.shape_cast %get3A_477 : vector<1x16xf32> to vector<16xf32>
          %max3A_479 = arith.maximumf %get3A_478, %get3A_469 : vector<16xf32>
          %swap3A_480 = arith.index_cast %squeeze3A_166 : i32 to index
          %swap3A_481 = arith.constant 240 : index
          %swap3A_482 = tpu.vector_load %arg10[%swap3A_480, %swap3A_481] {strides = array<i32>} : memref<128x256xf32, #tpu.memory_space<vmem>>, vector<1x16xf32>,
          %swap3A_483 = vector.shape_cast %swap3A_482 : vector<1x16xf32> to vector<16xf32>
          %swap3A_484 = vector.shape_cast %max3A_479 : vector<16xf32> to vector<1x16xf32>
          tpu.vector_store %arg10[%swap3A_480, %swap3A_481], %swap3A_484 {strides = array<i32>} : memref<128x256xf32, #tpu.memory_space<vmem>>, vector<1x16xf32>,
          %swap3A_485 = arith.index_cast %squeeze3A_166 : i32 to index
          %swap3A_486 = arith.constant 0 : index
          %swap3A_487 = tpu.vector_load %arg11[%swap3A_485, %swap3A_486] {strides = array<i32>} : memref<128x16xf32, #tpu.memory_space<vmem>>, vector<1x16xf32>,
          %swap3A_488 = vector.shape_cast %swap3A_487 : vector<1x16xf32> to vector<16xf32>
          %swap3A_489 = vector.shape_cast %broadcast_in_dim3A_9 : vector<16xf32> to vector<1x16xf32>
          tpu.vector_store %arg11[%swap3A_485, %swap3A_486], %swap3A_489 {add = true, strides = array<i32>} : memref<128x16xf32, #tpu.memory_space<vmem>>, vector<1x16xf32>,
          %scan3A_490 = arith.constant 0 : i32
          scf.yield %scan3A_490 : i32
        }
        %scan3A_157 = arith.constant 32 : i32
        %cond3A_158 = arith.constant 0 : i32
        scf.yield %cond3A_158 : i32
      }
      %add3A_145 = arith.constant 5 : i32
      %add3A_146 = arith.addi %while3A_106, %add3A_145 : i32
      %lt3A = arith.cmpi slt, %add3A_146, %select_n3A : i32
      %convert_element_type3A_147 = arith.extui %lt3A : i1 to i32
      %cond3A_148 = arith.constant 0 : i32
      %cond3A_149 = arith.cmpi ne, %convert_element_type3A_147, %cond3A_148 : i32
      scf.if %cond3A_149 {
        %add3A_151 = arith.constant 5 : i32
        %add3A_152 = arith.addi %while3A_106, %add3A_151 : i32
        %add3A_153 = arith.constant 5 : i32
        %add3A_154 = arith.addi %while3A_106, %add3A_153 : i32
        %rem3A_155 = arith.constant 5 : i32
        %rem3A_156 = arith.remsi %add3A_154, %rem3A_155 : i32
        %mul3A_157 = arith.constant 32 : i32
        %mul3A_158 = arith.muli %add3A_152, %mul3A_157 : i32
        %add3A_159 = arith.addi %mul3A_2, %mul3A_158 : i32
        %dma_start3A = arith.constant 0 : i32
        %dma_start3A_160 = arith.constant 0 : i32
        %dma_start3A_161 = tpu.memref_slice %arg7[%rem3A_156, %dma_start3A, %dma_start3A_160] : memref<5x32x256xf32, #tpu.memory_space<vmem>> -> memref<1x32x256xf32, #tpu.memory_space<vmem>>
        %dma_start3A_162 = tpu.memref_squeeze %dma_start3A_161 : memref<1x32x256xf32, #tpu.memory_space<vmem>> -> memref<32x256xf32, #tpu.memory_space<vmem>>
        %dma_start3A_163 = arith.constant 0 : i32
        %dma_start3A_164 = tpu.memref_slice %arg2[%add3A_159, %dma_start3A_163] : memref<100000x256xf32, #tpu.memory_space<hbm>> -> memref<32x256xf32, #tpu.memory_space<hbm>>
        %dma_start3A_165 = arith.constant 0 : i32
        %dma_start3A_166 = arith.constant 0 : i32
        %dma_start3A_167 = tpu.memref_slice %arg7[%rem3A_156, %dma_start3A_165, %dma_start3A_166] : memref<5x32x256xf32, #tpu.memory_space<vmem>> -> memref<1x32x256xf32, #tpu.memory_space<vmem>>
        %dma_start3A_168 = tpu.memref_squeeze %dma_start3A_167 : memref<1x32x256xf32, #tpu.memory_space<vmem>> -> memref<32x256xf32, #tpu.memory_space<vmem>>
        %dma_start3A_169 = arith.constant 0 : i32
        %dma_start3A_170 = tpu.memref_slice %arg2[%add3A_159, %dma_start3A_169] : memref<100000x256xf32, #tpu.memory_space<hbm>> -> memref<32x256xf32, #tpu.memory_space<hbm>>
        tpu.enqueue_dma source(%dma_start3A_170 : memref<32x256xf32, #tpu.memory_space<hbm>>) target(%dma_start3A_168 : memref<32x256xf32, #tpu.memory_space<vmem>>) target_semaphore(%arg12 : memref<!tpu.dma_semaphore, #tpu.memory_space<semaphore_mem>>)
      } else {
      }
      %while3A_150 = arith.constant 0 : i32
      scf.yield %while3A_150 : i32
    }
    %while3A_78 = arith.constant 1 : i32
    %while3A_79 = scf.for %while3A_106 = %while3A_75 to %while3A_71 step %while3A_78 iter_args(%while3A_107 = %while3A_77) -> (i32)  : i32 {
      %dma_wait3A = arith.constant 0 : i32
      %dma_wait3A_108 = arith.constant 0 : i32
      %dma_wait3A_109 = arith.constant 0 : i32
      %dma_wait3A_110 = tpu.memref_slice %arg7[%dma_wait3A, %dma_wait3A_108, %dma_wait3A_109] : memref<5x32x256xf32, #tpu.memory_space<vmem>> -> memref<1x32x256xf32, #tpu.memory_space<vmem>>
      %dma_wait3A_111 = tpu.memref_squeeze %dma_wait3A_110 : memref<1x32x256xf32, #tpu.memory_space<vmem>> -> memref<32x256xf32, #tpu.memory_space<vmem>>
      %dma_wait3A_112 = arith.constant 0 : i32
      %dma_wait3A_113 = arith.constant 0 : i32
      %dma_wait3A_114 = tpu.memref_slice %arg2[%dma_wait3A_112, %dma_wait3A_113] : memref<100000x256xf32, #tpu.memory_space<hbm>> -> memref<32x256xf32, #tpu.memory_space<hbm>>
      %dma_wait3A_115 = arith.constant 0 : i32
      %dma_wait3A_116 = arith.constant 0 : i32
      %dma_wait3A_117 = tpu.memref_slice %arg7[%dma_wait3A, %dma_wait3A_115, %dma_wait3A_116] : memref<5x32x256xf32, #tpu.memory_space<vmem>> -> memref<1x32x256xf32, #tpu.memory_space<vmem>>
      %dma_wait3A_118 = tpu.memref_squeeze %dma_wait3A_117 : memref<1x32x256xf32, #tpu.memory_space<vmem>> -> memref<32x256xf32, #tpu.memory_space<vmem>>
      %dma_wait3A_119 = arith.constant 0 : i32
      %dma_wait3A_120 = arith.constant 0 : i32
      %dma_wait3A_121 = tpu.memref_slice %arg2[%dma_wait3A_119, %dma_wait3A_120] : memref<100000x256xf32, #tpu.memory_space<hbm>> -> memref<32x256xf32, #tpu.memory_space<hbm>>
      tpu.wait_dma2 semaphore(%arg12 : memref<!tpu.dma_semaphore, #tpu.memory_space<semaphore_mem>>) src(%dma_wait3A_121 : memref<32x256xf32, #tpu.memory_space<hbm>>) dst(%dma_wait3A_118 : memref<32x256xf32, #tpu.memory_space<vmem>>)
      %rem3A = arith.constant 5 : i32
      %rem3A_122 = arith.remsi %while3A_106, %rem3A : i32
      %mul3A_123 = arith.constant 32 : i32
      %mul3A_124 = arith.muli %while3A_106, %mul3A_123 : i32
      %get3A_125 = arith.index_cast %mul3A_124 : i32 to index
      %get3A_126 = tpu.vector_load %arg8[%get3A_125] {strides = array<i32>} : memref<3152xi32, #tpu.memory_space<vmem>>, vector<16xi32>,
      %get3A_127 = vector.shape_cast %get3A_126 : vector<16xi32> to vector<16xi32>
      %slice3A_128 = vector.extract_strided_slice %get3A_127 {offsets = [0], sizes = [1], strides = [1]} : vector<16xi32> to vector<1xi32>
      %squeeze3A_129 = vector.extract %slice3A_128[0] : i32 from vector<1xi32>
      %add3A_130 = arith.constant 32 : i32
      %add3A_131 = arith.addi %mul3A_124, %add3A_130 : i32
      %sub3A_132 = arith.constant 16 : i32
      %sub3A_133 = arith.subi %add3A_131, %sub3A_132 : i32
      %get3A_134 = arith.index_cast %sub3A_133 : i32 to index
      %get3A_135 = tpu.vector_load %arg8[%get3A_134] {strides = array<i32>} : memref<3152xi32, #tpu.memory_space<vmem>>, vector<16xi32>,
      %get3A_136 = vector.shape_cast %get3A_135 : vector<16xi32> to vector<16xi32>
      %slice3A_137 = vector.extract_strided_slice %get3A_136 {offsets = [15], sizes = [1], strides = [1]} : vector<16xi32> to vector<1xi32>
      %squeeze3A_138 = vector.extract %slice3A_137[0] : i32 from vector<1xi32>
      %eq3A_139 = arith.cmpi eq, %squeeze3A_129, %squeeze3A_138 : i32
      %convert_element_type3A_140 = arith.extui %eq3A_139 : i1 to i32
      %cond3A_141 = arith.constant 0 : i32
      %cond3A_142 = arith.constant 0 : i32
      %cond3A_143 = arith.cmpi ne, %convert_element_type3A_140, %cond3A_142 : i32
      %cond3A_144 = scf.if %cond3A_143 -> (i32) {
        %scan3A_151 = arith.constant 0 : i32
        %scan3A_152 = arith.constant 32 : i32
        %scan3A_153 = arith.addi %scan3A_151, %scan3A_152 : i32
        %scan3A_154 = arith.constant 1 : i32
        %scan3A_155:32 = scf.for %scan3A_401 = %scan3A_151 to %scan3A_153 step %scan3A_154 iter_args(%scan3A_402 = %broadcast_in_dim3A_5, %scan3A_403 = %broadcast_in_dim3A_5, %scan3A_404 = %broadcast_in_dim3A_5, %scan3A_405 = %broadcast_in_dim3A_5, %scan3A_406 = %broadcast_in_dim3A_5, %scan3A_407 = %broadcast_in_dim3A_5, %scan3A_408 = %broadcast_in_dim3A_5, %scan3A_409 = %broadcast_in_dim3A_5, %scan3A_410 = %broadcast_in_dim3A_5, %scan3A_411 = %broadcast_in_dim3A_5, %scan3A_412 = %broadcast_in_dim3A_5, %scan3A_413 = %broadcast_in_dim3A_5, %scan3A_414 = %broadcast_in_dim3A_5, %scan3A_415 = %broadcast_in_dim3A_5, %scan3A_416 = %broadcast_in_dim3A_5, %scan3A_417 = %broadcast_in_dim3A_5, %scan3A_418 = %broadcast_in_dim3A_7, %scan3A_419 = %broadcast_in_dim3A_7, %scan3A_420 = %broadcast_in_dim3A_7, %scan3A_421 = %broadcast_in_dim3A_7, %scan3A_422 = %broadcast_in_dim3A_7, %scan3A_423 = %broadcast_in_dim3A_7, %scan3A_424 = %broadcast_in_dim3A_7, %scan3A_425 = %broadcast_in_dim3A_7, %scan3A_426 = %broadcast_in_dim3A_7, %scan3A_427 = %broadcast_in_dim3A_7, %scan3A_428 = %broadcast_in_dim3A_7, %scan3A_429 = %broadcast_in_dim3A_7, %scan3A_430 = %broadcast_in_dim3A_7, %scan3A_431 = %broadcast_in_dim3A_7, %scan3A_432 = %broadcast_in_dim3A_7, %scan3A_433 = %broadcast_in_dim3A_7) -> (vector<16xf32>, vector<16xf32>, vector<16xf32>, vector<16xf32>, vector<16xf32>, vector<16xf32>, vector<16xf32>, vector<16xf32>, vector<16xf32>, vector<16xf32>, vector<16xf32>, vector<16xf32>, vector<16xf32>, vector<16xf32>, vector<16xf32>, vector<16xf32>, vector<16xf32>, vector<16xf32>, vector<16xf32>, vector<16xf32>, vector<16xf32>, vector<16xf32>, vector<16xf32>, vector<16xf32>, vector<16xf32>, vector<16xf32>, vector<16xf32>, vector<16xf32>, vector<16xf32>, vector<16xf32>, vector<16xf32>, vector<16xf32>)  : i32 {
          %get3A_434 = arith.index_cast %rem3A_122 : i32 to index
          %get3A_435 = arith.index_cast %scan3A_401 : i32 to index
          %get3A_436 = arith.constant 0 : index
          %get3A_437 = tpu.vector_load %arg7[%get3A_434, %get3A_435, %get3A_436] {strides = array<i32>} : memref<5x32x256xf32, #tpu.memory_space<vmem>>, vector<1x1x16xf32>,
          %get3A_438 = vector.shape_cast %get3A_437 : vector<1x1x16xf32> to vector<16xf32>
          %add3A_439 = arith.addf %scan3A_402, %get3A_438 : vector<16xf32>
          %get3A_440 = arith.index_cast %rem3A_122 : i32 to index
          %get3A_441 = arith.index_cast %scan3A_401 : i32 to index
          %get3A_442 = arith.constant 16 : index
          %get3A_443 = tpu.vector_load %arg7[%get3A_440, %get3A_441, %get3A_442] {strides = array<i32>} : memref<5x32x256xf32, #tpu.memory_space<vmem>>, vector<1x1x16xf32>,
          %get3A_444 = vector.shape_cast %get3A_443 : vector<1x1x16xf32> to vector<16xf32>
          %add3A_445 = arith.addf %scan3A_403, %get3A_444 : vector<16xf32>
          %get3A_446 = arith.index_cast %rem3A_122 : i32 to index
          %get3A_447 = arith.index_cast %scan3A_401 : i32 to index
          %get3A_448 = arith.constant 32 : index
          %get3A_449 = tpu.vector_load %arg7[%get3A_446, %get3A_447, %get3A_448] {strides = array<i32>} : memref<5x32x256xf32, #tpu.memory_space<vmem>>, vector<1x1x16xf32>,
          %get3A_450 = vector.shape_cast %get3A_449 : vector<1x1x16xf32> to vector<16xf32>
          %add3A_451 = arith.addf %scan3A_404, %get3A_450 : vector<16xf32>
          %get3A_452 = arith.index_cast %rem3A_122 : i32 to index
          %get3A_453 = arith.index_cast %scan3A_401 : i32 to index
          %get3A_454 = arith.constant 48 : index
          %get3A_455 = tpu.vector_load %arg7[%get3A_452, %get3A_453, %get3A_454] {strides = array<i32>} : memref<5x32x256xf32, #tpu.memory_space<vmem>>, vector<1x1x16xf32>,
          %get3A_456 = vector.shape_cast %get3A_455 : vector<1x1x16xf32> to vector<16xf32>
          %add3A_457 = arith.addf %scan3A_405, %get3A_456 : vector<16xf32>
          %get3A_458 = arith.index_cast %rem3A_122 : i32 to index
          %get3A_459 = arith.index_cast %scan3A_401 : i32 to index
          %get3A_460 = arith.constant 64 : index
          %get3A_461 = tpu.vector_load %arg7[%get3A_458, %get3A_459, %get3A_460] {strides = array<i32>} : memref<5x32x256xf32, #tpu.memory_space<vmem>>, vector<1x1x16xf32>,
          %get3A_462 = vector.shape_cast %get3A_461 : vector<1x1x16xf32> to vector<16xf32>
          %add3A_463 = arith.addf %scan3A_406, %get3A_462 : vector<16xf32>
          %get3A_464 = arith.index_cast %rem3A_122 : i32 to index
          %get3A_465 = arith.index_cast %scan3A_401 : i32 to index
          %get3A_466 = arith.constant 80 : index
          %get3A_467 = tpu.vector_load %arg7[%get3A_464, %get3A_465, %get3A_466] {strides = array<i32>} : memref<5x32x256xf32, #tpu.memory_space<vmem>>, vector<1x1x16xf32>,
          %get3A_468 = vector.shape_cast %get3A_467 : vector<1x1x16xf32> to vector<16xf32>
          %add3A_469 = arith.addf %scan3A_407, %get3A_468 : vector<16xf32>
          %get3A_470 = arith.index_cast %rem3A_122 : i32 to index
          %get3A_471 = arith.index_cast %scan3A_401 : i32 to index
          %get3A_472 = arith.constant 96 : index
          %get3A_473 = tpu.vector_load %arg7[%get3A_470, %get3A_471, %get3A_472] {strides = array<i32>} : memref<5x32x256xf32, #tpu.memory_space<vmem>>, vector<1x1x16xf32>,
          %get3A_474 = vector.shape_cast %get3A_473 : vector<1x1x16xf32> to vector<16xf32>
          %add3A_475 = arith.addf %scan3A_408, %get3A_474 : vector<16xf32>
          %get3A_476 = arith.index_cast %rem3A_122 : i32 to index
          %get3A_477 = arith.index_cast %scan3A_401 : i32 to index
          %get3A_478 = arith.constant 112 : index
          %get3A_479 = tpu.vector_load %arg7[%get3A_476, %get3A_477, %get3A_478] {strides = array<i32>} : memref<5x32x256xf32, #tpu.memory_space<vmem>>, vector<1x1x16xf32>,
          %get3A_480 = vector.shape_cast %get3A_479 : vector<1x1x16xf32> to vector<16xf32>
          %add3A_481 = arith.addf %scan3A_409, %get3A_480 : vector<16xf32>
          %get3A_482 = arith.index_cast %rem3A_122 : i32 to index
          %get3A_483 = arith.index_cast %scan3A_401 : i32 to index
          %get3A_484 = arith.constant 128 : index
          %get3A_485 = tpu.vector_load %arg7[%get3A_482, %get3A_483, %get3A_484] {strides = array<i32>} : memref<5x32x256xf32, #tpu.memory_space<vmem>>, vector<1x1x16xf32>,
          %get3A_486 = vector.shape_cast %get3A_485 : vector<1x1x16xf32> to vector<16xf32>
          %add3A_487 = arith.addf %scan3A_410, %get3A_486 : vector<16xf32>
          %get3A_488 = arith.index_cast %rem3A_122 : i32 to index
          %get3A_489 = arith.index_cast %scan3A_401 : i32 to index
          %get3A_490 = arith.constant 144 : index
          %get3A_491 = tpu.vector_load %arg7[%get3A_488, %get3A_489, %get3A_490] {strides = array<i32>} : memref<5x32x256xf32, #tpu.memory_space<vmem>>, vector<1x1x16xf32>,
          %get3A_492 = vector.shape_cast %get3A_491 : vector<1x1x16xf32> to vector<16xf32>
          %add3A_493 = arith.addf %scan3A_411, %get3A_492 : vector<16xf32>
          %get3A_494 = arith.index_cast %rem3A_122 : i32 to index
          %get3A_495 = arith.index_cast %scan3A_401 : i32 to index
          %get3A_496 = arith.constant 160 : index
          %get3A_497 = tpu.vector_load %arg7[%get3A_494, %get3A_495, %get3A_496] {strides = array<i32>} : memref<5x32x256xf32, #tpu.memory_space<vmem>>, vector<1x1x16xf32>,
          %get3A_498 = vector.shape_cast %get3A_497 : vector<1x1x16xf32> to vector<16xf32>
          %add3A_499 = arith.addf %scan3A_412, %get3A_498 : vector<16xf32>
          %get3A_500 = arith.index_cast %rem3A_122 : i32 to index
          %get3A_501 = arith.index_cast %scan3A_401 : i32 to index
          %get3A_502 = arith.constant 176 : index
          %get3A_503 = tpu.vector_load %arg7[%get3A_500, %get3A_501, %get3A_502] {strides = array<i32>} : memref<5x32x256xf32, #tpu.memory_space<vmem>>, vector<1x1x16xf32>,
          %get3A_504 = vector.shape_cast %get3A_503 : vector<1x1x16xf32> to vector<16xf32>
          %add3A_505 = arith.addf %scan3A_413, %get3A_504 : vector<16xf32>
          %get3A_506 = arith.index_cast %rem3A_122 : i32 to index
          %get3A_507 = arith.index_cast %scan3A_401 : i32 to index
          %get3A_508 = arith.constant 192 : index
          %get3A_509 = tpu.vector_load %arg7[%get3A_506, %get3A_507, %get3A_508] {strides = array<i32>} : memref<5x32x256xf32, #tpu.memory_space<vmem>>, vector<1x1x16xf32>,
          %get3A_510 = vector.shape_cast %get3A_509 : vector<1x1x16xf32> to vector<16xf32>
          %add3A_511 = arith.addf %scan3A_414, %get3A_510 : vector<16xf32>
          %get3A_512 = arith.index_cast %rem3A_122 : i32 to index
          %get3A_513 = arith.index_cast %scan3A_401 : i32 to index
          %get3A_514 = arith.constant 208 : index
          %get3A_515 = tpu.vector_load %arg7[%get3A_512, %get3A_513, %get3A_514] {strides = array<i32>} : memref<5x32x256xf32, #tpu.memory_space<vmem>>, vector<1x1x16xf32>,
          %get3A_516 = vector.shape_cast %get3A_515 : vector<1x1x16xf32> to vector<16xf32>
          %add3A_517 = arith.addf %scan3A_415, %get3A_516 : vector<16xf32>
          %get3A_518 = arith.index_cast %rem3A_122 : i32 to index
          %get3A_519 = arith.index_cast %scan3A_401 : i32 to index
          %get3A_520 = arith.constant 224 : index
          %get3A_521 = tpu.vector_load %arg7[%get3A_518, %get3A_519, %get3A_520] {strides = array<i32>} : memref<5x32x256xf32, #tpu.memory_space<vmem>>, vector<1x1x16xf32>,
          %get3A_522 = vector.shape_cast %get3A_521 : vector<1x1x16xf32> to vector<16xf32>
          %add3A_523 = arith.addf %scan3A_416, %get3A_522 : vector<16xf32>
          %get3A_524 = arith.index_cast %rem3A_122 : i32 to index
          %get3A_525 = arith.index_cast %scan3A_401 : i32 to index
          %get3A_526 = arith.constant 240 : index
          %get3A_527 = tpu.vector_load %arg7[%get3A_524, %get3A_525, %get3A_526] {strides = array<i32>} : memref<5x32x256xf32, #tpu.memory_space<vmem>>, vector<1x1x16xf32>,
          %get3A_528 = vector.shape_cast %get3A_527 : vector<1x1x16xf32> to vector<16xf32>
          %add3A_529 = arith.addf %scan3A_417, %get3A_528 : vector<16xf32>
          %get3A_530 = arith.index_cast %rem3A_122 : i32 to index
          %get3A_531 = arith.index_cast %scan3A_401 : i32 to index
          %get3A_532 = arith.constant 0 : index
          %get3A_533 = tpu.vector_load %arg7[%get3A_530, %get3A_531, %get3A_532] {strides = array<i32>} : memref<5x32x256xf32, #tpu.memory_space<vmem>>, vector<1x1x16xf32>,
          %get3A_534 = vector.shape_cast %get3A_533 : vector<1x1x16xf32> to vector<16xf32>
          %max3A_535 = arith.maximumf %scan3A_418, %get3A_534 : vector<16xf32>
          %get3A_536 = arith.index_cast %rem3A_122 : i32 to index
          %get3A_537 = arith.index_cast %scan3A_401 : i32 to index
          %get3A_538 = arith.constant 16 : index
          %get3A_539 = tpu.vector_load %arg7[%get3A_536, %get3A_537, %get3A_538] {strides = array<i32>} : memref<5x32x256xf32, #tpu.memory_space<vmem>>, vector<1x1x16xf32>,
          %get3A_540 = vector.shape_cast %get3A_539 : vector<1x1x16xf32> to vector<16xf32>
          %max3A_541 = arith.maximumf %scan3A_419, %get3A_540 : vector<16xf32>
          %get3A_542 = arith.index_cast %rem3A_122 : i32 to index
          %get3A_543 = arith.index_cast %scan3A_401 : i32 to index
          %get3A_544 = arith.constant 32 : index
          %get3A_545 = tpu.vector_load %arg7[%get3A_542, %get3A_543, %get3A_544] {strides = array<i32>} : memref<5x32x256xf32, #tpu.memory_space<vmem>>, vector<1x1x16xf32>,
          %get3A_546 = vector.shape_cast %get3A_545 : vector<1x1x16xf32> to vector<16xf32>
          %max3A_547 = arith.maximumf %scan3A_420, %get3A_546 : vector<16xf32>
          %get3A_548 = arith.index_cast %rem3A_122 : i32 to index
          %get3A_549 = arith.index_cast %scan3A_401 : i32 to index
          %get3A_550 = arith.constant 48 : index
          %get3A_551 = tpu.vector_load %arg7[%get3A_548, %get3A_549, %get3A_550] {strides = array<i32>} : memref<5x32x256xf32, #tpu.memory_space<vmem>>, vector<1x1x16xf32>,
          %get3A_552 = vector.shape_cast %get3A_551 : vector<1x1x16xf32> to vector<16xf32>
          %max3A_553 = arith.maximumf %scan3A_421, %get3A_552 : vector<16xf32>
          %get3A_554 = arith.index_cast %rem3A_122 : i32 to index
          %get3A_555 = arith.index_cast %scan3A_401 : i32 to index
          %get3A_556 = arith.constant 64 : index
          %get3A_557 = tpu.vector_load %arg7[%get3A_554, %get3A_555, %get3A_556] {strides = array<i32>} : memref<5x32x256xf32, #tpu.memory_space<vmem>>, vector<1x1x16xf32>,
          %get3A_558 = vector.shape_cast %get3A_557 : vector<1x1x16xf32> to vector<16xf32>
          %max3A_559 = arith.maximumf %scan3A_422, %get3A_558 : vector<16xf32>
          %get3A_560 = arith.index_cast %rem3A_122 : i32 to index
          %get3A_561 = arith.index_cast %scan3A_401 : i32 to index
          %get3A_562 = arith.constant 80 : index
          %get3A_563 = tpu.vector_load %arg7[%get3A_560, %get3A_561, %get3A_562] {strides = array<i32>} : memref<5x32x256xf32, #tpu.memory_space<vmem>>, vector<1x1x16xf32>,
          %get3A_564 = vector.shape_cast %get3A_563 : vector<1x1x16xf32> to vector<16xf32>
          %max3A_565 = arith.maximumf %scan3A_423, %get3A_564 : vector<16xf32>
          %get3A_566 = arith.index_cast %rem3A_122 : i32 to index
          %get3A_567 = arith.index_cast %scan3A_401 : i32 to index
          %get3A_568 = arith.constant 96 : index
          %get3A_569 = tpu.vector_load %arg7[%get3A_566, %get3A_567, %get3A_568] {strides = array<i32>} : memref<5x32x256xf32, #tpu.memory_space<vmem>>, vector<1x1x16xf32>,
          %get3A_570 = vector.shape_cast %get3A_569 : vector<1x1x16xf32> to vector<16xf32>
          %max3A_571 = arith.maximumf %scan3A_424, %get3A_570 : vector<16xf32>
          %get3A_572 = arith.index_cast %rem3A_122 : i32 to index
          %get3A_573 = arith.index_cast %scan3A_401 : i32 to index
          %get3A_574 = arith.constant 112 : index
          %get3A_575 = tpu.vector_load %arg7[%get3A_572, %get3A_573, %get3A_574] {strides = array<i32>} : memref<5x32x256xf32, #tpu.memory_space<vmem>>, vector<1x1x16xf32>,
          %get3A_576 = vector.shape_cast %get3A_575 : vector<1x1x16xf32> to vector<16xf32>
          %max3A_577 = arith.maximumf %scan3A_425, %get3A_576 : vector<16xf32>
          %get3A_578 = arith.index_cast %rem3A_122 : i32 to index
          %get3A_579 = arith.index_cast %scan3A_401 : i32 to index
          %get3A_580 = arith.constant 128 : index
          %get3A_581 = tpu.vector_load %arg7[%get3A_578, %get3A_579, %get3A_580] {strides = array<i32>} : memref<5x32x256xf32, #tpu.memory_space<vmem>>, vector<1x1x16xf32>,
          %get3A_582 = vector.shape_cast %get3A_581 : vector<1x1x16xf32> to vector<16xf32>
          %max3A_583 = arith.maximumf %scan3A_426, %get3A_582 : vector<16xf32>
          %get3A_584 = arith.index_cast %rem3A_122 : i32 to index
          %get3A_585 = arith.index_cast %scan3A_401 : i32 to index
          %get3A_586 = arith.constant 144 : index
          %get3A_587 = tpu.vector_load %arg7[%get3A_584, %get3A_585, %get3A_586] {strides = array<i32>} : memref<5x32x256xf32, #tpu.memory_space<vmem>>, vector<1x1x16xf32>,
          %get3A_588 = vector.shape_cast %get3A_587 : vector<1x1x16xf32> to vector<16xf32>
          %max3A_589 = arith.maximumf %scan3A_427, %get3A_588 : vector<16xf32>
          %get3A_590 = arith.index_cast %rem3A_122 : i32 to index
          %get3A_591 = arith.index_cast %scan3A_401 : i32 to index
          %get3A_592 = arith.constant 160 : index
          %get3A_593 = tpu.vector_load %arg7[%get3A_590, %get3A_591, %get3A_592] {strides = array<i32>} : memref<5x32x256xf32, #tpu.memory_space<vmem>>, vector<1x1x16xf32>,
          %get3A_594 = vector.shape_cast %get3A_593 : vector<1x1x16xf32> to vector<16xf32>
          %max3A_595 = arith.maximumf %scan3A_428, %get3A_594 : vector<16xf32>
          %get3A_596 = arith.index_cast %rem3A_122 : i32 to index
          %get3A_597 = arith.index_cast %scan3A_401 : i32 to index
          %get3A_598 = arith.constant 176 : index
          %get3A_599 = tpu.vector_load %arg7[%get3A_596, %get3A_597, %get3A_598] {strides = array<i32>} : memref<5x32x256xf32, #tpu.memory_space<vmem>>, vector<1x1x16xf32>,
          %get3A_600 = vector.shape_cast %get3A_599 : vector<1x1x16xf32> to vector<16xf32>
          %max3A_601 = arith.maximumf %scan3A_429, %get3A_600 : vector<16xf32>
          %get3A_602 = arith.index_cast %rem3A_122 : i32 to index
          %get3A_603 = arith.index_cast %scan3A_401 : i32 to index
          %get3A_604 = arith.constant 192 : index
          %get3A_605 = tpu.vector_load %arg7[%get3A_602, %get3A_603, %get3A_604] {strides = array<i32>} : memref<5x32x256xf32, #tpu.memory_space<vmem>>, vector<1x1x16xf32>,
          %get3A_606 = vector.shape_cast %get3A_605 : vector<1x1x16xf32> to vector<16xf32>
          %max3A_607 = arith.maximumf %scan3A_430, %get3A_606 : vector<16xf32>
          %get3A_608 = arith.index_cast %rem3A_122 : i32 to index
          %get3A_609 = arith.index_cast %scan3A_401 : i32 to index
          %get3A_610 = arith.constant 208 : index
          %get3A_611 = tpu.vector_load %arg7[%get3A_608, %get3A_609, %get3A_610] {strides = array<i32>} : memref<5x32x256xf32, #tpu.memory_space<vmem>>, vector<1x1x16xf32>,
          %get3A_612 = vector.shape_cast %get3A_611 : vector<1x1x16xf32> to vector<16xf32>
          %max3A_613 = arith.maximumf %scan3A_431, %get3A_612 : vector<16xf32>
          %get3A_614 = arith.index_cast %rem3A_122 : i32 to index
          %get3A_615 = arith.index_cast %scan3A_401 : i32 to index
          %get3A_616 = arith.constant 224 : index
          %get3A_617 = tpu.vector_load %arg7[%get3A_614, %get3A_615, %get3A_616] {strides = array<i32>} : memref<5x32x256xf32, #tpu.memory_space<vmem>>, vector<1x1x16xf32>,
          %get3A_618 = vector.shape_cast %get3A_617 : vector<1x1x16xf32> to vector<16xf32>
          %max3A_619 = arith.maximumf %scan3A_432, %get3A_618 : vector<16xf32>
          %get3A_620 = arith.index_cast %rem3A_122 : i32 to index
          %get3A_621 = arith.index_cast %scan3A_401 : i32 to index
          %get3A_622 = arith.constant 240 : index
          %get3A_623 = tpu.vector_load %arg7[%get3A_620, %get3A_621, %get3A_622] {strides = array<i32>} : memref<5x32x256xf32, #tpu.memory_space<vmem>>, vector<1x1x16xf32>,
          %get3A_624 = vector.shape_cast %get3A_623 : vector<1x1x16xf32> to vector<16xf32>
          %max3A_625 = arith.maximumf %scan3A_433, %get3A_624 : vector<16xf32>
          scf.yield %add3A_439, %add3A_445, %add3A_451, %add3A_457, %add3A_463, %add3A_469, %add3A_475, %add3A_481, %add3A_487, %add3A_493, %add3A_499, %add3A_505, %add3A_511, %add3A_517, %add3A_523, %add3A_529, %max3A_535, %max3A_541, %max3A_547, %max3A_553, %max3A_559, %max3A_565, %max3A_571, %max3A_577, %max3A_583, %max3A_589, %max3A_595, %max3A_601, %max3A_607, %max3A_613, %max3A_619, %max3A_625 : vector<16xf32>, vector<16xf32>, vector<16xf32>, vector<16xf32>, vector<16xf32>, vector<16xf32>, vector<16xf32>, vector<16xf32>, vector<16xf32>, vector<16xf32>, vector<16xf32>, vector<16xf32>, vector<16xf32>, vector<16xf32>, vector<16xf32>, vector<16xf32>, vector<16xf32>, vector<16xf32>, vector<16xf32>, vector<16xf32>, vector<16xf32>, vector<16xf32>, vector<16xf32>, vector<16xf32>, vector<16xf32>, vector<16xf32>, vector<16xf32>, vector<16xf32>, vector<16xf32>, vector<16xf32>, vector<16xf32>, vector<16xf32>
        }
        %scan3A_156 = arith.constant 32 : i32
        %swap3A = arith.index_cast %squeeze3A_129 : i32 to index
        %swap3A_157 = arith.constant 0 : index
        %swap3A_158 = tpu.vector_load %arg9[%swap3A, %swap3A_157] {strides = array<i32>} : memref<128x256xf32, #tpu.memory_space<vmem>>, vector<1x16xf32>,
        %swap3A_159 = vector.shape_cast %swap3A_158 : vector<1x16xf32> to vector<16xf32>
        %swap3A_160 = vector.shape_cast %scan3A_155#0 : vector<16xf32> to vector<1x16xf32>
        tpu.vector_store %arg9[%swap3A, %swap3A_157], %swap3A_160 {add = true, strides = array<i32>} : memref<128x256xf32, #tpu.memory_space<vmem>>, vector<1x16xf32>,
        %get3A_161 = arith.index_cast %squeeze3A_129 : i32 to index
        %get3A_162 = arith.constant 0 : index
        %get3A_163 = tpu.vector_load %arg10[%get3A_161, %get3A_162] {strides = array<i32>} : memref<128x256xf32, #tpu.memory_space<vmem>>, vector<1x16xf32>,
        %get3A_164 = vector.shape_cast %get3A_163 : vector<1x16xf32> to vector<16xf32>
        %max3A = arith.maximumf %get3A_164, %scan3A_155#16 : vector<16xf32>
        %swap3A_165 = arith.index_cast %squeeze3A_129 : i32 to index
        %swap3A_166 = arith.constant 0 : index
        %swap3A_167 = tpu.vector_load %arg10[%swap3A_165, %swap3A_166] {strides = array<i32>} : memref<128x256xf32, #tpu.memory_space<vmem>>, vector<1x16xf32>,
        %swap3A_168 = vector.shape_cast %swap3A_167 : vector<1x16xf32> to vector<16xf32>
        %swap3A_169 = vector.shape_cast %max3A : vector<16xf32> to vector<1x16xf32>
        tpu.vector_store %arg10[%swap3A_165, %swap3A_166], %swap3A_169 {strides = array<i32>} : memref<128x256xf32, #tpu.memory_space<vmem>>, vector<1x16xf32>,
        %swap3A_170 = arith.index_cast %squeeze3A_129 : i32 to index
        %swap3A_171 = arith.constant 16 : index
        %swap3A_172 = tpu.vector_load %arg9[%swap3A_170, %swap3A_171] {strides = array<i32>} : memref<128x256xf32, #tpu.memory_space<vmem>>, vector<1x16xf32>,
        %swap3A_173 = vector.shape_cast %swap3A_172 : vector<1x16xf32> to vector<16xf32>
        %swap3A_174 = vector.shape_cast %scan3A_155#1 : vector<16xf32> to vector<1x16xf32>
        tpu.vector_store %arg9[%swap3A_170, %swap3A_171], %swap3A_174 {add = true, strides = array<i32>} : memref<128x256xf32, #tpu.memory_space<vmem>>, vector<1x16xf32>,
        %get3A_175 = arith.index_cast %squeeze3A_129 : i32 to index
        %get3A_176 = arith.constant 16 : index
        %get3A_177 = tpu.vector_load %arg10[%get3A_175, %get3A_176] {strides = array<i32>} : memref<128x256xf32, #tpu.memory_space<vmem>>, vector<1x16xf32>,
        %get3A_178 = vector.shape_cast %get3A_177 : vector<1x16xf32> to vector<16xf32>
        %max3A_179 = arith.maximumf %get3A_178, %scan3A_155#17 : vector<16xf32>
        %swap3A_180 = arith.index_cast %squeeze3A_129 : i32 to index
        %swap3A_181 = arith.constant 16 : index
        %swap3A_182 = tpu.vector_load %arg10[%swap3A_180, %swap3A_181] {strides = array<i32>} : memref<128x256xf32, #tpu.memory_space<vmem>>, vector<1x16xf32>,
        %swap3A_183 = vector.shape_cast %swap3A_182 : vector<1x16xf32> to vector<16xf32>
        %swap3A_184 = vector.shape_cast %max3A_179 : vector<16xf32> to vector<1x16xf32>
        tpu.vector_store %arg10[%swap3A_180, %swap3A_181], %swap3A_184 {strides = array<i32>} : memref<128x256xf32, #tpu.memory_space<vmem>>, vector<1x16xf32>,
        %swap3A_185 = arith.index_cast %squeeze3A_129 : i32 to index
        %swap3A_186 = arith.constant 32 : index
        %swap3A_187 = tpu.vector_load %arg9[%swap3A_185, %swap3A_186] {strides = array<i32>} : memref<128x256xf32, #tpu.memory_space<vmem>>, vector<1x16xf32>,
        %swap3A_188 = vector.shape_cast %swap3A_187 : vector<1x16xf32> to vector<16xf32>
        %swap3A_189 = vector.shape_cast %scan3A_155#2 : vector<16xf32> to vector<1x16xf32>
        tpu.vector_store %arg9[%swap3A_185, %swap3A_186], %swap3A_189 {add = true, strides = array<i32>} : memref<128x256xf32, #tpu.memory_space<vmem>>, vector<1x16xf32>,
        %get3A_190 = arith.index_cast %squeeze3A_129 : i32 to index
        %get3A_191 = arith.constant 32 : index
        %get3A_192 = tpu.vector_load %arg10[%get3A_190, %get3A_191] {strides = array<i32>} : memref<128x256xf32, #tpu.memory_space<vmem>>, vector<1x16xf32>,
        %get3A_193 = vector.shape_cast %get3A_192 : vector<1x16xf32> to vector<16xf32>
        %max3A_194 = arith.maximumf %get3A_193, %scan3A_155#18 : vector<16xf32>
        %swap3A_195 = arith.index_cast %squeeze3A_129 : i32 to index
        %swap3A_196 = arith.constant 32 : index
        %swap3A_197 = tpu.vector_load %arg10[%swap3A_195, %swap3A_196] {strides = array<i32>} : memref<128x256xf32, #tpu.memory_space<vmem>>, vector<1x16xf32>,
        %swap3A_198 = vector.shape_cast %swap3A_197 : vector<1x16xf32> to vector<16xf32>
        %swap3A_199 = vector.shape_cast %max3A_194 : vector<16xf32> to vector<1x16xf32>
        tpu.vector_store %arg10[%swap3A_195, %swap3A_196], %swap3A_199 {strides = array<i32>} : memref<128x256xf32, #tpu.memory_space<vmem>>, vector<1x16xf32>,
        %swap3A_200 = arith.index_cast %squeeze3A_129 : i32 to index
        %swap3A_201 = arith.constant 48 : index
        %swap3A_202 = tpu.vector_load %arg9[%swap3A_200, %swap3A_201] {strides = array<i32>} : memref<128x256xf32, #tpu.memory_space<vmem>>, vector<1x16xf32>,
        %swap3A_203 = vector.shape_cast %swap3A_202 : vector<1x16xf32> to vector<16xf32>
        %swap3A_204 = vector.shape_cast %scan3A_155#3 : vector<16xf32> to vector<1x16xf32>
        tpu.vector_store %arg9[%swap3A_200, %swap3A_201], %swap3A_204 {add = true, strides = array<i32>} : memref<128x256xf32, #tpu.memory_space<vmem>>, vector<1x16xf32>,
        %get3A_205 = arith.index_cast %squeeze3A_129 : i32 to index
        %get3A_206 = arith.constant 48 : index
        %get3A_207 = tpu.vector_load %arg10[%get3A_205, %get3A_206] {strides = array<i32>} : memref<128x256xf32, #tpu.memory_space<vmem>>, vector<1x16xf32>,
        %get3A_208 = vector.shape_cast %get3A_207 : vector<1x16xf32> to vector<16xf32>
        %max3A_209 = arith.maximumf %get3A_208, %scan3A_155#19 : vector<16xf32>
        %swap3A_210 = arith.index_cast %squeeze3A_129 : i32 to index
        %swap3A_211 = arith.constant 48 : index
        %swap3A_212 = tpu.vector_load %arg10[%swap3A_210, %swap3A_211] {strides = array<i32>} : memref<128x256xf32, #tpu.memory_space<vmem>>, vector<1x16xf32>,
        %swap3A_213 = vector.shape_cast %swap3A_212 : vector<1x16xf32> to vector<16xf32>
        %swap3A_214 = vector.shape_cast %max3A_209 : vector<16xf32> to vector<1x16xf32>
        tpu.vector_store %arg10[%swap3A_210, %swap3A_211], %swap3A_214 {strides = array<i32>} : memref<128x256xf32, #tpu.memory_space<vmem>>, vector<1x16xf32>,
        %swap3A_215 = arith.index_cast %squeeze3A_129 : i32 to index
        %swap3A_216 = arith.constant 64 : index
        %swap3A_217 = tpu.vector_load %arg9[%swap3A_215, %swap3A_216] {strides = array<i32>} : memref<128x256xf32, #tpu.memory_space<vmem>>, vector<1x16xf32>,
        %swap3A_218 = vector.shape_cast %swap3A_217 : vector<1x16xf32> to vector<16xf32>
        %swap3A_219 = vector.shape_cast %scan3A_155#4 : vector<16xf32> to vector<1x16xf32>
        tpu.vector_store %arg9[%swap3A_215, %swap3A_216], %swap3A_219 {add = true, strides = array<i32>} : memref<128x256xf32, #tpu.memory_space<vmem>>, vector<1x16xf32>,
        %get3A_220 = arith.index_cast %squeeze3A_129 : i32 to index
        %get3A_221 = arith.constant 64 : index
        %get3A_222 = tpu.vector_load %arg10[%get3A_220, %get3A_221] {strides = array<i32>} : memref<128x256xf32, #tpu.memory_space<vmem>>, vector<1x16xf32>,
        %get3A_223 = vector.shape_cast %get3A_222 : vector<1x16xf32> to vector<16xf32>
        %max3A_224 = arith.maximumf %get3A_223, %scan3A_155#20 : vector<16xf32>
        %swap3A_225 = arith.index_cast %squeeze3A_129 : i32 to index
        %swap3A_226 = arith.constant 64 : index
        %swap3A_227 = tpu.vector_load %arg10[%swap3A_225, %swap3A_226] {strides = array<i32>} : memref<128x256xf32, #tpu.memory_space<vmem>>, vector<1x16xf32>,
        %swap3A_228 = vector.shape_cast %swap3A_227 : vector<1x16xf32> to vector<16xf32>
        %swap3A_229 = vector.shape_cast %max3A_224 : vector<16xf32> to vector<1x16xf32>
        tpu.vector_store %arg10[%swap3A_225, %swap3A_226], %swap3A_229 {strides = array<i32>} : memref<128x256xf32, #tpu.memory_space<vmem>>, vector<1x16xf32>,
        %swap3A_230 = arith.index_cast %squeeze3A_129 : i32 to index
        %swap3A_231 = arith.constant 80 : index
        %swap3A_232 = tpu.vector_load %arg9[%swap3A_230, %swap3A_231] {strides = array<i32>} : memref<128x256xf32, #tpu.memory_space<vmem>>, vector<1x16xf32>,
        %swap3A_233 = vector.shape_cast %swap3A_232 : vector<1x16xf32> to vector<16xf32>
        %swap3A_234 = vector.shape_cast %scan3A_155#5 : vector<16xf32> to vector<1x16xf32>
        tpu.vector_store %arg9[%swap3A_230, %swap3A_231], %swap3A_234 {add = true, strides = array<i32>} : memref<128x256xf32, #tpu.memory_space<vmem>>, vector<1x16xf32>,
        %get3A_235 = arith.index_cast %squeeze3A_129 : i32 to index
        %get3A_236 = arith.constant 80 : index
        %get3A_237 = tpu.vector_load %arg10[%get3A_235, %get3A_236] {strides = array<i32>} : memref<128x256xf32, #tpu.memory_space<vmem>>, vector<1x16xf32>,
        %get3A_238 = vector.shape_cast %get3A_237 : vector<1x16xf32> to vector<16xf32>
        %max3A_239 = arith.maximumf %get3A_238, %scan3A_155#21 : vector<16xf32>
        %swap3A_240 = arith.index_cast %squeeze3A_129 : i32 to index
        %swap3A_241 = arith.constant 80 : index
        %swap3A_242 = tpu.vector_load %arg10[%swap3A_240, %swap3A_241] {strides = array<i32>} : memref<128x256xf32, #tpu.memory_space<vmem>>, vector<1x16xf32>,
        %swap3A_243 = vector.shape_cast %swap3A_242 : vector<1x16xf32> to vector<16xf32>
        %swap3A_244 = vector.shape_cast %max3A_239 : vector<16xf32> to vector<1x16xf32>
        tpu.vector_store %arg10[%swap3A_240, %swap3A_241], %swap3A_244 {strides = array<i32>} : memref<128x256xf32, #tpu.memory_space<vmem>>, vector<1x16xf32>,
        %swap3A_245 = arith.index_cast %squeeze3A_129 : i32 to index
        %swap3A_246 = arith.constant 96 : index
        %swap3A_247 = tpu.vector_load %arg9[%swap3A_245, %swap3A_246] {strides = array<i32>} : memref<128x256xf32, #tpu.memory_space<vmem>>, vector<1x16xf32>,
        %swap3A_248 = vector.shape_cast %swap3A_247 : vector<1x16xf32> to vector<16xf32>
        %swap3A_249 = vector.shape_cast %scan3A_155#6 : vector<16xf32> to vector<1x16xf32>
        tpu.vector_store %arg9[%swap3A_245, %swap3A_246], %swap3A_249 {add = true, strides = array<i32>} : memref<128x256xf32, #tpu.memory_space<vmem>>, vector<1x16xf32>,
        %get3A_250 = arith.index_cast %squeeze3A_129 : i32 to index
        %get3A_251 = arith.constant 96 : index
        %get3A_252 = tpu.vector_load %arg10[%get3A_250, %get3A_251] {strides = array<i32>} : memref<128x256xf32, #tpu.memory_space<vmem>>, vector<1x16xf32>,
        %get3A_253 = vector.shape_cast %get3A_252 : vector<1x16xf32> to vector<16xf32>
        %max3A_254 = arith.maximumf %get3A_253, %scan3A_155#22 : vector<16xf32>
        %swap3A_255 = arith.index_cast %squeeze3A_129 : i32 to index
        %swap3A_256 = arith.constant 96 : index
        %swap3A_257 = tpu.vector_load %arg10[%swap3A_255, %swap3A_256] {strides = array<i32>} : memref<128x256xf32, #tpu.memory_space<vmem>>, vector<1x16xf32>,
        %swap3A_258 = vector.shape_cast %swap3A_257 : vector<1x16xf32> to vector<16xf32>
        %swap3A_259 = vector.shape_cast %max3A_254 : vector<16xf32> to vector<1x16xf32>
        tpu.vector_store %arg10[%swap3A_255, %swap3A_256], %swap3A_259 {strides = array<i32>} : memref<128x256xf32, #tpu.memory_space<vmem>>, vector<1x16xf32>,
        %swap3A_260 = arith.index_cast %squeeze3A_129 : i32 to index
        %swap3A_261 = arith.constant 112 : index
        %swap3A_262 = tpu.vector_load %arg9[%swap3A_260, %swap3A_261] {strides = array<i32>} : memref<128x256xf32, #tpu.memory_space<vmem>>, vector<1x16xf32>,
        %swap3A_263 = vector.shape_cast %swap3A_262 : vector<1x16xf32> to vector<16xf32>
        %swap3A_264 = vector.shape_cast %scan3A_155#7 : vector<16xf32> to vector<1x16xf32>
        tpu.vector_store %arg9[%swap3A_260, %swap3A_261], %swap3A_264 {add = true, strides = array<i32>} : memref<128x256xf32, #tpu.memory_space<vmem>>, vector<1x16xf32>,
        %get3A_265 = arith.index_cast %squeeze3A_129 : i32 to index
        %get3A_266 = arith.constant 112 : index
        %get3A_267 = tpu.vector_load %arg10[%get3A_265, %get3A_266] {strides = array<i32>} : memref<128x256xf32, #tpu.memory_space<vmem>>, vector<1x16xf32>,
        %get3A_268 = vector.shape_cast %get3A_267 : vector<1x16xf32> to vector<16xf32>
        %max3A_269 = arith.maximumf %get3A_268, %scan3A_155#23 : vector<16xf32>
        %swap3A_270 = arith.index_cast %squeeze3A_129 : i32 to index
        %swap3A_271 = arith.constant 112 : index
        %swap3A_272 = tpu.vector_load %arg10[%swap3A_270, %swap3A_271] {strides = array<i32>} : memref<128x256xf32, #tpu.memory_space<vmem>>, vector<1x16xf32>,
        %swap3A_273 = vector.shape_cast %swap3A_272 : vector<1x16xf32> to vector<16xf32>
        %swap3A_274 = vector.shape_cast %max3A_269 : vector<16xf32> to vector<1x16xf32>
        tpu.vector_store %arg10[%swap3A_270, %swap3A_271], %swap3A_274 {strides = array<i32>} : memref<128x256xf32, #tpu.memory_space<vmem>>, vector<1x16xf32>,
        %swap3A_275 = arith.index_cast %squeeze3A_129 : i32 to index
        %swap3A_276 = arith.constant 128 : index
        %swap3A_277 = tpu.vector_load %arg9[%swap3A_275, %swap3A_276] {strides = array<i32>} : memref<128x256xf32, #tpu.memory_space<vmem>>, vector<1x16xf32>,
        %swap3A_278 = vector.shape_cast %swap3A_277 : vector<1x16xf32> to vector<16xf32>
        %swap3A_279 = vector.shape_cast %scan3A_155#8 : vector<16xf32> to vector<1x16xf32>
        tpu.vector_store %arg9[%swap3A_275, %swap3A_276], %swap3A_279 {add = true, strides = array<i32>} : memref<128x256xf32, #tpu.memory_space<vmem>>, vector<1x16xf32>,
        %get3A_280 = arith.index_cast %squeeze3A_129 : i32 to index
        %get3A_281 = arith.constant 128 : index
        %get3A_282 = tpu.vector_load %arg10[%get3A_280, %get3A_281] {strides = array<i32>} : memref<128x256xf32, #tpu.memory_space<vmem>>, vector<1x16xf32>,
        %get3A_283 = vector.shape_cast %get3A_282 : vector<1x16xf32> to vector<16xf32>
        %max3A_284 = arith.maximumf %get3A_283, %scan3A_155#24 : vector<16xf32>
        %swap3A_285 = arith.index_cast %squeeze3A_129 : i32 to index
        %swap3A_286 = arith.constant 128 : index
        %swap3A_287 = tpu.vector_load %arg10[%swap3A_285, %swap3A_286] {strides = array<i32>} : memref<128x256xf32, #tpu.memory_space<vmem>>, vector<1x16xf32>,
        %swap3A_288 = vector.shape_cast %swap3A_287 : vector<1x16xf32> to vector<16xf32>
        %swap3A_289 = vector.shape_cast %max3A_284 : vector<16xf32> to vector<1x16xf32>
        tpu.vector_store %arg10[%swap3A_285, %swap3A_286], %swap3A_289 {strides = array<i32>} : memref<128x256xf32, #tpu.memory_space<vmem>>, vector<1x16xf32>,
        %swap3A_290 = arith.index_cast %squeeze3A_129 : i32 to index
        %swap3A_291 = arith.constant 144 : index
        %swap3A_292 = tpu.vector_load %arg9[%swap3A_290, %swap3A_291] {strides = array<i32>} : memref<128x256xf32, #tpu.memory_space<vmem>>, vector<1x16xf32>,
        %swap3A_293 = vector.shape_cast %swap3A_292 : vector<1x16xf32> to vector<16xf32>
        %swap3A_294 = vector.shape_cast %scan3A_155#9 : vector<16xf32> to vector<1x16xf32>
        tpu.vector_store %arg9[%swap3A_290, %swap3A_291], %swap3A_294 {add = true, strides = array<i32>} : memref<128x256xf32, #tpu.memory_space<vmem>>, vector<1x16xf32>,
        %get3A_295 = arith.index_cast %squeeze3A_129 : i32 to index
        %get3A_296 = arith.constant 144 : index
        %get3A_297 = tpu.vector_load %arg10[%get3A_295, %get3A_296] {strides = array<i32>} : memref<128x256xf32, #tpu.memory_space<vmem>>, vector<1x16xf32>,
        %get3A_298 = vector.shape_cast %get3A_297 : vector<1x16xf32> to vector<16xf32>
        %max3A_299 = arith.maximumf %get3A_298, %scan3A_155#25 : vector<16xf32>
        %swap3A_300 = arith.index_cast %squeeze3A_129 : i32 to index
        %swap3A_301 = arith.constant 144 : index
        %swap3A_302 = tpu.vector_load %arg10[%swap3A_300, %swap3A_301] {strides = array<i32>} : memref<128x256xf32, #tpu.memory_space<vmem>>, vector<1x16xf32>,
        %swap3A_303 = vector.shape_cast %swap3A_302 : vector<1x16xf32> to vector<16xf32>
        %swap3A_304 = vector.shape_cast %max3A_299 : vector<16xf32> to vector<1x16xf32>
        tpu.vector_store %arg10[%swap3A_300, %swap3A_301], %swap3A_304 {strides = array<i32>} : memref<128x256xf32, #tpu.memory_space<vmem>>, vector<1x16xf32>,
        %swap3A_305 = arith.index_cast %squeeze3A_129 : i32 to index
        %swap3A_306 = arith.constant 160 : index
        %swap3A_307 = tpu.vector_load %arg9[%swap3A_305, %swap3A_306] {strides = array<i32>} : memref<128x256xf32, #tpu.memory_space<vmem>>, vector<1x16xf32>,
        %swap3A_308 = vector.shape_cast %swap3A_307 : vector<1x16xf32> to vector<16xf32>
        %swap3A_309 = vector.shape_cast %scan3A_155#10 : vector<16xf32> to vector<1x16xf32>
        tpu.vector_store %arg9[%swap3A_305, %swap3A_306], %swap3A_309 {add = true, strides = array<i32>} : memref<128x256xf32, #tpu.memory_space<vmem>>, vector<1x16xf32>,
        %get3A_310 = arith.index_cast %squeeze3A_129 : i32 to index
        %get3A_311 = arith.constant 160 : index
        %get3A_312 = tpu.vector_load %arg10[%get3A_310, %get3A_311] {strides = array<i32>} : memref<128x256xf32, #tpu.memory_space<vmem>>, vector<1x16xf32>,
        %get3A_313 = vector.shape_cast %get3A_312 : vector<1x16xf32> to vector<16xf32>
        %max3A_314 = arith.maximumf %get3A_313, %scan3A_155#26 : vector<16xf32>
        %swap3A_315 = arith.index_cast %squeeze3A_129 : i32 to index
        %swap3A_316 = arith.constant 160 : index
        %swap3A_317 = tpu.vector_load %arg10[%swap3A_315, %swap3A_316] {strides = array<i32>} : memref<128x256xf32, #tpu.memory_space<vmem>>, vector<1x16xf32>,
        %swap3A_318 = vector.shape_cast %swap3A_317 : vector<1x16xf32> to vector<16xf32>
        %swap3A_319 = vector.shape_cast %max3A_314 : vector<16xf32> to vector<1x16xf32>
        tpu.vector_store %arg10[%swap3A_315, %swap3A_316], %swap3A_319 {strides = array<i32>} : memref<128x256xf32, #tpu.memory_space<vmem>>, vector<1x16xf32>,
        %swap3A_320 = arith.index_cast %squeeze3A_129 : i32 to index
        %swap3A_321 = arith.constant 176 : index
        %swap3A_322 = tpu.vector_load %arg9[%swap3A_320, %swap3A_321] {strides = array<i32>} : memref<128x256xf32, #tpu.memory_space<vmem>>, vector<1x16xf32>,
        %swap3A_323 = vector.shape_cast %swap3A_322 : vector<1x16xf32> to vector<16xf32>
        %swap3A_324 = vector.shape_cast %scan3A_155#11 : vector<16xf32> to vector<1x16xf32>
        tpu.vector_store %arg9[%swap3A_320, %swap3A_321], %swap3A_324 {add = true, strides = array<i32>} : memref<128x256xf32, #tpu.memory_space<vmem>>, vector<1x16xf32>,
        %get3A_325 = arith.index_cast %squeeze3A_129 : i32 to index
        %get3A_326 = arith.constant 176 : index
        %get3A_327 = tpu.vector_load %arg10[%get3A_325, %get3A_326] {strides = array<i32>} : memref<128x256xf32, #tpu.memory_space<vmem>>, vector<1x16xf32>,
        %get3A_328 = vector.shape_cast %get3A_327 : vector<1x16xf32> to vector<16xf32>
        %max3A_329 = arith.maximumf %get3A_328, %scan3A_155#27 : vector<16xf32>
        %swap3A_330 = arith.index_cast %squeeze3A_129 : i32 to index
        %swap3A_331 = arith.constant 176 : index
        %swap3A_332 = tpu.vector_load %arg10[%swap3A_330, %swap3A_331] {strides = array<i32>} : memref<128x256xf32, #tpu.memory_space<vmem>>, vector<1x16xf32>,
        %swap3A_333 = vector.shape_cast %swap3A_332 : vector<1x16xf32> to vector<16xf32>
        %swap3A_334 = vector.shape_cast %max3A_329 : vector<16xf32> to vector<1x16xf32>
        tpu.vector_store %arg10[%swap3A_330, %swap3A_331], %swap3A_334 {strides = array<i32>} : memref<128x256xf32, #tpu.memory_space<vmem>>, vector<1x16xf32>,
        %swap3A_335 = arith.index_cast %squeeze3A_129 : i32 to index
        %swap3A_336 = arith.constant 192 : index
        %swap3A_337 = tpu.vector_load %arg9[%swap3A_335, %swap3A_336] {strides = array<i32>} : memref<128x256xf32, #tpu.memory_space<vmem>>, vector<1x16xf32>,
        %swap3A_338 = vector.shape_cast %swap3A_337 : vector<1x16xf32> to vector<16xf32>
        %swap3A_339 = vector.shape_cast %scan3A_155#12 : vector<16xf32> to vector<1x16xf32>
        tpu.vector_store %arg9[%swap3A_335, %swap3A_336], %swap3A_339 {add = true, strides = array<i32>} : memref<128x256xf32, #tpu.memory_space<vmem>>, vector<1x16xf32>,
        %get3A_340 = arith.index_cast %squeeze3A_129 : i32 to index
        %get3A_341 = arith.constant 192 : index
        %get3A_342 = tpu.vector_load %arg10[%get3A_340, %get3A_341] {strides = array<i32>} : memref<128x256xf32, #tpu.memory_space<vmem>>, vector<1x16xf32>,
        %get3A_343 = vector.shape_cast %get3A_342 : vector<1x16xf32> to vector<16xf32>
        %max3A_344 = arith.maximumf %get3A_343, %scan3A_155#28 : vector<16xf32>
        %swap3A_345 = arith.index_cast %squeeze3A_129 : i32 to index
        %swap3A_346 = arith.constant 192 : index
        %swap3A_347 = tpu.vector_load %arg10[%swap3A_345, %swap3A_346] {strides = array<i32>} : memref<128x256xf32, #tpu.memory_space<vmem>>, vector<1x16xf32>,
        %swap3A_348 = vector.shape_cast %swap3A_347 : vector<1x16xf32> to vector<16xf32>
        %swap3A_349 = vector.shape_cast %max3A_344 : vector<16xf32> to vector<1x16xf32>
        tpu.vector_store %arg10[%swap3A_345, %swap3A_346], %swap3A_349 {strides = array<i32>} : memref<128x256xf32, #tpu.memory_space<vmem>>, vector<1x16xf32>,
        %swap3A_350 = arith.index_cast %squeeze3A_129 : i32 to index
        %swap3A_351 = arith.constant 208 : index
        %swap3A_352 = tpu.vector_load %arg9[%swap3A_350, %swap3A_351] {strides = array<i32>} : memref<128x256xf32, #tpu.memory_space<vmem>>, vector<1x16xf32>,
        %swap3A_353 = vector.shape_cast %swap3A_352 : vector<1x16xf32> to vector<16xf32>
        %swap3A_354 = vector.shape_cast %scan3A_155#13 : vector<16xf32> to vector<1x16xf32>
        tpu.vector_store %arg9[%swap3A_350, %swap3A_351], %swap3A_354 {add = true, strides = array<i32>} : memref<128x256xf32, #tpu.memory_space<vmem>>, vector<1x16xf32>,
        %get3A_355 = arith.index_cast %squeeze3A_129 : i32 to index
        %get3A_356 = arith.constant 208 : index
        %get3A_357 = tpu.vector_load %arg10[%get3A_355, %get3A_356] {strides = array<i32>} : memref<128x256xf32, #tpu.memory_space<vmem>>, vector<1x16xf32>,
        %get3A_358 = vector.shape_cast %get3A_357 : vector<1x16xf32> to vector<16xf32>
        %max3A_359 = arith.maximumf %get3A_358, %scan3A_155#29 : vector<16xf32>
        %swap3A_360 = arith.index_cast %squeeze3A_129 : i32 to index
        %swap3A_361 = arith.constant 208 : index
        %swap3A_362 = tpu.vector_load %arg10[%swap3A_360, %swap3A_361] {strides = array<i32>} : memref<128x256xf32, #tpu.memory_space<vmem>>, vector<1x16xf32>,
        %swap3A_363 = vector.shape_cast %swap3A_362 : vector<1x16xf32> to vector<16xf32>
        %swap3A_364 = vector.shape_cast %max3A_359 : vector<16xf32> to vector<1x16xf32>
        tpu.vector_store %arg10[%swap3A_360, %swap3A_361], %swap3A_364 {strides = array<i32>} : memref<128x256xf32, #tpu.memory_space<vmem>>, vector<1x16xf32>,
        %swap3A_365 = arith.index_cast %squeeze3A_129 : i32 to index
        %swap3A_366 = arith.constant 224 : index
        %swap3A_367 = tpu.vector_load %arg9[%swap3A_365, %swap3A_366] {strides = array<i32>} : memref<128x256xf32, #tpu.memory_space<vmem>>, vector<1x16xf32>,
        %swap3A_368 = vector.shape_cast %swap3A_367 : vector<1x16xf32> to vector<16xf32>
        %swap3A_369 = vector.shape_cast %scan3A_155#14 : vector<16xf32> to vector<1x16xf32>
        tpu.vector_store %arg9[%swap3A_365, %swap3A_366], %swap3A_369 {add = true, strides = array<i32>} : memref<128x256xf32, #tpu.memory_space<vmem>>, vector<1x16xf32>,
        %get3A_370 = arith.index_cast %squeeze3A_129 : i32 to index
        %get3A_371 = arith.constant 224 : index
        %get3A_372 = tpu.vector_load %arg10[%get3A_370, %get3A_371] {strides = array<i32>} : memref<128x256xf32, #tpu.memory_space<vmem>>, vector<1x16xf32>,
        %get3A_373 = vector.shape_cast %get3A_372 : vector<1x16xf32> to vector<16xf32>
        %max3A_374 = arith.maximumf %get3A_373, %scan3A_155#30 : vector<16xf32>
        %swap3A_375 = arith.index_cast %squeeze3A_129 : i32 to index
        %swap3A_376 = arith.constant 224 : index
        %swap3A_377 = tpu.vector_load %arg10[%swap3A_375, %swap3A_376] {strides = array<i32>} : memref<128x256xf32, #tpu.memory_space<vmem>>, vector<1x16xf32>,
        %swap3A_378 = vector.shape_cast %swap3A_377 : vector<1x16xf32> to vector<16xf32>
        %swap3A_379 = vector.shape_cast %max3A_374 : vector<16xf32> to vector<1x16xf32>
        tpu.vector_store %arg10[%swap3A_375, %swap3A_376], %swap3A_379 {strides = array<i32>} : memref<128x256xf32, #tpu.memory_space<vmem>>, vector<1x16xf32>,
        %swap3A_380 = arith.index_cast %squeeze3A_129 : i32 to index
        %swap3A_381 = arith.constant 240 : index
        %swap3A_382 = tpu.vector_load %arg9[%swap3A_380, %swap3A_381] {strides = array<i32>} : memref<128x256xf32, #tpu.memory_space<vmem>>, vector<1x16xf32>,
        %swap3A_383 = vector.shape_cast %swap3A_382 : vector<1x16xf32> to vector<16xf32>
        %swap3A_384 = vector.shape_cast %scan3A_155#15 : vector<16xf32> to vector<1x16xf32>
        tpu.vector_store %arg9[%swap3A_380, %swap3A_381], %swap3A_384 {add = true, strides = array<i32>} : memref<128x256xf32, #tpu.memory_space<vmem>>, vector<1x16xf32>,
        %get3A_385 = arith.index_cast %squeeze3A_129 : i32 to index
        %get3A_386 = arith.constant 240 : index
        %get3A_387 = tpu.vector_load %arg10[%get3A_385, %get3A_386] {strides = array<i32>} : memref<128x256xf32, #tpu.memory_space<vmem>>, vector<1x16xf32>,
        %get3A_388 = vector.shape_cast %get3A_387 : vector<1x16xf32> to vector<16xf32>
        %max3A_389 = arith.maximumf %get3A_388, %scan3A_155#31 : vector<16xf32>
        %swap3A_390 = arith.index_cast %squeeze3A_129 : i32 to index
        %swap3A_391 = arith.constant 240 : index
        %swap3A_392 = tpu.vector_load %arg10[%swap3A_390, %swap3A_391] {strides = array<i32>} : memref<128x256xf32, #tpu.memory_space<vmem>>, vector<1x16xf32>,
        %swap3A_393 = vector.shape_cast %swap3A_392 : vector<1x16xf32> to vector<16xf32>
        %swap3A_394 = vector.shape_cast %max3A_389 : vector<16xf32> to vector<1x16xf32>
        tpu.vector_store %arg10[%swap3A_390, %swap3A_391], %swap3A_394 {strides = array<i32>} : memref<128x256xf32, #tpu.memory_space<vmem>>, vector<1x16xf32>,
        %swap3A_395 = arith.index_cast %squeeze3A_129 : i32 to index
        %swap3A_396 = arith.constant 0 : index
        %swap3A_397 = tpu.vector_load %arg11[%swap3A_395, %swap3A_396] {strides = array<i32>} : memref<128x16xf32, #tpu.memory_space<vmem>>, vector<1x16xf32>,
        %swap3A_398 = vector.shape_cast %swap3A_397 : vector<1x16xf32> to vector<16xf32>
        %swap3A_399 = vector.shape_cast %broadcast_in_dim3A_11 : vector<16xf32> to vector<1x16xf32>
        tpu.vector_store %arg11[%swap3A_395, %swap3A_396], %swap3A_399 {add = true, strides = array<i32>} : memref<128x16xf32, #tpu.memory_space<vmem>>, vector<1x16xf32>,
        %cond3A_400 = arith.constant 0 : i32
        scf.yield %cond3A_400 : i32
      } else {
        %scan3A_151 = arith.constant 0 : i32
        %scan3A_152 = arith.constant 0 : i32
        %scan3A_153 = arith.constant 32 : i32
        %scan3A_154 = arith.addi %scan3A_152, %scan3A_153 : i32
        %scan3A_155 = arith.constant 1 : i32
        %scan3A_156 = scf.for %scan3A_159 = %scan3A_152 to %scan3A_154 step %scan3A_155 iter_args(%scan3A_160 = %scan3A_151) -> (i32)  : i32 {
          %add3A_161 = arith.addi %mul3A_124, %scan3A_159 : i32
          %get3A_162 = arith.index_cast %add3A_161 : i32 to index
          %get3A_163 = tpu.vector_load %arg8[%get3A_162] {strides = array<i32>} : memref<3152xi32, #tpu.memory_space<vmem>>, vector<16xi32>,
          %get3A_164 = vector.shape_cast %get3A_163 : vector<16xi32> to vector<16xi32>
          %slice3A_165 = vector.extract_strided_slice %get3A_164 {offsets = [0], sizes = [1], strides = [1]} : vector<16xi32> to vector<1xi32>
          %squeeze3A_166 = vector.extract %slice3A_165[0] : i32 from vector<1xi32>
          %get3A_167 = arith.index_cast %rem3A_122 : i32 to index
          %get3A_168 = arith.index_cast %scan3A_159 : i32 to index
          %get3A_169 = arith.constant 0 : index
          %get3A_170 = tpu.vector_load %arg7[%get3A_167, %get3A_168, %get3A_169] {strides = array<i32>} : memref<5x32x256xf32, #tpu.memory_space<vmem>>, vector<1x1x16xf32>,
          %get3A_171 = vector.shape_cast %get3A_170 : vector<1x1x16xf32> to vector<16xf32>
          %swap3A = arith.index_cast %squeeze3A_166 : i32 to index
          %swap3A_172 = arith.constant 0 : index
          %swap3A_173 = tpu.vector_load %arg9[%swap3A, %swap3A_172] {strides = array<i32>} : memref<128x256xf32, #tpu.memory_space<vmem>>, vector<1x16xf32>,
          %swap3A_174 = vector.shape_cast %swap3A_173 : vector<1x16xf32> to vector<16xf32>
          %swap3A_175 = vector.shape_cast %get3A_171 : vector<16xf32> to vector<1x16xf32>
          tpu.vector_store %arg9[%swap3A, %swap3A_172], %swap3A_175 {add = true, strides = array<i32>} : memref<128x256xf32, #tpu.memory_space<vmem>>, vector<1x16xf32>,
          %get3A_176 = arith.index_cast %squeeze3A_166 : i32 to index
          %get3A_177 = arith.constant 0 : index
          %get3A_178 = tpu.vector_load %arg10[%get3A_176, %get3A_177] {strides = array<i32>} : memref<128x256xf32, #tpu.memory_space<vmem>>, vector<1x16xf32>,
          %get3A_179 = vector.shape_cast %get3A_178 : vector<1x16xf32> to vector<16xf32>
          %max3A = arith.maximumf %get3A_179, %get3A_171 : vector<16xf32>
          %swap3A_180 = arith.index_cast %squeeze3A_166 : i32 to index
          %swap3A_181 = arith.constant 0 : index
          %swap3A_182 = tpu.vector_load %arg10[%swap3A_180, %swap3A_181] {strides = array<i32>} : memref<128x256xf32, #tpu.memory_space<vmem>>, vector<1x16xf32>,
          %swap3A_183 = vector.shape_cast %swap3A_182 : vector<1x16xf32> to vector<16xf32>
          %swap3A_184 = vector.shape_cast %max3A : vector<16xf32> to vector<1x16xf32>
          tpu.vector_store %arg10[%swap3A_180, %swap3A_181], %swap3A_184 {strides = array<i32>} : memref<128x256xf32, #tpu.memory_space<vmem>>, vector<1x16xf32>,
          %get3A_185 = arith.index_cast %rem3A_122 : i32 to index
          %get3A_186 = arith.index_cast %scan3A_159 : i32 to index
          %get3A_187 = arith.constant 16 : index
          %get3A_188 = tpu.vector_load %arg7[%get3A_185, %get3A_186, %get3A_187] {strides = array<i32>} : memref<5x32x256xf32, #tpu.memory_space<vmem>>, vector<1x1x16xf32>,
          %get3A_189 = vector.shape_cast %get3A_188 : vector<1x1x16xf32> to vector<16xf32>
          %swap3A_190 = arith.index_cast %squeeze3A_166 : i32 to index
          %swap3A_191 = arith.constant 16 : index
          %swap3A_192 = tpu.vector_load %arg9[%swap3A_190, %swap3A_191] {strides = array<i32>} : memref<128x256xf32, #tpu.memory_space<vmem>>, vector<1x16xf32>,
          %swap3A_193 = vector.shape_cast %swap3A_192 : vector<1x16xf32> to vector<16xf32>
          %swap3A_194 = vector.shape_cast %get3A_189 : vector<16xf32> to vector<1x16xf32>
          tpu.vector_store %arg9[%swap3A_190, %swap3A_191], %swap3A_194 {add = true, strides = array<i32>} : memref<128x256xf32, #tpu.memory_space<vmem>>, vector<1x16xf32>,
          %get3A_195 = arith.index_cast %squeeze3A_166 : i32 to index
          %get3A_196 = arith.constant 16 : index
          %get3A_197 = tpu.vector_load %arg10[%get3A_195, %get3A_196] {strides = array<i32>} : memref<128x256xf32, #tpu.memory_space<vmem>>, vector<1x16xf32>,
          %get3A_198 = vector.shape_cast %get3A_197 : vector<1x16xf32> to vector<16xf32>
          %max3A_199 = arith.maximumf %get3A_198, %get3A_189 : vector<16xf32>
          %swap3A_200 = arith.index_cast %squeeze3A_166 : i32 to index
          %swap3A_201 = arith.constant 16 : index
          %swap3A_202 = tpu.vector_load %arg10[%swap3A_200, %swap3A_201] {strides = array<i32>} : memref<128x256xf32, #tpu.memory_space<vmem>>, vector<1x16xf32>,
          %swap3A_203 = vector.shape_cast %swap3A_202 : vector<1x16xf32> to vector<16xf32>
          %swap3A_204 = vector.shape_cast %max3A_199 : vector<16xf32> to vector<1x16xf32>
          tpu.vector_store %arg10[%swap3A_200, %swap3A_201], %swap3A_204 {strides = array<i32>} : memref<128x256xf32, #tpu.memory_space<vmem>>, vector<1x16xf32>,
          %get3A_205 = arith.index_cast %rem3A_122 : i32 to index
          %get3A_206 = arith.index_cast %scan3A_159 : i32 to index
          %get3A_207 = arith.constant 32 : index
          %get3A_208 = tpu.vector_load %arg7[%get3A_205, %get3A_206, %get3A_207] {strides = array<i32>} : memref<5x32x256xf32, #tpu.memory_space<vmem>>, vector<1x1x16xf32>,
          %get3A_209 = vector.shape_cast %get3A_208 : vector<1x1x16xf32> to vector<16xf32>
          %swap3A_210 = arith.index_cast %squeeze3A_166 : i32 to index
          %swap3A_211 = arith.constant 32 : index
          %swap3A_212 = tpu.vector_load %arg9[%swap3A_210, %swap3A_211] {strides = array<i32>} : memref<128x256xf32, #tpu.memory_space<vmem>>, vector<1x16xf32>,
          %swap3A_213 = vector.shape_cast %swap3A_212 : vector<1x16xf32> to vector<16xf32>
          %swap3A_214 = vector.shape_cast %get3A_209 : vector<16xf32> to vector<1x16xf32>
          tpu.vector_store %arg9[%swap3A_210, %swap3A_211], %swap3A_214 {add = true, strides = array<i32>} : memref<128x256xf32, #tpu.memory_space<vmem>>, vector<1x16xf32>,
          %get3A_215 = arith.index_cast %squeeze3A_166 : i32 to index
          %get3A_216 = arith.constant 32 : index
          %get3A_217 = tpu.vector_load %arg10[%get3A_215, %get3A_216] {strides = array<i32>} : memref<128x256xf32, #tpu.memory_space<vmem>>, vector<1x16xf32>,
          %get3A_218 = vector.shape_cast %get3A_217 : vector<1x16xf32> to vector<16xf32>
          %max3A_219 = arith.maximumf %get3A_218, %get3A_209 : vector<16xf32>
          %swap3A_220 = arith.index_cast %squeeze3A_166 : i32 to index
          %swap3A_221 = arith.constant 32 : index
          %swap3A_222 = tpu.vector_load %arg10[%swap3A_220, %swap3A_221] {strides = array<i32>} : memref<128x256xf32, #tpu.memory_space<vmem>>, vector<1x16xf32>,
          %swap3A_223 = vector.shape_cast %swap3A_222 : vector<1x16xf32> to vector<16xf32>
          %swap3A_224 = vector.shape_cast %max3A_219 : vector<16xf32> to vector<1x16xf32>
          tpu.vector_store %arg10[%swap3A_220, %swap3A_221], %swap3A_224 {strides = array<i32>} : memref<128x256xf32, #tpu.memory_space<vmem>>, vector<1x16xf32>,
          %get3A_225 = arith.index_cast %rem3A_122 : i32 to index
          %get3A_226 = arith.index_cast %scan3A_159 : i32 to index
          %get3A_227 = arith.constant 48 : index
          %get3A_228 = tpu.vector_load %arg7[%get3A_225, %get3A_226, %get3A_227] {strides = array<i32>} : memref<5x32x256xf32, #tpu.memory_space<vmem>>, vector<1x1x16xf32>,
          %get3A_229 = vector.shape_cast %get3A_228 : vector<1x1x16xf32> to vector<16xf32>
          %swap3A_230 = arith.index_cast %squeeze3A_166 : i32 to index
          %swap3A_231 = arith.constant 48 : index
          %swap3A_232 = tpu.vector_load %arg9[%swap3A_230, %swap3A_231] {strides = array<i32>} : memref<128x256xf32, #tpu.memory_space<vmem>>, vector<1x16xf32>,
          %swap3A_233 = vector.shape_cast %swap3A_232 : vector<1x16xf32> to vector<16xf32>
          %swap3A_234 = vector.shape_cast %get3A_229 : vector<16xf32> to vector<1x16xf32>
          tpu.vector_store %arg9[%swap3A_230, %swap3A_231], %swap3A_234 {add = true, strides = array<i32>} : memref<128x256xf32, #tpu.memory_space<vmem>>, vector<1x16xf32>,
          %get3A_235 = arith.index_cast %squeeze3A_166 : i32 to index
          %get3A_236 = arith.constant 48 : index
          %get3A_237 = tpu.vector_load %arg10[%get3A_235, %get3A_236] {strides = array<i32>} : memref<128x256xf32, #tpu.memory_space<vmem>>, vector<1x16xf32>,
          %get3A_238 = vector.shape_cast %get3A_237 : vector<1x16xf32> to vector<16xf32>
          %max3A_239 = arith.maximumf %get3A_238, %get3A_229 : vector<16xf32>
          %swap3A_240 = arith.index_cast %squeeze3A_166 : i32 to index
          %swap3A_241 = arith.constant 48 : index
          %swap3A_242 = tpu.vector_load %arg10[%swap3A_240, %swap3A_241] {strides = array<i32>} : memref<128x256xf32, #tpu.memory_space<vmem>>, vector<1x16xf32>,
          %swap3A_243 = vector.shape_cast %swap3A_242 : vector<1x16xf32> to vector<16xf32>
          %swap3A_244 = vector.shape_cast %max3A_239 : vector<16xf32> to vector<1x16xf32>
          tpu.vector_store %arg10[%swap3A_240, %swap3A_241], %swap3A_244 {strides = array<i32>} : memref<128x256xf32, #tpu.memory_space<vmem>>, vector<1x16xf32>,
          %get3A_245 = arith.index_cast %rem3A_122 : i32 to index
          %get3A_246 = arith.index_cast %scan3A_159 : i32 to index
          %get3A_247 = arith.constant 64 : index
          %get3A_248 = tpu.vector_load %arg7[%get3A_245, %get3A_246, %get3A_247] {strides = array<i32>} : memref<5x32x256xf32, #tpu.memory_space<vmem>>, vector<1x1x16xf32>,
          %get3A_249 = vector.shape_cast %get3A_248 : vector<1x1x16xf32> to vector<16xf32>
          %swap3A_250 = arith.index_cast %squeeze3A_166 : i32 to index
          %swap3A_251 = arith.constant 64 : index
          %swap3A_252 = tpu.vector_load %arg9[%swap3A_250, %swap3A_251] {strides = array<i32>} : memref<128x256xf32, #tpu.memory_space<vmem>>, vector<1x16xf32>,
          %swap3A_253 = vector.shape_cast %swap3A_252 : vector<1x16xf32> to vector<16xf32>
          %swap3A_254 = vector.shape_cast %get3A_249 : vector<16xf32> to vector<1x16xf32>
          tpu.vector_store %arg9[%swap3A_250, %swap3A_251], %swap3A_254 {add = true, strides = array<i32>} : memref<128x256xf32, #tpu.memory_space<vmem>>, vector<1x16xf32>,
          %get3A_255 = arith.index_cast %squeeze3A_166 : i32 to index
          %get3A_256 = arith.constant 64 : index
          %get3A_257 = tpu.vector_load %arg10[%get3A_255, %get3A_256] {strides = array<i32>} : memref<128x256xf32, #tpu.memory_space<vmem>>, vector<1x16xf32>,
          %get3A_258 = vector.shape_cast %get3A_257 : vector<1x16xf32> to vector<16xf32>
          %max3A_259 = arith.maximumf %get3A_258, %get3A_249 : vector<16xf32>
          %swap3A_260 = arith.index_cast %squeeze3A_166 : i32 to index
          %swap3A_261 = arith.constant 64 : index
          %swap3A_262 = tpu.vector_load %arg10[%swap3A_260, %swap3A_261] {strides = array<i32>} : memref<128x256xf32, #tpu.memory_space<vmem>>, vector<1x16xf32>,
          %swap3A_263 = vector.shape_cast %swap3A_262 : vector<1x16xf32> to vector<16xf32>
          %swap3A_264 = vector.shape_cast %max3A_259 : vector<16xf32> to vector<1x16xf32>
          tpu.vector_store %arg10[%swap3A_260, %swap3A_261], %swap3A_264 {strides = array<i32>} : memref<128x256xf32, #tpu.memory_space<vmem>>, vector<1x16xf32>,
          %get3A_265 = arith.index_cast %rem3A_122 : i32 to index
          %get3A_266 = arith.index_cast %scan3A_159 : i32 to index
          %get3A_267 = arith.constant 80 : index
          %get3A_268 = tpu.vector_load %arg7[%get3A_265, %get3A_266, %get3A_267] {strides = array<i32>} : memref<5x32x256xf32, #tpu.memory_space<vmem>>, vector<1x1x16xf32>,
          %get3A_269 = vector.shape_cast %get3A_268 : vector<1x1x16xf32> to vector<16xf32>
          %swap3A_270 = arith.index_cast %squeeze3A_166 : i32 to index
          %swap3A_271 = arith.constant 80 : index
          %swap3A_272 = tpu.vector_load %arg9[%swap3A_270, %swap3A_271] {strides = array<i32>} : memref<128x256xf32, #tpu.memory_space<vmem>>, vector<1x16xf32>,
          %swap3A_273 = vector.shape_cast %swap3A_272 : vector<1x16xf32> to vector<16xf32>
          %swap3A_274 = vector.shape_cast %get3A_269 : vector<16xf32> to vector<1x16xf32>
          tpu.vector_store %arg9[%swap3A_270, %swap3A_271], %swap3A_274 {add = true, strides = array<i32>} : memref<128x256xf32, #tpu.memory_space<vmem>>, vector<1x16xf32>,
          %get3A_275 = arith.index_cast %squeeze3A_166 : i32 to index
          %get3A_276 = arith.constant 80 : index
          %get3A_277 = tpu.vector_load %arg10[%get3A_275, %get3A_276] {strides = array<i32>} : memref<128x256xf32, #tpu.memory_space<vmem>>, vector<1x16xf32>,
          %get3A_278 = vector.shape_cast %get3A_277 : vector<1x16xf32> to vector<16xf32>
          %max3A_279 = arith.maximumf %get3A_278, %get3A_269 : vector<16xf32>
          %swap3A_280 = arith.index_cast %squeeze3A_166 : i32 to index
          %swap3A_281 = arith.constant 80 : index
          %swap3A_282 = tpu.vector_load %arg10[%swap3A_280, %swap3A_281] {strides = array<i32>} : memref<128x256xf32, #tpu.memory_space<vmem>>, vector<1x16xf32>,
          %swap3A_283 = vector.shape_cast %swap3A_282 : vector<1x16xf32> to vector<16xf32>
          %swap3A_284 = vector.shape_cast %max3A_279 : vector<16xf32> to vector<1x16xf32>
          tpu.vector_store %arg10[%swap3A_280, %swap3A_281], %swap3A_284 {strides = array<i32>} : memref<128x256xf32, #tpu.memory_space<vmem>>, vector<1x16xf32>,
          %get3A_285 = arith.index_cast %rem3A_122 : i32 to index
          %get3A_286 = arith.index_cast %scan3A_159 : i32 to index
          %get3A_287 = arith.constant 96 : index
          %get3A_288 = tpu.vector_load %arg7[%get3A_285, %get3A_286, %get3A_287] {strides = array<i32>} : memref<5x32x256xf32, #tpu.memory_space<vmem>>, vector<1x1x16xf32>,
          %get3A_289 = vector.shape_cast %get3A_288 : vector<1x1x16xf32> to vector<16xf32>
          %swap3A_290 = arith.index_cast %squeeze3A_166 : i32 to index
          %swap3A_291 = arith.constant 96 : index
          %swap3A_292 = tpu.vector_load %arg9[%swap3A_290, %swap3A_291] {strides = array<i32>} : memref<128x256xf32, #tpu.memory_space<vmem>>, vector<1x16xf32>,
          %swap3A_293 = vector.shape_cast %swap3A_292 : vector<1x16xf32> to vector<16xf32>
          %swap3A_294 = vector.shape_cast %get3A_289 : vector<16xf32> to vector<1x16xf32>
          tpu.vector_store %arg9[%swap3A_290, %swap3A_291], %swap3A_294 {add = true, strides = array<i32>} : memref<128x256xf32, #tpu.memory_space<vmem>>, vector<1x16xf32>,
          %get3A_295 = arith.index_cast %squeeze3A_166 : i32 to index
          %get3A_296 = arith.constant 96 : index
          %get3A_297 = tpu.vector_load %arg10[%get3A_295, %get3A_296] {strides = array<i32>} : memref<128x256xf32, #tpu.memory_space<vmem>>, vector<1x16xf32>,
          %get3A_298 = vector.shape_cast %get3A_297 : vector<1x16xf32> to vector<16xf32>
          %max3A_299 = arith.maximumf %get3A_298, %get3A_289 : vector<16xf32>
          %swap3A_300 = arith.index_cast %squeeze3A_166 : i32 to index
          %swap3A_301 = arith.constant 96 : index
          %swap3A_302 = tpu.vector_load %arg10[%swap3A_300, %swap3A_301] {strides = array<i32>} : memref<128x256xf32, #tpu.memory_space<vmem>>, vector<1x16xf32>,
          %swap3A_303 = vector.shape_cast %swap3A_302 : vector<1x16xf32> to vector<16xf32>
          %swap3A_304 = vector.shape_cast %max3A_299 : vector<16xf32> to vector<1x16xf32>
          tpu.vector_store %arg10[%swap3A_300, %swap3A_301], %swap3A_304 {strides = array<i32>} : memref<128x256xf32, #tpu.memory_space<vmem>>, vector<1x16xf32>,
          %get3A_305 = arith.index_cast %rem3A_122 : i32 to index
          %get3A_306 = arith.index_cast %scan3A_159 : i32 to index
          %get3A_307 = arith.constant 112 : index
          %get3A_308 = tpu.vector_load %arg7[%get3A_305, %get3A_306, %get3A_307] {strides = array<i32>} : memref<5x32x256xf32, #tpu.memory_space<vmem>>, vector<1x1x16xf32>,
          %get3A_309 = vector.shape_cast %get3A_308 : vector<1x1x16xf32> to vector<16xf32>
          %swap3A_310 = arith.index_cast %squeeze3A_166 : i32 to index
          %swap3A_311 = arith.constant 112 : index
          %swap3A_312 = tpu.vector_load %arg9[%swap3A_310, %swap3A_311] {strides = array<i32>} : memref<128x256xf32, #tpu.memory_space<vmem>>, vector<1x16xf32>,
          %swap3A_313 = vector.shape_cast %swap3A_312 : vector<1x16xf32> to vector<16xf32>
          %swap3A_314 = vector.shape_cast %get3A_309 : vector<16xf32> to vector<1x16xf32>
          tpu.vector_store %arg9[%swap3A_310, %swap3A_311], %swap3A_314 {add = true, strides = array<i32>} : memref<128x256xf32, #tpu.memory_space<vmem>>, vector<1x16xf32>,
          %get3A_315 = arith.index_cast %squeeze3A_166 : i32 to index
          %get3A_316 = arith.constant 112 : index
          %get3A_317 = tpu.vector_load %arg10[%get3A_315, %get3A_316] {strides = array<i32>} : memref<128x256xf32, #tpu.memory_space<vmem>>, vector<1x16xf32>,
          %get3A_318 = vector.shape_cast %get3A_317 : vector<1x16xf32> to vector<16xf32>
          %max3A_319 = arith.maximumf %get3A_318, %get3A_309 : vector<16xf32>
          %swap3A_320 = arith.index_cast %squeeze3A_166 : i32 to index
          %swap3A_321 = arith.constant 112 : index
          %swap3A_322 = tpu.vector_load %arg10[%swap3A_320, %swap3A_321] {strides = array<i32>} : memref<128x256xf32, #tpu.memory_space<vmem>>, vector<1x16xf32>,
          %swap3A_323 = vector.shape_cast %swap3A_322 : vector<1x16xf32> to vector<16xf32>
          %swap3A_324 = vector.shape_cast %max3A_319 : vector<16xf32> to vector<1x16xf32>
          tpu.vector_store %arg10[%swap3A_320, %swap3A_321], %swap3A_324 {strides = array<i32>} : memref<128x256xf32, #tpu.memory_space<vmem>>, vector<1x16xf32>,
          %get3A_325 = arith.index_cast %rem3A_122 : i32 to index
          %get3A_326 = arith.index_cast %scan3A_159 : i32 to index
          %get3A_327 = arith.constant 128 : index
          %get3A_328 = tpu.vector_load %arg7[%get3A_325, %get3A_326, %get3A_327] {strides = array<i32>} : memref<5x32x256xf32, #tpu.memory_space<vmem>>, vector<1x1x16xf32>,
          %get3A_329 = vector.shape_cast %get3A_328 : vector<1x1x16xf32> to vector<16xf32>
          %swap3A_330 = arith.index_cast %squeeze3A_166 : i32 to index
          %swap3A_331 = arith.constant 128 : index
          %swap3A_332 = tpu.vector_load %arg9[%swap3A_330, %swap3A_331] {strides = array<i32>} : memref<128x256xf32, #tpu.memory_space<vmem>>, vector<1x16xf32>,
          %swap3A_333 = vector.shape_cast %swap3A_332 : vector<1x16xf32> to vector<16xf32>
          %swap3A_334 = vector.shape_cast %get3A_329 : vector<16xf32> to vector<1x16xf32>
          tpu.vector_store %arg9[%swap3A_330, %swap3A_331], %swap3A_334 {add = true, strides = array<i32>} : memref<128x256xf32, #tpu.memory_space<vmem>>, vector<1x16xf32>,
          %get3A_335 = arith.index_cast %squeeze3A_166 : i32 to index
          %get3A_336 = arith.constant 128 : index
          %get3A_337 = tpu.vector_load %arg10[%get3A_335, %get3A_336] {strides = array<i32>} : memref<128x256xf32, #tpu.memory_space<vmem>>, vector<1x16xf32>,
          %get3A_338 = vector.shape_cast %get3A_337 : vector<1x16xf32> to vector<16xf32>
          %max3A_339 = arith.maximumf %get3A_338, %get3A_329 : vector<16xf32>
          %swap3A_340 = arith.index_cast %squeeze3A_166 : i32 to index
          %swap3A_341 = arith.constant 128 : index
          %swap3A_342 = tpu.vector_load %arg10[%swap3A_340, %swap3A_341] {strides = array<i32>} : memref<128x256xf32, #tpu.memory_space<vmem>>, vector<1x16xf32>,
          %swap3A_343 = vector.shape_cast %swap3A_342 : vector<1x16xf32> to vector<16xf32>
          %swap3A_344 = vector.shape_cast %max3A_339 : vector<16xf32> to vector<1x16xf32>
          tpu.vector_store %arg10[%swap3A_340, %swap3A_341], %swap3A_344 {strides = array<i32>} : memref<128x256xf32, #tpu.memory_space<vmem>>, vector<1x16xf32>,
          %get3A_345 = arith.index_cast %rem3A_122 : i32 to index
          %get3A_346 = arith.index_cast %scan3A_159 : i32 to index
          %get3A_347 = arith.constant 144 : index
          %get3A_348 = tpu.vector_load %arg7[%get3A_345, %get3A_346, %get3A_347] {strides = array<i32>} : memref<5x32x256xf32, #tpu.memory_space<vmem>>, vector<1x1x16xf32>,
          %get3A_349 = vector.shape_cast %get3A_348 : vector<1x1x16xf32> to vector<16xf32>
          %swap3A_350 = arith.index_cast %squeeze3A_166 : i32 to index
          %swap3A_351 = arith.constant 144 : index
          %swap3A_352 = tpu.vector_load %arg9[%swap3A_350, %swap3A_351] {strides = array<i32>} : memref<128x256xf32, #tpu.memory_space<vmem>>, vector<1x16xf32>,
          %swap3A_353 = vector.shape_cast %swap3A_352 : vector<1x16xf32> to vector<16xf32>
          %swap3A_354 = vector.shape_cast %get3A_349 : vector<16xf32> to vector<1x16xf32>
          tpu.vector_store %arg9[%swap3A_350, %swap3A_351], %swap3A_354 {add = true, strides = array<i32>} : memref<128x256xf32, #tpu.memory_space<vmem>>, vector<1x16xf32>,
          %get3A_355 = arith.index_cast %squeeze3A_166 : i32 to index
          %get3A_356 = arith.constant 144 : index
          %get3A_357 = tpu.vector_load %arg10[%get3A_355, %get3A_356] {strides = array<i32>} : memref<128x256xf32, #tpu.memory_space<vmem>>, vector<1x16xf32>,
          %get3A_358 = vector.shape_cast %get3A_357 : vector<1x16xf32> to vector<16xf32>
          %max3A_359 = arith.maximumf %get3A_358, %get3A_349 : vector<16xf32>
          %swap3A_360 = arith.index_cast %squeeze3A_166 : i32 to index
          %swap3A_361 = arith.constant 144 : index
          %swap3A_362 = tpu.vector_load %arg10[%swap3A_360, %swap3A_361] {strides = array<i32>} : memref<128x256xf32, #tpu.memory_space<vmem>>, vector<1x16xf32>,
          %swap3A_363 = vector.shape_cast %swap3A_362 : vector<1x16xf32> to vector<16xf32>
          %swap3A_364 = vector.shape_cast %max3A_359 : vector<16xf32> to vector<1x16xf32>
          tpu.vector_store %arg10[%swap3A_360, %swap3A_361], %swap3A_364 {strides = array<i32>} : memref<128x256xf32, #tpu.memory_space<vmem>>, vector<1x16xf32>,
          %get3A_365 = arith.index_cast %rem3A_122 : i32 to index
          %get3A_366 = arith.index_cast %scan3A_159 : i32 to index
          %get3A_367 = arith.constant 160 : index
          %get3A_368 = tpu.vector_load %arg7[%get3A_365, %get3A_366, %get3A_367] {strides = array<i32>} : memref<5x32x256xf32, #tpu.memory_space<vmem>>, vector<1x1x16xf32>,
          %get3A_369 = vector.shape_cast %get3A_368 : vector<1x1x16xf32> to vector<16xf32>
          %swap3A_370 = arith.index_cast %squeeze3A_166 : i32 to index
          %swap3A_371 = arith.constant 160 : index
          %swap3A_372 = tpu.vector_load %arg9[%swap3A_370, %swap3A_371] {strides = array<i32>} : memref<128x256xf32, #tpu.memory_space<vmem>>, vector<1x16xf32>,
          %swap3A_373 = vector.shape_cast %swap3A_372 : vector<1x16xf32> to vector<16xf32>
          %swap3A_374 = vector.shape_cast %get3A_369 : vector<16xf32> to vector<1x16xf32>
          tpu.vector_store %arg9[%swap3A_370, %swap3A_371], %swap3A_374 {add = true, strides = array<i32>} : memref<128x256xf32, #tpu.memory_space<vmem>>, vector<1x16xf32>,
          %get3A_375 = arith.index_cast %squeeze3A_166 : i32 to index
          %get3A_376 = arith.constant 160 : index
          %get3A_377 = tpu.vector_load %arg10[%get3A_375, %get3A_376] {strides = array<i32>} : memref<128x256xf32, #tpu.memory_space<vmem>>, vector<1x16xf32>,
          %get3A_378 = vector.shape_cast %get3A_377 : vector<1x16xf32> to vector<16xf32>
          %max3A_379 = arith.maximumf %get3A_378, %get3A_369 : vector<16xf32>
          %swap3A_380 = arith.index_cast %squeeze3A_166 : i32 to index
          %swap3A_381 = arith.constant 160 : index
          %swap3A_382 = tpu.vector_load %arg10[%swap3A_380, %swap3A_381] {strides = array<i32>} : memref<128x256xf32, #tpu.memory_space<vmem>>, vector<1x16xf32>,
          %swap3A_383 = vector.shape_cast %swap3A_382 : vector<1x16xf32> to vector<16xf32>
          %swap3A_384 = vector.shape_cast %max3A_379 : vector<16xf32> to vector<1x16xf32>
          tpu.vector_store %arg10[%swap3A_380, %swap3A_381], %swap3A_384 {strides = array<i32>} : memref<128x256xf32, #tpu.memory_space<vmem>>, vector<1x16xf32>,
          %get3A_385 = arith.index_cast %rem3A_122 : i32 to index
          %get3A_386 = arith.index_cast %scan3A_159 : i32 to index
          %get3A_387 = arith.constant 176 : index
          %get3A_388 = tpu.vector_load %arg7[%get3A_385, %get3A_386, %get3A_387] {strides = array<i32>} : memref<5x32x256xf32, #tpu.memory_space<vmem>>, vector<1x1x16xf32>,
          %get3A_389 = vector.shape_cast %get3A_388 : vector<1x1x16xf32> to vector<16xf32>
          %swap3A_390 = arith.index_cast %squeeze3A_166 : i32 to index
          %swap3A_391 = arith.constant 176 : index
          %swap3A_392 = tpu.vector_load %arg9[%swap3A_390, %swap3A_391] {strides = array<i32>} : memref<128x256xf32, #tpu.memory_space<vmem>>, vector<1x16xf32>,
          %swap3A_393 = vector.shape_cast %swap3A_392 : vector<1x16xf32> to vector<16xf32>
          %swap3A_394 = vector.shape_cast %get3A_389 : vector<16xf32> to vector<1x16xf32>
          tpu.vector_store %arg9[%swap3A_390, %swap3A_391], %swap3A_394 {add = true, strides = array<i32>} : memref<128x256xf32, #tpu.memory_space<vmem>>, vector<1x16xf32>,
          %get3A_395 = arith.index_cast %squeeze3A_166 : i32 to index
          %get3A_396 = arith.constant 176 : index
          %get3A_397 = tpu.vector_load %arg10[%get3A_395, %get3A_396] {strides = array<i32>} : memref<128x256xf32, #tpu.memory_space<vmem>>, vector<1x16xf32>,
          %get3A_398 = vector.shape_cast %get3A_397 : vector<1x16xf32> to vector<16xf32>
          %max3A_399 = arith.maximumf %get3A_398, %get3A_389 : vector<16xf32>
          %swap3A_400 = arith.index_cast %squeeze3A_166 : i32 to index
          %swap3A_401 = arith.constant 176 : index
          %swap3A_402 = tpu.vector_load %arg10[%swap3A_400, %swap3A_401] {strides = array<i32>} : memref<128x256xf32, #tpu.memory_space<vmem>>, vector<1x16xf32>,
          %swap3A_403 = vector.shape_cast %swap3A_402 : vector<1x16xf32> to vector<16xf32>
          %swap3A_404 = vector.shape_cast %max3A_399 : vector<16xf32> to vector<1x16xf32>
          tpu.vector_store %arg10[%swap3A_400, %swap3A_401], %swap3A_404 {strides = array<i32>} : memref<128x256xf32, #tpu.memory_space<vmem>>, vector<1x16xf32>,
          %get3A_405 = arith.index_cast %rem3A_122 : i32 to index
          %get3A_406 = arith.index_cast %scan3A_159 : i32 to index
          %get3A_407 = arith.constant 192 : index
          %get3A_408 = tpu.vector_load %arg7[%get3A_405, %get3A_406, %get3A_407] {strides = array<i32>} : memref<5x32x256xf32, #tpu.memory_space<vmem>>, vector<1x1x16xf32>,
          %get3A_409 = vector.shape_cast %get3A_408 : vector<1x1x16xf32> to vector<16xf32>
          %swap3A_410 = arith.index_cast %squeeze3A_166 : i32 to index
          %swap3A_411 = arith.constant 192 : index
          %swap3A_412 = tpu.vector_load %arg9[%swap3A_410, %swap3A_411] {strides = array<i32>} : memref<128x256xf32, #tpu.memory_space<vmem>>, vector<1x16xf32>,
          %swap3A_413 = vector.shape_cast %swap3A_412 : vector<1x16xf32> to vector<16xf32>
          %swap3A_414 = vector.shape_cast %get3A_409 : vector<16xf32> to vector<1x16xf32>
          tpu.vector_store %arg9[%swap3A_410, %swap3A_411], %swap3A_414 {add = true, strides = array<i32>} : memref<128x256xf32, #tpu.memory_space<vmem>>, vector<1x16xf32>,
          %get3A_415 = arith.index_cast %squeeze3A_166 : i32 to index
          %get3A_416 = arith.constant 192 : index
          %get3A_417 = tpu.vector_load %arg10[%get3A_415, %get3A_416] {strides = array<i32>} : memref<128x256xf32, #tpu.memory_space<vmem>>, vector<1x16xf32>,
          %get3A_418 = vector.shape_cast %get3A_417 : vector<1x16xf32> to vector<16xf32>
          %max3A_419 = arith.maximumf %get3A_418, %get3A_409 : vector<16xf32>
          %swap3A_420 = arith.index_cast %squeeze3A_166 : i32 to index
          %swap3A_421 = arith.constant 192 : index
          %swap3A_422 = tpu.vector_load %arg10[%swap3A_420, %swap3A_421] {strides = array<i32>} : memref<128x256xf32, #tpu.memory_space<vmem>>, vector<1x16xf32>,
          %swap3A_423 = vector.shape_cast %swap3A_422 : vector<1x16xf32> to vector<16xf32>
          %swap3A_424 = vector.shape_cast %max3A_419 : vector<16xf32> to vector<1x16xf32>
          tpu.vector_store %arg10[%swap3A_420, %swap3A_421], %swap3A_424 {strides = array<i32>} : memref<128x256xf32, #tpu.memory_space<vmem>>, vector<1x16xf32>,
          %get3A_425 = arith.index_cast %rem3A_122 : i32 to index
          %get3A_426 = arith.index_cast %scan3A_159 : i32 to index
          %get3A_427 = arith.constant 208 : index
          %get3A_428 = tpu.vector_load %arg7[%get3A_425, %get3A_426, %get3A_427] {strides = array<i32>} : memref<5x32x256xf32, #tpu.memory_space<vmem>>, vector<1x1x16xf32>,
          %get3A_429 = vector.shape_cast %get3A_428 : vector<1x1x16xf32> to vector<16xf32>
          %swap3A_430 = arith.index_cast %squeeze3A_166 : i32 to index
          %swap3A_431 = arith.constant 208 : index
          %swap3A_432 = tpu.vector_load %arg9[%swap3A_430, %swap3A_431] {strides = array<i32>} : memref<128x256xf32, #tpu.memory_space<vmem>>, vector<1x16xf32>,
          %swap3A_433 = vector.shape_cast %swap3A_432 : vector<1x16xf32> to vector<16xf32>
          %swap3A_434 = vector.shape_cast %get3A_429 : vector<16xf32> to vector<1x16xf32>
          tpu.vector_store %arg9[%swap3A_430, %swap3A_431], %swap3A_434 {add = true, strides = array<i32>} : memref<128x256xf32, #tpu.memory_space<vmem>>, vector<1x16xf32>,
          %get3A_435 = arith.index_cast %squeeze3A_166 : i32 to index
          %get3A_436 = arith.constant 208 : index
          %get3A_437 = tpu.vector_load %arg10[%get3A_435, %get3A_436] {strides = array<i32>} : memref<128x256xf32, #tpu.memory_space<vmem>>, vector<1x16xf32>,
          %get3A_438 = vector.shape_cast %get3A_437 : vector<1x16xf32> to vector<16xf32>
          %max3A_439 = arith.maximumf %get3A_438, %get3A_429 : vector<16xf32>
          %swap3A_440 = arith.index_cast %squeeze3A_166 : i32 to index
          %swap3A_441 = arith.constant 208 : index
          %swap3A_442 = tpu.vector_load %arg10[%swap3A_440, %swap3A_441] {strides = array<i32>} : memref<128x256xf32, #tpu.memory_space<vmem>>, vector<1x16xf32>,
          %swap3A_443 = vector.shape_cast %swap3A_442 : vector<1x16xf32> to vector<16xf32>
          %swap3A_444 = vector.shape_cast %max3A_439 : vector<16xf32> to vector<1x16xf32>
          tpu.vector_store %arg10[%swap3A_440, %swap3A_441], %swap3A_444 {strides = array<i32>} : memref<128x256xf32, #tpu.memory_space<vmem>>, vector<1x16xf32>,
          %get3A_445 = arith.index_cast %rem3A_122 : i32 to index
          %get3A_446 = arith.index_cast %scan3A_159 : i32 to index
          %get3A_447 = arith.constant 224 : index
          %get3A_448 = tpu.vector_load %arg7[%get3A_445, %get3A_446, %get3A_447] {strides = array<i32>} : memref<5x32x256xf32, #tpu.memory_space<vmem>>, vector<1x1x16xf32>,
          %get3A_449 = vector.shape_cast %get3A_448 : vector<1x1x16xf32> to vector<16xf32>
          %swap3A_450 = arith.index_cast %squeeze3A_166 : i32 to index
          %swap3A_451 = arith.constant 224 : index
          %swap3A_452 = tpu.vector_load %arg9[%swap3A_450, %swap3A_451] {strides = array<i32>} : memref<128x256xf32, #tpu.memory_space<vmem>>, vector<1x16xf32>,
          %swap3A_453 = vector.shape_cast %swap3A_452 : vector<1x16xf32> to vector<16xf32>
          %swap3A_454 = vector.shape_cast %get3A_449 : vector<16xf32> to vector<1x16xf32>
          tpu.vector_store %arg9[%swap3A_450, %swap3A_451], %swap3A_454 {add = true, strides = array<i32>} : memref<128x256xf32, #tpu.memory_space<vmem>>, vector<1x16xf32>,
          %get3A_455 = arith.index_cast %squeeze3A_166 : i32 to index
          %get3A_456 = arith.constant 224 : index
          %get3A_457 = tpu.vector_load %arg10[%get3A_455, %get3A_456] {strides = array<i32>} : memref<128x256xf32, #tpu.memory_space<vmem>>, vector<1x16xf32>,
          %get3A_458 = vector.shape_cast %get3A_457 : vector<1x16xf32> to vector<16xf32>
          %max3A_459 = arith.maximumf %get3A_458, %get3A_449 : vector<16xf32>
          %swap3A_460 = arith.index_cast %squeeze3A_166 : i32 to index
          %swap3A_461 = arith.constant 224 : index
          %swap3A_462 = tpu.vector_load %arg10[%swap3A_460, %swap3A_461] {strides = array<i32>} : memref<128x256xf32, #tpu.memory_space<vmem>>, vector<1x16xf32>,
          %swap3A_463 = vector.shape_cast %swap3A_462 : vector<1x16xf32> to vector<16xf32>
          %swap3A_464 = vector.shape_cast %max3A_459 : vector<16xf32> to vector<1x16xf32>
          tpu.vector_store %arg10[%swap3A_460, %swap3A_461], %swap3A_464 {strides = array<i32>} : memref<128x256xf32, #tpu.memory_space<vmem>>, vector<1x16xf32>,
          %get3A_465 = arith.index_cast %rem3A_122 : i32 to index
          %get3A_466 = arith.index_cast %scan3A_159 : i32 to index
          %get3A_467 = arith.constant 240 : index
          %get3A_468 = tpu.vector_load %arg7[%get3A_465, %get3A_466, %get3A_467] {strides = array<i32>} : memref<5x32x256xf32, #tpu.memory_space<vmem>>, vector<1x1x16xf32>,
          %get3A_469 = vector.shape_cast %get3A_468 : vector<1x1x16xf32> to vector<16xf32>
          %swap3A_470 = arith.index_cast %squeeze3A_166 : i32 to index
          %swap3A_471 = arith.constant 240 : index
          %swap3A_472 = tpu.vector_load %arg9[%swap3A_470, %swap3A_471] {strides = array<i32>} : memref<128x256xf32, #tpu.memory_space<vmem>>, vector<1x16xf32>,
          %swap3A_473 = vector.shape_cast %swap3A_472 : vector<1x16xf32> to vector<16xf32>
          %swap3A_474 = vector.shape_cast %get3A_469 : vector<16xf32> to vector<1x16xf32>
          tpu.vector_store %arg9[%swap3A_470, %swap3A_471], %swap3A_474 {add = true, strides = array<i32>} : memref<128x256xf32, #tpu.memory_space<vmem>>, vector<1x16xf32>,
          %get3A_475 = arith.index_cast %squeeze3A_166 : i32 to index
          %get3A_476 = arith.constant 240 : index
          %get3A_477 = tpu.vector_load %arg10[%get3A_475, %get3A_476] {strides = array<i32>} : memref<128x256xf32, #tpu.memory_space<vmem>>, vector<1x16xf32>,
          %get3A_478 = vector.shape_cast %get3A_477 : vector<1x16xf32> to vector<16xf32>
          %max3A_479 = arith.maximumf %get3A_478, %get3A_469 : vector<16xf32>
          %swap3A_480 = arith.index_cast %squeeze3A_166 : i32 to index
          %swap3A_481 = arith.constant 240 : index
          %swap3A_482 = tpu.vector_load %arg10[%swap3A_480, %swap3A_481] {strides = array<i32>} : memref<128x256xf32, #tpu.memory_space<vmem>>, vector<1x16xf32>,
          %swap3A_483 = vector.shape_cast %swap3A_482 : vector<1x16xf32> to vector<16xf32>
          %swap3A_484 = vector.shape_cast %max3A_479 : vector<16xf32> to vector<1x16xf32>
          tpu.vector_store %arg10[%swap3A_480, %swap3A_481], %swap3A_484 {strides = array<i32>} : memref<128x256xf32, #tpu.memory_space<vmem>>, vector<1x16xf32>,
          %swap3A_485 = arith.index_cast %squeeze3A_166 : i32 to index
          %swap3A_486 = arith.constant 0 : index
          %swap3A_487 = tpu.vector_load %arg11[%swap3A_485, %swap3A_486] {strides = array<i32>} : memref<128x16xf32, #tpu.memory_space<vmem>>, vector<1x16xf32>,
          %swap3A_488 = vector.shape_cast %swap3A_487 : vector<1x16xf32> to vector<16xf32>
          %swap3A_489 = vector.shape_cast %broadcast_in_dim3A_9 : vector<16xf32> to vector<1x16xf32>
          tpu.vector_store %arg11[%swap3A_485, %swap3A_486], %swap3A_489 {add = true, strides = array<i32>} : memref<128x16xf32, #tpu.memory_space<vmem>>, vector<1x16xf32>,
          %scan3A_490 = arith.constant 0 : i32
          scf.yield %scan3A_490 : i32
        }
        %scan3A_157 = arith.constant 32 : i32
        %cond3A_158 = arith.constant 0 : i32
        scf.yield %cond3A_158 : i32
      }
      %add3A_145 = arith.constant 5 : i32
      %add3A_146 = arith.addi %while3A_106, %add3A_145 : i32
      %lt3A = arith.cmpi slt, %add3A_146, %select_n3A : i32
      %convert_element_type3A_147 = arith.extui %lt3A : i1 to i32
      %cond3A_148 = arith.constant 0 : i32
      %cond3A_149 = arith.cmpi ne, %convert_element_type3A_147, %cond3A_148 : i32
      scf.if %cond3A_149 {
        %add3A_151 = arith.constant 5 : i32
        %add3A_152 = arith.addi %while3A_106, %add3A_151 : i32
        %add3A_153 = arith.constant 5 : i32
        %add3A_154 = arith.addi %while3A_106, %add3A_153 : i32
        %rem3A_155 = arith.constant 5 : i32
        %rem3A_156 = arith.remsi %add3A_154, %rem3A_155 : i32
        %mul3A_157 = arith.constant 32 : i32
        %mul3A_158 = arith.muli %add3A_152, %mul3A_157 : i32
        %add3A_159 = arith.addi %mul3A_2, %mul3A_158 : i32
        %dma_start3A = arith.constant 0 : i32
        %dma_start3A_160 = arith.constant 0 : i32
        %dma_start3A_161 = tpu.memref_slice %arg7[%rem3A_156, %dma_start3A, %dma_start3A_160] : memref<5x32x256xf32, #tpu.memory_space<vmem>> -> memref<1x32x256xf32, #tpu.memory_space<vmem>>
        %dma_start3A_162 = tpu.memref_squeeze %dma_start3A_161 : memref<1x32x256xf32, #tpu.memory_space<vmem>> -> memref<32x256xf32, #tpu.memory_space<vmem>>
        %dma_start3A_163 = arith.constant 0 : i32
        %dma_start3A_164 = tpu.memref_slice %arg2[%add3A_159, %dma_start3A_163] : memref<100000x256xf32, #tpu.memory_space<hbm>> -> memref<32x256xf32, #tpu.memory_space<hbm>>
        %dma_start3A_165 = arith.constant 0 : i32
        %dma_start3A_166 = arith.constant 0 : i32
        %dma_start3A_167 = tpu.memref_slice %arg7[%rem3A_156, %dma_start3A_165, %dma_start3A_166] : memref<5x32x256xf32, #tpu.memory_space<vmem>> -> memref<1x32x256xf32, #tpu.memory_space<vmem>>
        %dma_start3A_168 = tpu.memref_squeeze %dma_start3A_167 : memref<1x32x256xf32, #tpu.memory_space<vmem>> -> memref<32x256xf32, #tpu.memory_space<vmem>>
        %dma_start3A_169 = arith.constant 0 : i32
        %dma_start3A_170 = tpu.memref_slice %arg2[%add3A_159, %dma_start3A_169] : memref<100000x256xf32, #tpu.memory_space<hbm>> -> memref<32x256xf32, #tpu.memory_space<hbm>>
        tpu.enqueue_dma source(%dma_start3A_170 : memref<32x256xf32, #tpu.memory_space<hbm>>) target(%dma_start3A_168 : memref<32x256xf32, #tpu.memory_space<vmem>>) target_semaphore(%arg12 : memref<!tpu.dma_semaphore, #tpu.memory_space<semaphore_mem>>)
      } else {
      }
      %while3A_150 = arith.constant 0 : i32
      scf.yield %while3A_150 : i32
    }
    %add3A_80 = arith.constant 1 : i32
    %add3A_81 = arith.addi %squeeze3A_49, %add3A_80 : i32
    %while3A_82 = arith.constant 0 : i32
    %while3A_83 = arith.subi %add3A_81, %squeeze3A : i32
    %while3A_84 = arith.addi %squeeze3A, %while3A_83 : i32
    %while3A_85 = arith.constant 1 : i32
    %while3A_86 = arith.divsi %while3A_83, %while3A_85 : i32
    %while3A_87 = arith.muli %while3A_86, %while3A_85 : i32
    %while3A_88 = arith.addi %squeeze3A, %while3A_87 : i32
    %while3A_89 = arith.constant 1 : i32
    %while3A_90 = scf.for %while3A_106 = %squeeze3A to %while3A_88 step %while3A_89 iter_args(%while3A_107 = %while3A_82) -> (i32)  : i32 {
      %dma_start3A = arith.constant 0 : i32
      %dma_start3A_108 = tpu.memref_slice %arg9[%while3A_106, %dma_start3A] : memref<128x256xf32, #tpu.memory_space<vmem>> -> memref<1x256xf32, #tpu.memory_space<vmem>>
      %dma_start3A_109 = tpu.memref_squeeze %dma_start3A_108 : memref<1x256xf32, #tpu.memory_space<vmem>> -> memref<256xf32, #tpu.memory_space<vmem>>
      %dma_start3A_110 = arith.constant 0 : i32
      %dma_start3A_111 = tpu.memref_slice %arg4[%add3A, %while3A_106, %dma_start3A_110] : memref<32x128x256xf32, #tpu.memory_space<hbm>> -> memref<1x1x256xf32, #tpu.memory_space<hbm>>
      %dma_start3A_112 = tpu.memref_squeeze %dma_start3A_111 : memref<1x1x256xf32, #tpu.memory_space<hbm>> -> memref<256xf32, #tpu.memory_space<hbm>>
      %dma_start3A_113 = arith.constant 0 : i32
      %dma_start3A_114 = tpu.memref_slice %arg4[%add3A, %while3A_106, %dma_start3A_113] : memref<32x128x256xf32, #tpu.memory_space<hbm>> -> memref<1x1x256xf32, #tpu.memory_space<hbm>>
      %dma_start3A_115 = tpu.memref_squeeze %dma_start3A_114 : memref<1x1x256xf32, #tpu.memory_space<hbm>> -> memref<256xf32, #tpu.memory_space<hbm>>
      %dma_start3A_116 = arith.constant 0 : i32
      %dma_start3A_117 = tpu.memref_slice %arg9[%while3A_106, %dma_start3A_116] : memref<128x256xf32, #tpu.memory_space<vmem>> -> memref<1x256xf32, #tpu.memory_space<vmem>>
      %dma_start3A_118 = tpu.memref_squeeze %dma_start3A_117 : memref<1x256xf32, #tpu.memory_space<vmem>> -> memref<256xf32, #tpu.memory_space<vmem>>
      tpu.enqueue_dma source(%dma_start3A_118 : memref<256xf32, #tpu.memory_space<vmem>>) target(%dma_start3A_115 : memref<256xf32, #tpu.memory_space<hbm>>) target_semaphore(%arg12 : memref<!tpu.dma_semaphore, #tpu.memory_space<semaphore_mem>>)
      %dma_start3A_119 = arith.constant 0 : i32
      %dma_start3A_120 = tpu.memref_slice %arg10[%while3A_106, %dma_start3A_119] : memref<128x256xf32, #tpu.memory_space<vmem>> -> memref<1x256xf32, #tpu.memory_space<vmem>>
      %dma_start3A_121 = tpu.memref_squeeze %dma_start3A_120 : memref<1x256xf32, #tpu.memory_space<vmem>> -> memref<256xf32, #tpu.memory_space<vmem>>
      %dma_start3A_122 = arith.constant 0 : i32
      %dma_start3A_123 = tpu.memref_slice %arg5[%add3A, %while3A_106, %dma_start3A_122] : memref<32x128x256xf32, #tpu.memory_space<hbm>> -> memref<1x1x256xf32, #tpu.memory_space<hbm>>
      %dma_start3A_124 = tpu.memref_squeeze %dma_start3A_123 : memref<1x1x256xf32, #tpu.memory_space<hbm>> -> memref<256xf32, #tpu.memory_space<hbm>>
      %dma_start3A_125 = arith.constant 0 : i32
      %dma_start3A_126 = tpu.memref_slice %arg5[%add3A, %while3A_106, %dma_start3A_125] : memref<32x128x256xf32, #tpu.memory_space<hbm>> -> memref<1x1x256xf32, #tpu.memory_space<hbm>>
      %dma_start3A_127 = tpu.memref_squeeze %dma_start3A_126 : memref<1x1x256xf32, #tpu.memory_space<hbm>> -> memref<256xf32, #tpu.memory_space<hbm>>
      %dma_start3A_128 = arith.constant 0 : i32
      %dma_start3A_129 = tpu.memref_slice %arg10[%while3A_106, %dma_start3A_128] : memref<128x256xf32, #tpu.memory_space<vmem>> -> memref<1x256xf32, #tpu.memory_space<vmem>>
      %dma_start3A_130 = tpu.memref_squeeze %dma_start3A_129 : memref<1x256xf32, #tpu.memory_space<vmem>> -> memref<256xf32, #tpu.memory_space<vmem>>
      tpu.enqueue_dma source(%dma_start3A_130 : memref<256xf32, #tpu.memory_space<vmem>>) target(%dma_start3A_127 : memref<256xf32, #tpu.memory_space<hbm>>) target_semaphore(%arg12 : memref<!tpu.dma_semaphore, #tpu.memory_space<semaphore_mem>>)
      %while3A_131 = arith.constant 0 : i32
      scf.yield %while3A_131 : i32
    }
    %while3A_91 = arith.constant 1 : i32
    %while3A_92 = scf.for %while3A_106 = %while3A_88 to %while3A_84 step %while3A_91 iter_args(%while3A_107 = %while3A_90) -> (i32)  : i32 {
      %dma_start3A = arith.constant 0 : i32
      %dma_start3A_108 = tpu.memref_slice %arg9[%while3A_106, %dma_start3A] : memref<128x256xf32, #tpu.memory_space<vmem>> -> memref<1x256xf32, #tpu.memory_space<vmem>>
      %dma_start3A_109 = tpu.memref_squeeze %dma_start3A_108 : memref<1x256xf32, #tpu.memory_space<vmem>> -> memref<256xf32, #tpu.memory_space<vmem>>
      %dma_start3A_110 = arith.constant 0 : i32
      %dma_start3A_111 = tpu.memref_slice %arg4[%add3A, %while3A_106, %dma_start3A_110] : memref<32x128x256xf32, #tpu.memory_space<hbm>> -> memref<1x1x256xf32, #tpu.memory_space<hbm>>
      %dma_start3A_112 = tpu.memref_squeeze %dma_start3A_111 : memref<1x1x256xf32, #tpu.memory_space<hbm>> -> memref<256xf32, #tpu.memory_space<hbm>>
      %dma_start3A_113 = arith.constant 0 : i32
      %dma_start3A_114 = tpu.memref_slice %arg4[%add3A, %while3A_106, %dma_start3A_113] : memref<32x128x256xf32, #tpu.memory_space<hbm>> -> memref<1x1x256xf32, #tpu.memory_space<hbm>>
      %dma_start3A_115 = tpu.memref_squeeze %dma_start3A_114 : memref<1x1x256xf32, #tpu.memory_space<hbm>> -> memref<256xf32, #tpu.memory_space<hbm>>
      %dma_start3A_116 = arith.constant 0 : i32
      %dma_start3A_117 = tpu.memref_slice %arg9[%while3A_106, %dma_start3A_116] : memref<128x256xf32, #tpu.memory_space<vmem>> -> memref<1x256xf32, #tpu.memory_space<vmem>>
      %dma_start3A_118 = tpu.memref_squeeze %dma_start3A_117 : memref<1x256xf32, #tpu.memory_space<vmem>> -> memref<256xf32, #tpu.memory_space<vmem>>
      tpu.enqueue_dma source(%dma_start3A_118 : memref<256xf32, #tpu.memory_space<vmem>>) target(%dma_start3A_115 : memref<256xf32, #tpu.memory_space<hbm>>) target_semaphore(%arg12 : memref<!tpu.dma_semaphore, #tpu.memory_space<semaphore_mem>>)
      %dma_start3A_119 = arith.constant 0 : i32
      %dma_start3A_120 = tpu.memref_slice %arg10[%while3A_106, %dma_start3A_119] : memref<128x256xf32, #tpu.memory_space<vmem>> -> memref<1x256xf32, #tpu.memory_space<vmem>>
      %dma_start3A_121 = tpu.memref_squeeze %dma_start3A_120 : memref<1x256xf32, #tpu.memory_space<vmem>> -> memref<256xf32, #tpu.memory_space<vmem>>
      %dma_start3A_122 = arith.constant 0 : i32
      %dma_start3A_123 = tpu.memref_slice %arg5[%add3A, %while3A_106, %dma_start3A_122] : memref<32x128x256xf32, #tpu.memory_space<hbm>> -> memref<1x1x256xf32, #tpu.memory_space<hbm>>
      %dma_start3A_124 = tpu.memref_squeeze %dma_start3A_123 : memref<1x1x256xf32, #tpu.memory_space<hbm>> -> memref<256xf32, #tpu.memory_space<hbm>>
      %dma_start3A_125 = arith.constant 0 : i32
      %dma_start3A_126 = tpu.memref_slice %arg5[%add3A, %while3A_106, %dma_start3A_125] : memref<32x128x256xf32, #tpu.memory_space<hbm>> -> memref<1x1x256xf32, #tpu.memory_space<hbm>>
      %dma_start3A_127 = tpu.memref_squeeze %dma_start3A_126 : memref<1x1x256xf32, #tpu.memory_space<hbm>> -> memref<256xf32, #tpu.memory_space<hbm>>
      %dma_start3A_128 = arith.constant 0 : i32
      %dma_start3A_129 = tpu.memref_slice %arg10[%while3A_106, %dma_start3A_128] : memref<128x256xf32, #tpu.memory_space<vmem>> -> memref<1x256xf32, #tpu.memory_space<vmem>>
      %dma_start3A_130 = tpu.memref_squeeze %dma_start3A_129 : memref<1x256xf32, #tpu.memory_space<vmem>> -> memref<256xf32, #tpu.memory_space<vmem>>
      tpu.enqueue_dma source(%dma_start3A_130 : memref<256xf32, #tpu.memory_space<vmem>>) target(%dma_start3A_127 : memref<256xf32, #tpu.memory_space<hbm>>) target_semaphore(%arg12 : memref<!tpu.dma_semaphore, #tpu.memory_space<semaphore_mem>>)
      %while3A_131 = arith.constant 0 : i32
      scf.yield %while3A_131 : i32
    }
    "tpu.region"() ({
      %run_scoped3A = tpu.sem_alloc : memref<!tpu.dma_semaphore, #tpu.memory_space<semaphore_mem>>
      %dma_start3A = arith.constant 0 : i32
      %dma_start3A_106 = arith.constant 0 : i32
      %dma_start3A_107 = tpu.memref_slice %arg6[%add3A, %dma_start3A, %dma_start3A_106] : memref<32x128x16xf32, #tpu.memory_space<hbm>> -> memref<1x128x16xf32, #tpu.memory_space<hbm>>
      %dma_start3A_108 = tpu.memref_squeeze %dma_start3A_107 : memref<1x128x16xf32, #tpu.memory_space<hbm>> -> memref<128x16xf32, #tpu.memory_space<hbm>>
      %dma_start3A_109 = arith.constant 0 : i32
      %dma_start3A_110 = arith.constant 0 : i32
      %dma_start3A_111 = tpu.memref_slice %arg6[%add3A, %dma_start3A_109, %dma_start3A_110] : memref<32x128x16xf32, #tpu.memory_space<hbm>> -> memref<1x128x16xf32, #tpu.memory_space<hbm>>
      %dma_start3A_112 = tpu.memref_squeeze %dma_start3A_111 : memref<1x128x16xf32, #tpu.memory_space<hbm>> -> memref<128x16xf32, #tpu.memory_space<hbm>>
      tpu.enqueue_dma source(%arg11 : memref<128x16xf32, #tpu.memory_space<vmem>>) target(%dma_start3A_112 : memref<128x16xf32, #tpu.memory_space<hbm>>) target_semaphore(%run_scoped3A : memref<!tpu.dma_semaphore, #tpu.memory_space<semaphore_mem>>)
      %dma_wait3A = arith.constant 0 : i32
      %dma_wait3A_113 = arith.constant 0 : i32
      %dma_wait3A_114 = tpu.memref_slice %arg6[%add3A, %dma_wait3A, %dma_wait3A_113] : memref<32x128x16xf32, #tpu.memory_space<hbm>> -> memref<1x128x16xf32, #tpu.memory_space<hbm>>
      %dma_wait3A_115 = tpu.memref_squeeze %dma_wait3A_114 : memref<1x128x16xf32, #tpu.memory_space<hbm>> -> memref<128x16xf32, #tpu.memory_space<hbm>>
      %dma_wait3A_116 = arith.constant 0 : i32
      %dma_wait3A_117 = arith.constant 0 : i32
      %dma_wait3A_118 = tpu.memref_slice %arg6[%add3A, %dma_wait3A_116, %dma_wait3A_117] : memref<32x128x16xf32, #tpu.memory_space<hbm>> -> memref<1x128x16xf32, #tpu.memory_space<hbm>>
      %dma_wait3A_119 = tpu.memref_squeeze %dma_wait3A_118 : memref<1x128x16xf32, #tpu.memory_space<hbm>> -> memref<128x16xf32, #tpu.memory_space<hbm>>
      tpu.wait_dma2 semaphore(%run_scoped3A : memref<!tpu.dma_semaphore, #tpu.memory_space<semaphore_mem>>) src(%arg11 : memref<128x16xf32, #tpu.memory_space<vmem>>) dst(%dma_wait3A_119 : memref<128x16xf32, #tpu.memory_space<hbm>>)
      tpu.yield
    }) : () -> ()
    %add3A_93 = arith.constant 1 : i32
    %add3A_94 = arith.addi %squeeze3A_49, %add3A_93 : i32
    %while3A_95 = arith.constant 0 : i32
    %while3A_96 = arith.subi %add3A_94, %squeeze3A : i32
    %while3A_97 = arith.addi %squeeze3A, %while3A_96 : i32
    %while3A_98 = arith.constant 1 : i32
    %while3A_99 = arith.divsi %while3A_96, %while3A_98 : i32
    %while3A_100 = arith.muli %while3A_99, %while3A_98 : i32
    %while3A_101 = arith.addi %squeeze3A, %while3A_100 : i32
    %while3A_102 = arith.constant 1 : i32
    %while3A_103 = scf.for %while3A_106 = %squeeze3A to %while3A_101 step %while3A_102 iter_args(%while3A_107 = %while3A_95) -> (i32)  : i32 {
      %dma_wait3A = arith.constant 0 : i32
      %dma_wait3A_108 = arith.constant 0 : i32
      %dma_wait3A_109 = arith.constant 0 : i32
      %dma_wait3A_110 = tpu.memref_slice %arg9[%dma_wait3A, %dma_wait3A_109] : memref<128x256xf32, #tpu.memory_space<vmem>> -> memref<1x256xf32, #tpu.memory_space<vmem>>
      %dma_wait3A_111 = tpu.memref_squeeze %dma_wait3A_110 : memref<1x256xf32, #tpu.memory_space<vmem>> -> memref<256xf32, #tpu.memory_space<vmem>>
      %dma_wait3A_112 = arith.constant 0 : i32
      %dma_wait3A_113 = tpu.memref_slice %arg4[%add3A, %dma_wait3A_108, %dma_wait3A_112] : memref<32x128x256xf32, #tpu.memory_space<hbm>> -> memref<1x1x256xf32, #tpu.memory_space<hbm>>
      %dma_wait3A_114 = tpu.memref_squeeze %dma_wait3A_113 : memref<1x1x256xf32, #tpu.memory_space<hbm>> -> memref<256xf32, #tpu.memory_space<hbm>>
      %dma_wait3A_115 = arith.constant 0 : i32
      %dma_wait3A_116 = tpu.memref_slice %arg4[%add3A, %dma_wait3A_108, %dma_wait3A_115] : memref<32x128x256xf32, #tpu.memory_space<hbm>> -> memref<1x1x256xf32, #tpu.memory_space<hbm>>
      %dma_wait3A_117 = tpu.memref_squeeze %dma_wait3A_116 : memref<1x1x256xf32, #tpu.memory_space<hbm>> -> memref<256xf32, #tpu.memory_space<hbm>>
      %dma_wait3A_118 = arith.constant 0 : i32
      %dma_wait3A_119 = tpu.memref_slice %arg9[%dma_wait3A, %dma_wait3A_118] : memref<128x256xf32, #tpu.memory_space<vmem>> -> memref<1x256xf32, #tpu.memory_space<vmem>>
      %dma_wait3A_120 = tpu.memref_squeeze %dma_wait3A_119 : memref<1x256xf32, #tpu.memory_space<vmem>> -> memref<256xf32, #tpu.memory_space<vmem>>
      tpu.wait_dma2 semaphore(%arg12 : memref<!tpu.dma_semaphore, #tpu.memory_space<semaphore_mem>>) src(%dma_wait3A_120 : memref<256xf32, #tpu.memory_space<vmem>>) dst(%dma_wait3A_117 : memref<256xf32, #tpu.memory_space<hbm>>)
      %dma_wait3A_121 = arith.constant 0 : i32
      %dma_wait3A_122 = arith.constant 0 : i32
      %dma_wait3A_123 = arith.constant 0 : i32
      %dma_wait3A_124 = tpu.memref_slice %arg10[%dma_wait3A_121, %dma_wait3A_123] : memref<128x256xf32, #tpu.memory_space<vmem>> -> memref<1x256xf32, #tpu.memory_space<vmem>>
      %dma_wait3A_125 = tpu.memref_squeeze %dma_wait3A_124 : memref<1x256xf32, #tpu.memory_space<vmem>> -> memref<256xf32, #tpu.memory_space<vmem>>
      %dma_wait3A_126 = arith.constant 0 : i32
      %dma_wait3A_127 = tpu.memref_slice %arg5[%add3A, %dma_wait3A_122, %dma_wait3A_126] : memref<32x128x256xf32, #tpu.memory_space<hbm>> -> memref<1x1x256xf32, #tpu.memory_space<hbm>>
      %dma_wait3A_128 = tpu.memref_squeeze %dma_wait3A_127 : memref<1x1x256xf32, #tpu.memory_space<hbm>> -> memref<256xf32, #tpu.memory_space<hbm>>
      %dma_wait3A_129 = arith.constant 0 : i32
      %dma_wait3A_130 = tpu.memref_slice %arg5[%add3A, %dma_wait3A_122, %dma_wait3A_129] : memref<32x128x256xf32, #tpu.memory_space<hbm>> -> memref<1x1x256xf32, #tpu.memory_space<hbm>>
      %dma_wait3A_131 = tpu.memref_squeeze %dma_wait3A_130 : memref<1x1x256xf32, #tpu.memory_space<hbm>> -> memref<256xf32, #tpu.memory_space<hbm>>
      %dma_wait3A_132 = arith.constant 0 : i32
      %dma_wait3A_133 = tpu.memref_slice %arg10[%dma_wait3A_121, %dma_wait3A_132] : memref<128x256xf32, #tpu.memory_space<vmem>> -> memref<1x256xf32, #tpu.memory_space<vmem>>
      %dma_wait3A_134 = tpu.memref_squeeze %dma_wait3A_133 : memref<1x256xf32, #tpu.memory_space<vmem>> -> memref<256xf32, #tpu.memory_space<vmem>>
      tpu.wait_dma2 semaphore(%arg12 : memref<!tpu.dma_semaphore, #tpu.memory_space<semaphore_mem>>) src(%dma_wait3A_134 : memref<256xf32, #tpu.memory_space<vmem>>) dst(%dma_wait3A_131 : memref<256xf32, #tpu.memory_space<hbm>>)
      %while3A_135 = arith.constant 0 : i32
      scf.yield %while3A_135 : i32
    }
    %while3A_104 = arith.constant 1 : i32
    %while3A_105 = scf.for %while3A_106 = %while3A_101 to %while3A_97 step %while3A_104 iter_args(%while3A_107 = %while3A_103) -> (i32)  : i32 {
      %dma_wait3A = arith.constant 0 : i32
      %dma_wait3A_108 = arith.constant 0 : i32
      %dma_wait3A_109 = arith.constant 0 : i32
      %dma_wait3A_110 = tpu.memref_slice %arg9[%dma_wait3A, %dma_wait3A_109] : memref<128x256xf32, #tpu.memory_space<vmem>> -> memref<1x256xf32, #tpu.memory_space<vmem>>
      %dma_wait3A_111 = tpu.memref_squeeze %dma_wait3A_110 : memref<1x256xf32, #tpu.memory_space<vmem>> -> memref<256xf32, #tpu.memory_space<vmem>>
      %dma_wait3A_112 = arith.constant 0 : i32
      %dma_wait3A_113 = tpu.memref_slice %arg4[%add3A, %dma_wait3A_108, %dma_wait3A_112] : memref<32x128x256xf32, #tpu.memory_space<hbm>> -> memref<1x1x256xf32, #tpu.memory_space<hbm>>
      %dma_wait3A_114 = tpu.memref_squeeze %dma_wait3A_113 : memref<1x1x256xf32, #tpu.memory_space<hbm>> -> memref<256xf32, #tpu.memory_space<hbm>>
      %dma_wait3A_115 = arith.constant 0 : i32
      %dma_wait3A_116 = tpu.memref_slice %arg4[%add3A, %dma_wait3A_108, %dma_wait3A_115] : memref<32x128x256xf32, #tpu.memory_space<hbm>> -> memref<1x1x256xf32, #tpu.memory_space<hbm>>
      %dma_wait3A_117 = tpu.memref_squeeze %dma_wait3A_116 : memref<1x1x256xf32, #tpu.memory_space<hbm>> -> memref<256xf32, #tpu.memory_space<hbm>>
      %dma_wait3A_118 = arith.constant 0 : i32
      %dma_wait3A_119 = tpu.memref_slice %arg9[%dma_wait3A, %dma_wait3A_118] : memref<128x256xf32, #tpu.memory_space<vmem>> -> memref<1x256xf32, #tpu.memory_space<vmem>>
      %dma_wait3A_120 = tpu.memref_squeeze %dma_wait3A_119 : memref<1x256xf32, #tpu.memory_space<vmem>> -> memref<256xf32, #tpu.memory_space<vmem>>
      tpu.wait_dma2 semaphore(%arg12 : memref<!tpu.dma_semaphore, #tpu.memory_space<semaphore_mem>>) src(%dma_wait3A_120 : memref<256xf32, #tpu.memory_space<vmem>>) dst(%dma_wait3A_117 : memref<256xf32, #tpu.memory_space<hbm>>)
      %dma_wait3A_121 = arith.constant 0 : i32
      %dma_wait3A_122 = arith.constant 0 : i32
      %dma_wait3A_123 = arith.constant 0 : i32
      %dma_wait3A_124 = tpu.memref_slice %arg10[%dma_wait3A_121, %dma_wait3A_123] : memref<128x256xf32, #tpu.memory_space<vmem>> -> memref<1x256xf32, #tpu.memory_space<vmem>>
      %dma_wait3A_125 = tpu.memref_squeeze %dma_wait3A_124 : memref<1x256xf32, #tpu.memory_space<vmem>> -> memref<256xf32, #tpu.memory_space<vmem>>
      %dma_wait3A_126 = arith.constant 0 : i32
      %dma_wait3A_127 = tpu.memref_slice %arg5[%add3A, %dma_wait3A_122, %dma_wait3A_126] : memref<32x128x256xf32, #tpu.memory_space<hbm>> -> memref<1x1x256xf32, #tpu.memory_space<hbm>>
      %dma_wait3A_128 = tpu.memref_squeeze %dma_wait3A_127 : memref<1x1x256xf32, #tpu.memory_space<hbm>> -> memref<256xf32, #tpu.memory_space<hbm>>
      %dma_wait3A_129 = arith.constant 0 : i32
      %dma_wait3A_130 = tpu.memref_slice %arg5[%add3A, %dma_wait3A_122, %dma_wait3A_129] : memref<32x128x256xf32, #tpu.memory_space<hbm>> -> memref<1x1x256xf32, #tpu.memory_space<hbm>>
      %dma_wait3A_131 = tpu.memref_squeeze %dma_wait3A_130 : memref<1x1x256xf32, #tpu.memory_space<hbm>> -> memref<256xf32, #tpu.memory_space<hbm>>
      %dma_wait3A_132 = arith.constant 0 : i32
      %dma_wait3A_133 = tpu.memref_slice %arg10[%dma_wait3A_121, %dma_wait3A_132] : memref<128x256xf32, #tpu.memory_space<vmem>> -> memref<1x256xf32, #tpu.memory_space<vmem>>
      %dma_wait3A_134 = tpu.memref_squeeze %dma_wait3A_133 : memref<1x256xf32, #tpu.memory_space<vmem>> -> memref<256xf32, #tpu.memory_space<vmem>>
      tpu.wait_dma2 semaphore(%arg12 : memref<!tpu.dma_semaphore, #tpu.memory_space<semaphore_mem>>) src(%dma_wait3A_134 : memref<256xf32, #tpu.memory_space<vmem>>) dst(%dma_wait3A_131 : memref<256xf32, #tpu.memory_space<hbm>>)
      %while3A_135 = arith.constant 0 : i32
      scf.yield %while3A_135 : i32
    }
    return
  }
}

module attributes {stable_mosaic.version = 14 : i64} {
  func.func @_tc_merge_body(%arg0: memref<32x128x256xf32, #tpu.memory_space<vmem>>, %arg1: memref<32x128x256xf32, #tpu.memory_space<vmem>>, %arg2: memref<32x128x16xf32, #tpu.memory_space<vmem>>, %arg3: memref<128x512xf32, #tpu.memory_space<vmem>>) attributes {dimension_semantics = [], scalar_prefetch = 0 : i64, scratch_operands = 0 : i64, tpu.core_type = #tpu.core_type<tc>} {
    %get3A = arith.constant 0 : index
    %get3A_0 = arith.constant 0 : index
    %get3A_1 = arith.constant 0 : index
    %get3A_2 = vector.load %arg2[%get3A, %get3A_0, %get3A_1] : memref<32x128x16xf32, #tpu.memory_space<vmem>>, vector<32x128x16xf32>
    %slice3A = vector.extract_strided_slice %get3A_2 {offsets = [0, 0, 0], sizes = [32, 128, 1], strides = [1, 1, 1]} : vector<32x128x16xf32> to vector<32x128x1xf32>
    %gt3A = arith.constant 0.000000e+00 : f32
    %gt3A_3 = vector.broadcast %gt3A : f32 to vector<32x128x1xf32>
    %gt3A_4 = arith.cmpf ogt, %slice3A, %gt3A_3 : vector<32x128x1xf32>
    %get3A_5 = arith.constant 0 : index
    %get3A_6 = arith.constant 0 : index
    %get3A_7 = arith.constant 0 : index
    %get3A_8 = vector.load %arg0[%get3A_5, %get3A_6, %get3A_7] : memref<32x128x256xf32, #tpu.memory_space<vmem>>, vector<32x128x256xf32>
    %jit3A = arith.constant 0.000000e+00 : f32
    %broadcast_in_dim3A = vector.shape_cast %gt3A_4 : vector<32x128x1xi1> to vector<32x128x1xi1>
    %broadcast_in_dim3A_9 = vector.broadcast %broadcast_in_dim3A : vector<32x128x1xi1> to vector<32x128x256xi1>
    %broadcast_in_dim3A_10 = vector.broadcast %jit3A : f32 to vector<32x128x256xf32>
    %select_n3A = arith.select %broadcast_in_dim3A_9, %get3A_8, %broadcast_in_dim3A_10 : vector<32x128x256xi1>, vector<32x128x256xf32>
    %get3A_11 = arith.constant 0 : index
    %get3A_12 = arith.constant 0 : index
    %get3A_13 = arith.constant 0 : index
    %get3A_14 = vector.load %arg1[%get3A_11, %get3A_12, %get3A_13] : memref<32x128x256xf32, #tpu.memory_space<vmem>>, vector<32x128x256xf32>
    %jit3A_15 = arith.constant 0xFF800000 : f32
    %broadcast_in_dim3A_16 = vector.shape_cast %gt3A_4 : vector<32x128x1xi1> to vector<32x128x1xi1>
    %broadcast_in_dim3A_17 = vector.broadcast %broadcast_in_dim3A_16 : vector<32x128x1xi1> to vector<32x128x256xi1>
    %broadcast_in_dim3A_18 = vector.broadcast %jit3A_15 : f32 to vector<32x128x256xf32>
    %select_n3A_19 = arith.select %broadcast_in_dim3A_17, %get3A_14, %broadcast_in_dim3A_18 : vector<32x128x256xi1>, vector<32x128x256xf32>
    %reduce_sum3A = arith.constant dense<0.000000e+00> : vector<128x256xf32>
    %reduce_sum3A_20 = vector.multi_reduction <add>, %select_n3A, %reduce_sum3A [0] : vector<32x128x256xf32> to vector<128x256xf32>
    %reduce_max3A = arith.constant dense<0xFF800000> : vector<128x256xf32>
    %reduce_max3A_21 = vector.multi_reduction <maximumf>, %select_n3A_19, %reduce_max3A [0] : vector<32x128x256xf32> to vector<128x256xf32>
    %get3A_22 = arith.constant 0 : index
    %get3A_23 = arith.constant 0 : index
    %get3A_24 = arith.constant 0 : index
    %get3A_25 = vector.load %arg2[%get3A_22, %get3A_23, %get3A_24] : memref<32x128x16xf32, #tpu.memory_space<vmem>>, vector<32x128x16xf32>
    %reduce_sum3A_26 = arith.constant dense<0.000000e+00> : vector<128x16xf32>
    %reduce_sum3A_27 = vector.multi_reduction <add>, %get3A_25, %reduce_sum3A_26 [0] : vector<32x128x16xf32> to vector<128x16xf32>
    %slice3A_28 = vector.extract_strided_slice %reduce_sum3A_27 {offsets = [0, 0], sizes = [128, 1], strides = [1, 1]} : vector<128x16xf32> to vector<128x1xf32>
    %max3A = arith.constant 1.000000e+00 : f32
    %max3A_29 = vector.broadcast %max3A : f32 to vector<128x1xf32>
    %max3A_30 = arith.maximumf %slice3A_28, %max3A_29 : vector<128x1xf32>
    %div3A = vector.broadcast %max3A_30 : vector<128x1xf32> to vector<128x256xf32>
    %div3A_31 = arith.divf %reduce_sum3A_20, %div3A : vector<128x256xf32>
    %eq3A = arith.constant 0xFF800000 : f32
    %eq3A_32 = vector.broadcast %eq3A : f32 to vector<128x256xf32>
    %eq3A_33 = arith.cmpf oeq, %reduce_max3A_21, %eq3A_32 : vector<128x256xf32>
    %jit3A_34 = arith.constant 0.000000e+00 : f32
    %broadcast_in_dim3A_35 = vector.broadcast %jit3A_34 : f32 to vector<128x256xf32>
    %select_n3A_36 = arith.select %eq3A_33, %broadcast_in_dim3A_35, %reduce_max3A_21 : vector<128x256xi1>, vector<128x256xf32>
    %concatenate3A = tpu.concatenate %div3A_31, %select_n3A_36 in 1 : vector<128x256xf32>, vector<128x256xf32> -> vector<128x512xf32>
    %swap3A = arith.constant 0 : index
    %swap3A_37 = arith.constant 0 : index
    %swap3A_38 = vector.load %arg3[%swap3A, %swap3A_37] : memref<128x512xf32, #tpu.memory_space<vmem>>, vector<128x512xf32>
    tpu.vector_store %arg3[%swap3A, %swap3A_37], %concatenate3A {strides = array<i32>} : memref<128x512xf32, #tpu.memory_space<vmem>>, vector<128x512xf32>,
    return
  }
}

</mosaic_0001>

<sc_bundles>
// kernel: kernel.4.cloned.1.call-start
scs
__scs_entry_jumppad:
0x0: {  	(pc) =	sbr.rel $0x88, $3  }
0x1: {  	(tag) =	ssettag $0x0;
	lr =	simm.s32 $0x1  }
0x2: {  	[smem:$0x3F9F] =	sst lr;
	_ =	strace $0xD0000000  }
0x3: {  	_ = 	snop  }
0x4: {  	_ = 	snop  }
0x5: {  	_ = 	snop  }
0x6: {  	_ = 	snop  }
0x7: {  	_ = 	snop  }
__scs_overlays_trampoline_lowered:
0x8: {  	[smem:$0x3FAE] =	sst s0  }
0x9: {  	[smem:$0x3FAF] =	sst s1  }
0xa: {  	[smem:$0x3FB0] =	sst s2  }
0xb: {  	[smem:$0x3FB1] =	sst s3  }
0xc: {  	[smem:$0x3FB2] =	sst s4  }
0xd: {  	[smem:$0x3FB3] =	sst s5  }
0xe: {  	[smem:$0x3FB4] =	sst s6  }
0xf: {  	[smem:$0x3FB5] =	sst s7  }
0x10: {  	[smem:$0x3FB6] =	sst s8  }
0x11: {  	[smem:$0x3FB7] =	sst s9;
	s0 =	simm.s32 @!p0 $0x0  }
0x12: {  	s1 =	sld [smem:$0x3F9D];
	s0 =	simm.s32 @p0 $0x1  }
0x13: {  	[smem:$0x3FB8] =	sst s0;
	s0 =	simm.s32 @!p1 $0x0  }
0x14: {  	s2 =	sld [smem:$0x3F9C];
	s0 =	simm.s32 @p1 $0x1  }
0x15: {  	[smem:$0x3FB9] =	sst s0;
	s0 =	simm.s32 @!p2 $0x0  }
0x16: {  	s3 =	sld [smem:$0x3FDB];
	s0 =	simm.s32 @p2 $0x1  }
0x17: {  	s4 =	simm.s32 $0x1BF5;
	[smem:$0x3FBB] =	sst s0  }
0x18: {  	s0 =	sld [smem:$0x3F9E];
	_ =	swait.ge [sflag:s4], $0x0  }
0x19: {  	s7 =	sld [smem:$0x3F9F]  }
0x1a: {  	s8 =	sadd.s32 $0xFFFFE003, lr  }
0x1b: {  	s9 =	sadd.s32 $0xFFFFFEF7, lr;
	s5 =	simm.s32 $0xFFFFFFFF;
	p2 =	slt.u32 s8, $0xFFFFF086  }
0x1c: {  	p1 =	slt.u32 s9, $0xF7A;
	s5 =	simm.s32 @!p2 $0x0  }
0x1d: {  	s5 =	simm.s32 @p1 $0x1;
	p0 =	seq.s32 s7, s2  }
0x1e: {  	s7 =	smul.u32 @!p0 $0xF7A, s2;
	p2 =	seq.s32 @!p0 s5, $0x0  }
0x1f: {  	s9 =	smul.u32 $0xF7A, s1;
	s8 =	simm.s32 @!p0 $0x1BF5;
	p2 =	por !p2, p0  }
0x20: {  	[sflag:s8] =	ssyncset.s32 @!p0 $0xFFFFF086;
	s6 =	sadd.s32 @!p0 s3, s7;
	s7 =	simm.s32 @!p0 $0x108  }
0x21: {  	s3 =	sadd.s32 s3, s9;
	s6 =	sadd.s32 @!p0 $0x88, s6;
	s7 =	simm.s32 @p2 $0x1082  }
0x22: {  	[simem:s7], [sflag:s8] =	dma.local @!p0 [hbm:s6], $0xF7A  }
0x23: {  	s9 =	sor.u32 $0xD0000000, s2;
	s6 =	simm.s32 $0x108;
	_ =	swait.ge @!p0 [sflag:s8], $0x0  }
0x24: {  	s3 =	sadd.s32 $0x88, s3;
	s6 =	simm.s32 @!p1 $0x1082;
	[sflag:s4] =	ssyncset.s32 $0xFFFFF086  }
0x25: {  	[simem:s6], [sflag:s4] =	dma.local [hbm:s3], $0xF7A  }
0x26: {  	[smem:$0x3F9F] =	sst s1;
	(tag) =	ssettag s2;
	_ =	strace s9  }
0x27: {  	s1 =	sld [smem:$0x3FAF]  }
0x28: {  	s2 =	sld [smem:$0x3FB0]  }
0x29: {  	s4 =	sld [smem:$0x3FB2]  }
0x2a: {  	p0 =	seq.s32 s5, $0x0;
	s5 =	sld [smem:$0x3FB3]  }
0x2b: {  	s6 =	sld [smem:$0x3FB4]  }
0x2c: {  	s7 =	sld [smem:$0x3FB5]  }
0x2d: {  	s3 =	simm.s32 $0x108;
	s8 =	sld [smem:$0x3FB6]  }
0x2e: {  	s3 =	simm.s32 @!p0 $0x1082;
	s9 =	sld [smem:$0x3FB7]  }
0x2f: {  	lr =	sadd.s32 s0, s3;
	s0 =	sld [smem:$0x3FAE]  }
0x30: {  	s3 =	sld [smem:$0x3FB1]  }
0x31: {  	[smem:$0x3FBA] =	sst s10  }
0x32: {  	s10 =	sld [smem:$0x3FB8];
	_ =	sdelay $0x3  }
0x33: {  	p0 =	seq.s32 s10, $0x1;
	s10 =	sld [smem:$0x3FBA];
	_ =	sdelay $0x3  }
0x34: {  	[smem:$0x3FBA] =	sst s10  }
0x35: {  	s10 =	sld [smem:$0x3FB9];
	_ =	sdelay $0x3  }
0x36: {  	p1 =	seq.s32 s10, $0x1;
	s10 =	sld [smem:$0x3FBA];
	_ =	sdelay $0x3  }
0x37: {  	[smem:$0x3FBA] =	sst s10  }
0x38: {  	s10 =	sld [smem:$0x3FBB]  }
0x39: {  	_ = 	snop;
	(pc) =	sbr.ind lr, $3  }
0x3a: {  	_ = 	snop  }
0x3b: {  	_ = 	snop  }
0x3c: {  	p2 =	seq.s32 s10, $0x1;
	s10 =	sld [smem:$0x3FBA]  }
0x3d: {  	_ =	shalt  }
0x3e: {  	_ =	shalt  }
0x3f: {  	_ =	shalt  }
0x40: {  	_ =	shalt  }
0x41: {  	_ =	shalt  }
0x42: {  	_ =	shalt  }
0x43: {  	_ =	shalt  }
0x44: {  	_ =	shalt  }
0x45: {  	_ =	shalt  }
0x46: {  	_ =	shalt  }
0x47: {  	_ =	shalt  }
0x48: {  	_ =	shalt  }
0x49: {  	_ =	shalt  }
0x4a: {  	_ =	shalt  }
0x4b: {  	_ =	shalt  }
0x4c: {  	_ =	shalt  }
0x4d: {  	_ =	shalt  }
0x4e: {  	_ =	shalt  }
0x4f: {  	_ =	shalt  }
0x50: {  	_ =	shalt  }
0x51: {  	_ =	shalt  }
0x52: {  	_ =	shalt  }
0x53: {  	_ =	shalt  }
0x54: {  	_ =	shalt  }
0x55: {  	_ =	shalt  }
0x56: {  	_ =	shalt  }
0x57: {  	_ =	shalt  }
0x58: {  	_ =	shalt  }
0x59: {  	_ =	shalt  }
0x5a: {  	_ =	shalt  }
0x5b: {  	_ =	shalt  }
0x5c: {  	_ =	shalt  }
0x5d: {  	_ =	shalt  }
0x5e: {  	_ =	shalt  }
0x5f: {  	_ =	shalt  }
0x60: {  	_ =	shalt  }
0x61: {  	_ =	shalt  }
0x62: {  	_ =	shalt  }
0x63: {  	_ =	shalt  }
0x64: {  	_ =	shalt  }
0x65: {  	_ =	shalt  }
0x66: {  	_ =	shalt  }
0x67: {  	_ =	shalt  }
0x68: {  	_ =	shalt  }
0x69: {  	_ =	shalt  }
0x6a: {  	_ =	shalt  }
0x6b: {  	_ =	shalt  }
0x6c: {  	_ =	shalt  }
0x6d: {  	_ =	shalt  }
0x6e: {  	_ =	shalt  }
0x6f: {  	_ =	shalt  }
0x70: {  	_ =	shalt  }
0x71: {  	_ =	shalt  }
0x72: {  	_ =	shalt  }
0x73: {  	_ =	shalt  }
0x74: {  	_ =	shalt  }
0x75: {  	_ =	shalt  }
0x76: {  	_ =	shalt  }
0x77: {  	_ =	shalt  }
0x78: {  	_ =	shalt  }
0x79: {  	_ =	shalt  }
0x7a: {  	_ =	shalt  }
0x7b: {  	_ =	shalt  }
0x7c: {  	_ =	shalt  }
0x7d: {  	_ =	shalt  }
0x7e: {  	_ =	shalt  }
0x7f: {  	_ =	shalt  }
0x80: {  	_ =	shalt  }
0x81: {  	_ =	shalt  }
0x82: {  	_ =	shalt  }
0x83: {  	_ =	shalt  }
0x84: {  	_ =	shalt  }
0x85: {  	_ =	shalt  }
0x86: {  	_ =	shalt  }
0x87: {  	_ =	shalt  }
.Lfunc_end0:
.L_simem_size_0:
called_computation_lowered:
.L_overlay_start_0:
0x88: {  	s2 =	sld [smem:$0x3FD9]  }
0x89: {  	s3 =	sld [smem:$0x3FFE];
	_ =	sdelay $0x1  }
0x8a: {  	s1 =	srdreg.scid  }
0x8b: {  	s0 =	sand.u32 $0x1, s1  }
0x8c: {  	s17 =	sshll.u32 s0, $0xA;
	s2 =	sadd.s32 s3, s2  }
0x8d: {  	s2 =	sadd.s32 s2, s17  }
0x8e: {  	[smem:$0x3FC6] =	sst s2  }
0x8f: {  	_ = 	snop  }
0x90: {  	s2 =	sld [smem:$0x3FC9]  }
0x91: {  	s18 =	sld [smem:$0x3FC8];
	(tm) =	ssettm $0x1  }
0x92: {  	s4 =	sld [smem:$0x3FFB];
	_ =	sdelay $0x3  }
0x93: {  	_ =	strace s4  }
0x94: {  	s4 =	sld [smem:$0x3FFC];
	_ =	sdelay $0x3  }
0x95: {  	_ =	strace s4  }
0x96: {  	s4 =	sld [smem:$0x3FFD];
	_ =	sdelay $0x3  }
0x97: {  	_ =	strace s4  }
0x98: {  	_ =	strace $0x8FFFFFFF  }
0x99: {  	s19 =	sld [smem:$0x3FDB];
	_ =	sdelay $0x1  }
0x9a: {  	s5 =	simm.s32 $_scs_section_size  }
0x9b: {  	s6 =	simm.s32 $_size__tile_overlayer_lowered;
	s7 =	simm.s32 $_tile_overlayer_lowered  }
0x9c: {  	s22 =	simm.s32 $0x1BFF;
	s21 =	sshll.u32 s7, $0x1;
	s4 =	sadd.s32 s5, s19  }
0x9d: {  	s8 =	simm.s32 $0x0;
	s20 =	sshll.u32 s6, $0x1;
	s6 =	sadd.s32 s21, s4  }
0x9e: {  	[timem:s8], [sflag:s22] =	dma.local [hbm:s6], s20  }
0x9f: {  	_ =	swait.ge [sflag:s22], s20  }
0xa0: {  	s5 =	ssub.s32 $0x0, s20;
	[sflag:s22] =	ssyncset.done $0x0  }
0xa1: {  	[sflag:s22] =	ssyncadd.s32 s5;
	_ =	sdelay $0x1  }
0xa2: {  	s23 =	simm.s32 $0x1B8B  }
0xa3: {  	_ =	swait.ge [sflag:s23], $0x1  }
0xa4: {  	[sflag:s23] =	ssyncset.done $0x0  }
0xa5: {  	s25 =	simm.s32 $0x1B8E;
	s24 =	sld [smem:$0x3FFE];
	[sflag:s23] =	ssyncadd.s32 $0xFFFFFFFF  }
0xa6: {  	s26 =	simm.s32 $execute0_lowered;
	[smem:$0x3FD2] =	sst s25  }
0xa7: {  	s6 =	sshll.u32 s26, $0x1;
	_ =	strace $0x80000046;
	[dreg:$0x1] =	wrdreg $0xFFFFFFFF  }
0xa8: {  	s28 =	simm.s32 $_size_execute0_lowered;
	s4 =	sadd.s32 s4, s6;
	[dreg:$0x0] =	wrdreg $0x0  }
0xa9: {  	s6 =	sshll.u32 s28, $0x1;
	[dreg:$0x2] =	wrdreg s4  }
0xaa: {  	[dreg:$0x3] =	wrdreg s6  }
0xab: {  	[dreg:$0x4] =	wrdreg $0xC0  }
0xac: {  	_ =	task [dreg:s8], $0x5FFFF  }
0xad: {  	[dreg:$0x1] =	wrdreg $0xFFFFFFFF  }
0xae: {  	[dreg:$0x0] =	wrdreg $0x60  }
0xaf: {  	[dreg:$0x2] =	wrdreg s2  }
0xb0: {  	[dreg:$0x3] =	wrdreg s18  }
0xb1: {  	[dreg:$0x4] =	wrdreg s24  }
0xb2: {  	[dreg:$0x5] =	wrdreg $0x9  }
0xb3: {  	_ =	task.clear_ibuf [dreg:s8], $0x6FFFF;
	_ =	strace $0x90000046  }
0xb4: {  	s29 =	simm.s32 $0x9;
	_ =	strace $0x80000048  }
0xb5: {  	_ =	swait.ge [sflag:s29], $0x1  }
0xb6: {  	[sflag:s29] =	ssyncadd.s32 $0xFFFFFFFF  }
0xb7: {  	_ =	strace $0x90000048  }
0xb8: {  	_ =	sfence  }
0xb9: {  	s30 =	sld [smem:$0x0];
	_ =	sdelay $0x2  }
0xba: {  	s31 =	sshll.u32 s1, $0xD;
	s1 =	sshrl.u32 s1, $0x2  }
0xbb: {  	s3 =	sand.u32 $0x4000, s31;
	s1 =	sadd.s32 s1, s30  }
0xbc: {  	s0 =	sor.u32 s3, s0;
	s1 =	sshll.u32 s1, $0x11  }
0xbd: {  	s0 =	sor.u32 s1, s0  }
0xbe: {  	s0 =	sadd.s32 $0x8F2B, s0  }
0xbf: {  	[sflag:s0] =	ssyncadd.remote.s32 $0x1  }
0xc0: {  	_ =	sfence.sel $0xFFFF  }
0xc1: {  	[dreg:$0x0] =	wrdreg $0xFFFFFFFF;
	(pc) =	sbr.abs _section_cstart, $3  }
0xc2: {  	[dreg:$0x1] =	wrdreg $0xFFFFFFFF  }
0xc3: {  	_ =	task.clear_ibuf [dreg:s8], $0x2FFFF;
	_ =	strace $0x9FFFFFFF  }
0xc4: {  	(tm) =	ssettm $0x7FFFFFFF  }
0xc5: {  	_ =	shalt  }
tec
execute0_lowered:
.L_overlay_start_1:
0x0: {  	(tag) =	ssettag $0x1  }
0x1: {  	s1 =	rddreg [dreg:$0x0]  }
0x2: {  	s0 =	rddreg [dreg:$0x1]  }
0x3: {  	s2 =	rddreg [dreg:$0x2]  }
0x4: {  	s3 =	simm.s32 $0x0;
	s4 =	srdreg.scid;
	s5 =	stileid.u32  }
0x5: {  	s22 =	simm.s32 $0x1;
	s24 =	simm.s32 $0x2;
	s25 =	simm.s32 $0x0  }
0x6: {  	s30 =	simm.s32 $0x0;
	[smem:$0x7FF] =	sst s3;
	s6 =	sand.u32 $0x1, s4  }
0x7: {  	s5 =	sshll.u32 s5, $0x1;
	s4 =	sadd.s32 $0xE00, s2;
	s14 =	sadd.s32 $0x2F78, s0  }
0x8: {  	_ =	strace $0x80000047;
	s9 =	sor.u32 s6, s5;
	s5 =	sadd.s32 $0x20E00, s2  }
0x9: {  	s8 =	ssub.s32 $0x2, s6;
	s7 =	sshll.u32 s9, $0xB;
	s6 =	smul.u32 $0xC4000, s9  }
0xa: {  	s10 =	sshrl.u32 s8, $0x1;
	p0 =	seq.s32 s9, $0x1F;
	s11 =	smul.u32 $0x18800, s9  }
0xb: {  	s13 =	smul.u32 $0x188, s9;
	s2 =	sadd.s32 s7, s2;
	s7 =	simm.s32 $0x57  }
0xc: {  	s15 =	sshll.u32 s9, $0xF;
	s17 =	ssub.s32 s8, s10;
	s7 =	simm.s32 @!p0 $0x62  }
.Ltmp0:
0xd: {  	s26 =	sshrl.u32 s6, $0x3;
	s8 =	sadd.s32 s1, s11;
	(pc) =	sbr.rel .LBB2_1-.Ltmp0, $4  }
0xe: {  	s13 =	sadd.s32 s0, s13;
	s12 =	sadd.s32 s1, s26;
	s28 =	sadd.s32 $0x400, s8  }
0xf: {  	s16 =	sadd.s32 $0x40E00, s2;
	[dreg:$0x4] =	wrdreg s28;
	s29 =	sadd.s32 $0x800, s12  }
0x10: {  	v0 =	vimm.f32 $0.0e+00;
	s17 =	smax.u32 s17, $0x1;
	s31 =	sadd.s32 $0xC00, s12;
	[dreg:$0x5] =	wrdreg s29  }
0x11: {  	v1 =	vimm.f32 $-Inf;
	v2 =	vimm.f32 $3.200000000e+01;
	v3 =	vimm.f32 $1.000000000e+00;
	p0 =	sne.s32 s9, $0x1F;
	s12 =	sadd.s32 $0x1000, s12;
	[dreg:$0x6] =	wrdreg s31  }
.LBB2_24:
0x12: {  	s0 =	simm.s32 $0x1AC80  }
0x13: {  	[hbm4b:s16+s3] =	stream.linear.scatter [tilespmem:s0], [sflag:$0x2], $0x4000, $0x38;
	[tilespmem:$0x1EC80] =	vst v63  }
0x14: {  	_ =	swait.ge [sflag:s24], $0x4000  }
0x15: {  	[sflag:s24] =	ssyncset.done $0x0  }
0x16: {  	[sflag:s24] =	ssyncadd.s32 $0xFFFFC000  }
.LBB2_25:
0x17: {  	s25 =	sadd.s32 $0x1, s25  }
0x18: {  	p1 =	sne.s32 s25, s17  }
.Ltmp1:
0x19: {  	_ = 	snop;
	(pc) =	sbr.rel @!p1 .LBB2_26-.Ltmp1, $1  }
0x1a: {  	_ =	sdelay $0x3  }
.LBB2_1:
0x1b: {  	[tilespmem:s3], [sflag:$0x1] =	stream.linear.gather [hbm4b:s8+s3], $0x2000, $0x38;
	[tilespmem:$0x1EC80] =	vst v63  }
0x1c: {  	s0 =	rddreg [dreg:$0x4];
	s2 =	simm.s32 $0x2000  }
0x1d: {  	[tilespmem:s2], [sflag:$0x1] =	stream.linear.gather [hbm4b:s0+s3], $0x2000, $0x38;
	[tilespmem:$0x1EC80] =	vst v63  }
0x1e: {  	s23 =	rddreg [dreg:$0x5];
	s26 =	simm.s32 $0x4000  }
0x1f: {  	[tilespmem:s26], [sflag:$0x1] =	stream.linear.gather [hbm4b:s23+s3], $0x2000, $0x38;
	[tilespmem:$0x1EC80] =	vst v63  }
0x20: {  	s28 =	rddreg [dreg:$0x6];
	s29 =	simm.s32 $0x6000  }
0x21: {  	[tilespmem:s29], [sflag:$0x1] =	stream.linear.gather [hbm4b:s28+s3], $0x2000, $0x38;
	[tilespmem:$0x1EC80] =	vst v63  }
0x22: {  	s31 =	simm.s32 $0x8000  }
0x23: {  	[tilespmem:s31], [sflag:$0x1] =	stream.linear.gather [hbm4b:s12+s3], $0x2000, $0x38;
	[tilespmem:$0x1EC80] =	vst v63  }
0x24: {  	s0 =	simm.s32 @p0 $0x0;
	s2 =	simm.s32 @p0 $0xA000  }
0x25: {  	[tilespmem:s2], [sflag:$0x2] =	stream.linear.gather @p0 [hbm4b:s13+s0], $0xC40, $0x38;
	[tilespmem:$0x1EC80] =	vst v63  }
0x26: {  	s0 =	simm.s32 @p0 $0x2  }
0x27: {  	_ =	swait.ge @p0 [sflag:s0], $0xC40  }
0x28: {  	[sflag:s0] =	ssyncset.done @p0 $0x0  }
0x29: {  	s2 =	simm.s32 @!p0 $0xA000;
	[sflag:s0] =	ssyncadd.s32 @p0 $0xFFFFF3C0;
	s0 =	simm.s32 @!p0 $0x0  }
0x2a: {  	[tilespmem:s2], [sflag:$0x2] =	stream.linear.gather @!p0 [hbm4b:s14+s0], $0xAE0, $0x38;
	[tilespmem:$0x1EC80] =	vst v63  }
0x2b: {  	s0 =	simm.s32 @!p0 $0x2  }
0x2c: {  	_ =	swait.ge @!p0 [sflag:s0], $0xAE0  }
0x2d: {  	[sflag:s0] =	ssyncset.done @!p0 $0x0  }
0x2e: {  	[sflag:s0] =	ssyncadd.s32 @!p0 $0xFFFFF520;
	s0 =	simm.s32 @!p0 $0xAD0  }
0x2f: {  	s0 =	simm.s32 @p0 $0xC30;
	v4 =	vld [tilespmem:$0xA000]  }
0x30: {  	s2 =	simm.s32 $0x0;
	v5 =	vld [tilespmem:s0+$0xA000];
	s0 =	simm.s32 $0x200  }
.LBB2_2:
0x31: {  	p1 =	sne.s32 s0, $0xFE00;
	[tilespmem:s2+$0x1AC80] =	vst v0;
	s2 =	smov.u32 s0;
	s0 =	sadd.s32 $0x200, s0  }
.Ltmp2:
0x32: {  	(pc) =	sbr.rel @p1 .LBB2_2-.Ltmp2, $2  }
0x33: {  	_ =	sdelay $0x2  }
0x34: {  	s2 =	sshra.s32 s2, $0x2  }
0x35: {  	(v2sf) =	vpush v4, $0x0  }
0x36: {  	(v2sf) =	vpush v5, $0xF;
	_ =	sdelay $0xd  }
0x37: {  	s0 =	spop (v2sf)  }
0x38: {  	s9 =	spop (v2sf)  }
0x39: {  	s18 =	sadd.s32 $0x1, s9  }
0x3a: {  	p1 =	sge.s32 s0, s18  }
.Ltmp3:
0x3b: {  	_ = 	snop;
	(pc) =	sbr.rel @p1 .LBB2_9-.Ltmp3, $3  }
0x3c: {  	_ =	sdelay $0x1  }
0x3d: {  	s9 =	ssub.s32 s9, s0  }
0x3e: {  	[tilespmem:s2+$0x1AC80] =	vst v0;
	s28 =	sshll.u32 s0, $0x7;
	s29 =	sshll.u32 s0, $0x8;
	s26 =	sadd.s32 $0x1, s9  }
0x3f: {  	p3 =	seq.s32 s26, $0x1  }
.Ltmp4:
0x40: {  	_ = 	snop;
	(pc) =	sbr.rel @p3 .LBB2_5-.Ltmp4, $3  }
0x41: {  	_ =	sdelay $0x1  }
0x42: {  	s9 =	sshll.u32 s0, $0x7;
	s2 =	sshll.u32 s0, $0x8;
	s18 =	sadd.s32 $0xFFFFFFFF, s26  }
0x43: {  	p2 =	por $0x0, $0x0;
	s19 =	sand.u32 $0xFFFFF800, s2;
	s20 =	sand.u32 $0x380, s9  }
0x44: {  	s0 =	sor.u32 s20, s19  }
0x45: {  	[tilespmem:s0+$0x130F0] =	vst v1  }
0x46: {  	[tilespmem:s0+$0xAC80] =	vst v0  }
0x47: {  	[tilespmem:s0+$0x12C80] =	vst v1  }
0x48: {  	[tilespmem:s0+$0xAC90] =	vst v0  }
0x49: {  	[tilespmem:s0+$0x12C90] =	vst v1  }
0x4a: {  	[tilespmem:s0+$0xACA0] =	vst v0  }
0x4b: {  	[tilespmem:s0+$0x12CA0] =	vst v1  }
0x4c: {  	[tilespmem:s0+$0xACB0] =	vst v0  }
0x4d: {  	[tilespmem:s0+$0x12CB0] =	vst v1  }
0x4e: {  	[tilespmem:s0+$0xACC0] =	vst v0  }
0x4f: {  	[tilespmem:s0+$0x12CC0] =	vst v1  }
0x50: {  	[tilespmem:s0+$0xACD0] =	vst v0  }
0x51: {  	[tilespmem:s0+$0x12CD0] =	vst v1  }
0x52: {  	[tilespmem:s0+$0xACE0] =	vst v0  }
0x53: {  	[tilespmem:s0+$0x12CE0] =	vst v1  }
0x54: {  	[tilespmem:s0+$0xACF0] =	vst v0  }
0x55: {  	[tilespmem:s0+$0x12CF0] =	vst v1  }
0x56: {  	[tilespmem:s0+$0xB080] =	vst v0  }
0x57: {  	[tilespmem:s0+$0x13080] =	vst v1  }
0x58: {  	[tilespmem:s0+$0xB090] =	vst v0  }
0x59: {  	[tilespmem:s0+$0x13090] =	vst v1  }
0x5a: {  	[tilespmem:s0+$0xB0A0] =	vst v0  }
0x5b: {  	[tilespmem:s0+$0x130A0] =	vst v1  }
0x5c: {  	[tilespmem:s0+$0xB0B0] =	vst v0  }
0x5d: {  	[tilespmem:s0+$0x130B0] =	vst v1  }
0x5e: {  	p3 =	seq.s32 s18, $0x1;
	[tilespmem:s0+$0xB0C0] =	vst v0  }
.Ltmp5:
0x5f: {  	[tilespmem:s0+$0x130C0] =	vst v1;
	(pc) =	sbr.rel @p3 .LBB2_8-.Ltmp5, $4  }
0x60: {  	[tilespmem:s0+$0xB0D0] =	vst v0  }
0x61: {  	[tilespmem:s0+$0x130D0] =	vst v1  }
0x62: {  	s2 =	sadd.s32 $0x100, s2;
	s9 =	sadd.s32 $0x80, s9;
	s18 =	sadd.s32 $0xFFFFFFFF, s18;
	[tilespmem:s0+$0xB0E0] =	vst v0  }
0x63: {  	p2 =	por $0x1, $0x1;
	s19 =	sand.u32 $0xFFFFF800, s2;
	s20 =	sand.u32 $0x380, s9;
	[tilespmem:s0+$0x130E0] =	vst v1  }
.LBB2_7:
0x64: {  	p3 =	seq.s32 s18, $0x1;
	[tilespmem:s0+$0xB0F0] =	vst v0;
	s0 =	sor.u32 s20, s19  }
0x65: {  	[tilespmem:s0+$0x130F0] =	vst v1  }
0x66: {  	[tilespmem:s0+$0xAC80] =	vst v0  }
0x67: {  	[tilespmem:s0+$0x12C80] =	vst v1  }
0x68: {  	[tilespmem:s0+$0xAC90] =	vst v0  }
0x69: {  	[tilespmem:s0+$0x12C90] =	vst v1  }
0x6a: {  	[tilespmem:s0+$0xACA0] =	vst v0  }
0x6b: {  	[tilespmem:s0+$0x12CA0] =	vst v1  }
0x6c: {  	[tilespmem:s0+$0xACB0] =	vst v0  }
0x6d: {  	[tilespmem:s0+$0x12CB0] =	vst v1  }
0x6e: {  	[tilespmem:s0+$0xACC0] =	vst v0  }
0x6f: {  	[tilespmem:s0+$0x12CC0] =	vst v1  }
0x70: {  	[tilespmem:s0+$0xACD0] =	vst v0  }
0x71: {  	[tilespmem:s0+$0x12CD0] =	vst v1  }
0x72: {  	[tilespmem:s0+$0xACE0] =	vst v0  }
0x73: {  	[tilespmem:s0+$0x12CE0] =	vst v1  }
0x74: {  	[tilespmem:s0+$0xACF0] =	vst v0  }
0x75: {  	[tilespmem:s0+$0x12CF0] =	vst v1  }
0x76: {  	[tilespmem:s0+$0xB080] =	vst v0  }
0x77: {  	[tilespmem:s0+$0x13080] =	vst v1  }
0x78: {  	[tilespmem:s0+$0xB090] =	vst v0  }
0x79: {  	[tilespmem:s0+$0x13090] =	vst v1  }
0x7a: {  	[tilespmem:s0+$0xB0A0] =	vst v0  }
0x7b: {  	[tilespmem:s0+$0x130A0] =	vst v1  }
0x7c: {  	[tilespmem:s0+$0xB0B0] =	vst v0  }
0x7d: {  	[tilespmem:s0+$0x130B0] =	vst v1  }
0x7e: {  	[tilespmem:s0+$0xB0C0] =	vst v0  }
.Ltmp6:
0x7f: {  	[tilespmem:s0+$0x130C0] =	vst v1;
	(pc) =	sbr.rel @!p3 .LBB2_7-.Ltmp6, $4  }
0x80: {  	[tilespmem:s0+$0xB0D0] =	vst v0  }
0x81: {  	[tilespmem:s0+$0x130D0] =	vst v1  }
0x82: {  	s9 =	sadd.s32 $0x80, s9;
	s2 =	sadd.s32 $0x100, s2;
	[tilespmem:s0+$0xB0E0] =	vst v0  }
0x83: {  	s18 =	sadd.s32 $0xFFFFFFFF, s18;
	s19 =	sand.u32 $0xFFFFF800, s2;
	s20 =	sand.u32 $0x380, s9;
	[tilespmem:s0+$0x130E0] =	vst v1  }
.LBB2_8:
0x84: {  	s2 =	sor.u32 s20, s19;
	[tilespmem:s0+$0xB0F0] =	vst @p2 v0  }
0x85: {  	[tilespmem:s2+$0x130F0] =	vst v1  }
0x86: {  	[tilespmem:s2+$0xAC80] =	vst v0  }
0x87: {  	[tilespmem:s2+$0x12C80] =	vst v1  }
0x88: {  	[tilespmem:s2+$0xAC90] =	vst v0  }
0x89: {  	[tilespmem:s2+$0x12C90] =	vst v1  }
0x8a: {  	[tilespmem:s2+$0xACA0] =	vst v0  }
0x8b: {  	[tilespmem:s2+$0x12CA0] =	vst v1  }
0x8c: {  	[tilespmem:s2+$0xACB0] =	vst v0  }
0x8d: {  	[tilespmem:s2+$0x12CB0] =	vst v1  }
0x8e: {  	[tilespmem:s2+$0xACC0] =	vst v0  }
0x8f: {  	[tilespmem:s2+$0x12CC0] =	vst v1  }
0x90: {  	[tilespmem:s2+$0xACD0] =	vst v0  }
0x91: {  	[tilespmem:s2+$0x12CD0] =	vst v1  }
0x92: {  	[tilespmem:s2+$0xACE0] =	vst v0  }
0x93: {  	[tilespmem:s2+$0x12CE0] =	vst v1  }
0x94: {  	[tilespmem:s2+$0xACF0] =	vst v0  }
0x95: {  	[tilespmem:s2+$0x12CF0] =	vst v1  }
0x96: {  	[tilespmem:s2+$0xB080] =	vst v0  }
0x97: {  	[tilespmem:s2+$0x13080] =	vst v1  }
0x98: {  	[tilespmem:s2+$0xB090] =	vst v0  }
0x99: {  	[tilespmem:s2+$0x13090] =	vst v1  }
0x9a: {  	[tilespmem:s2+$0xB0A0] =	vst v0  }
0x9b: {  	[tilespmem:s2+$0x130A0] =	vst v1  }
0x9c: {  	[tilespmem:s2+$0xB0B0] =	vst v0  }
0x9d: {  	[tilespmem:s2+$0x130B0] =	vst v1  }
0x9e: {  	[tilespmem:s2+$0xB0C0] =	vst v0  }
0x9f: {  	[tilespmem:s2+$0x130C0] =	vst v1  }
0xa0: {  	[tilespmem:s2+$0xB0D0] =	vst v0  }
0xa1: {  	[tilespmem:s2+$0x130D0] =	vst v1  }
0xa2: {  	[tilespmem:s2+$0xB0E0] =	vst v0  }
0xa3: {  	[tilespmem:s2+$0x130E0] =	vst v1  }
0xa4: {  	[tilespmem:s2+$0xB0F0] =	vst v0  }
.LBB2_9:
.Ltmp7:
0xa5: {  	(pc) =	sbr.rel .LBB2_10-.Ltmp7, $2  }
0xa6: {  	_ =	sdelay $0x2  }
0xa7: {  	s21 =	simm.s32 $0xA000;
	s0 =	simm.s32 $0x0  }
.LBB2_22:
0xa8: {  	[tilespmem:s18+$0x130F0] =	vst v4  }
0xa9: {  	[tilespmem:s9+$0x1AC80] =	vst.add.f32.msk $0xffff, v3  }
.LBB2_23:
0xaa: {  	s2 =	sadd.s32 $0x5, s0  }
0xab: {  	p2 =	sge.u32 s2, s7  }
0xac: {  	s9 =	smulhi.u32 @!p2 $0xCCCCCCCD, s2;
	_ =	sdelay $0x1  }
0xad: {  	s9 =	sshrl.u32 @!p2 s9, $0x2  }
0xae: {  	s10 =	sshll.u32 @!p2 s2, $0xD;
	s9 =	smul.u32 @!p2 $0x5, s9  }
0xaf: {  	s10 =	sadd.s32 @!p2 s6, s10  }
0xb0: {  	s0 =	sadd.s32 $0x1, s0;
	s2 =	ssub.s32 @!p2 s2, s9;
	s9 =	sshrl.u32 @!p2 s10, $0x3  }
0xb1: {  	s10 =	simm.s32 @!p2 $0x0;
	s2 =	sshll.u32 @!p2 s2, $0xD;
	s9 =	sadd.s32 @!p2 s1, s9  }
0xb2: {  	[tilespmem:s2], [sflag:$0x1] =	stream.linear.gather @!p2 [hbm4b:s9+s10], $0x2000, $0x38;
	[tilespmem:$0x1EC80] =	vst v63  }
0xb3: {  	p2 =	seq.s32 s0, s7  }
.Ltmp8:
0xb4: {  	_ = 	snop;
	(pc) =	sbr.rel @p2 .LBB2_14-.Ltmp8, $2  }
0xb5: {  	_ =	sdelay $0x2  }
0xb6: {  	s21 =	sadd.s32 $0x20, s21  }
.LBB2_10:
0xb7: {  	_ =	swait.ge [sflag:s22], $0x2000  }
0xb8: {  	s2 =	sshll.u32 s0, $0x7;
	[sflag:s22] =	ssyncset.done $0x0  }
0xb9: {  	s2 =	sshra.s32 s2, $0x2;
	[sflag:s22] =	ssyncadd.s32 $0xFFFFE000  }
0xba: {  	v4 =	vld [tilespmem:s2+$0xA000]  }
0xbb: {  	v5 =	vld [tilespmem:s2+$0xA010];
	_ =	sdelay $0x3  }
0xbc: {  	(v2sf) =	vpush v4, $0x0  }
0xbd: {  	(v2sf) =	vpush v5, $0xF;
	_ =	sdelay $0xd  }
0xbe: {  	s18 =	spop (v2sf)  }
0xbf: {  	s31 =	smulhi.u32 $0xCCCCCCCD, s0;
	s9 =	spop (v2sf)  }
0xc0: {  	p2 =	sne.s32 s18, s9  }
.Ltmp9:
0xc1: {  	s2 =	sshrl.u32 s31, $0x2;
	(pc) =	sbr.rel @p2 .LBB2_20-.Ltmp9, $3  }
0xc2: {  	s2 =	smul.u32 $0x5, s2;
	_ =	sdelay $0x1  }
0xc3: {  	s2 =	ssub.s32 s0, s2  }
0xc4: {  	s2 =	sshll.u32 s2, $0xD  }
0xc5: {  	s9 =	sand.u32 $0x1800, s30  }
0xc6: {  	s19 =	sand.u32 $0x380, s30;
	s9 =	sadd.s32 s9, s2  }
0xc7: {  	s9 =	sadd.s32 s19, s9  }
0xc8: {  	v4 =	vld [tilespmem:s9+$0x470]  }
0xc9: {  	v6 =	vld [tilespmem:s9+$0x0]  }
0xca: {  	v7 =	vld [tilespmem:s9+$0x10]  }
0xcb: {  	v8 =	vld [tilespmem:s9+$0x20]  }
0xcc: {  	v9 =	vld [tilespmem:s9+$0x30]  }
0xcd: {  	v11 =	vld [tilespmem:s9+$0x40]  }
0xce: {  	v12 =	vimm.f32 $0.0e+00;
	v10 =	vimm.f32 $-Inf;
	v13 =	vld [tilespmem:s9+$0x50]  }
0xcf: {  	v19 =	vimm.f32 $0.0e+00;
	v18 =	vimm.f32 $-Inf;
	v17 =	vimm.f32 $0.0e+00;
	v14 =	vld [tilespmem:s9+$0x60]  }
0xd0: {  	v16 =	vimm.f32 $-Inf;
	v15 =	vld [tilespmem:s9+$0x70];
	v5 =	vadd.f32 v4, v12;
	v4 =	vmax.f32 v10, v4  }
0xd1: {  	v34 =	vadd.f32 v6, v12;
	v35 =	vmax.f32 v10, v6;
	v32 =	vadd.f32 v7, v12  }
0xd2: {  	v33 =	vmax.f32 v10, v7;
	v30 =	vadd.f32 v8, v12;
	v31 =	vmax.f32 v10, v8  }
0xd3: {  	v28 =	vadd.f32 v9, v12;
	v29 =	vmax.f32 v10, v9;
	v26 =	vadd.f32 v11, v12  }
0xd4: {  	v40 =	vld [tilespmem:s9+$0x400];
	v27 =	vmax.f32 v10, v11;
	v24 =	vadd.f32 v13, v12;
	v25 =	vmax.f32 v10, v13  }
0xd5: {  	v39 =	vld [tilespmem:s9+$0x410];
	v22 =	vadd.f32 v14, v12;
	v23 =	vmax.f32 v10, v14;
	v21 =	vadd.f32 v15, v12  }
0xd6: {  	v38 =	vld [tilespmem:s9+$0x420];
	v20 =	vmax.f32 v10, v15;
	v15 =	vimm.f32 $0.0e+00;
	v14 =	vimm.f32 $-Inf  }
0xd7: {  	s31 =	simm.s32 $0x100;
	v36 =	vld [tilespmem:s9+$0x430];
	v13 =	vimm.f32 $0.0e+00;
	v11 =	vimm.f32 $-Inf;
	v8 =	vimm.f32 $0.0e+00  }
0xd8: {  	s20 =	simm.s32 $0x80;
	s23 =	sand.u32 $0x1800, s31;
	s19 =	simm.s32 $0x200;
	v37 =	vld [tilespmem:s9+$0x440];
	v9 =	vimm.f32 $-Inf;
	v7 =	vimm.f32 $0.0e+00;
	v6 =	vimm.f32 $-Inf  }
.LBB2_12:
0xd9: {  	p2 =	sne.s32 s19, $0x1F00;
	s31 =	sand.u32 $0x380, s20;
	s23 =	sadd.s32 s23, s2;
	v12 =	vadd.f32 v40, v12;
	v41 =	vld [tilespmem:s9+$0x450];
	v10 =	vmax.f32 v10, v40  }
0xda: {  	v19 =	vadd.f32 v39, v19;
	v40 =	vld [tilespmem:s9+$0x460];
	s9 =	sadd.s32 s31, s23;
	v18 =	vmax.f32 v18, v39  }
0xdb: {  	v39 =	vld [tilespmem:s9+$0x470];
	v17 =	vadd.f32 v38, v17;
	v16 =	vmax.f32 v16, v38  }
0xdc: {  	v38 =	vld [tilespmem:s9+$0x0];
	v15 =	vadd.f32 v36, v15;
	v14 =	vmax.f32 v14, v36  }
0xdd: {  	v36 =	vld [tilespmem:s9+$0x10];
	v13 =	vadd.f32 v37, v13;
	v11 =	vmax.f32 v11, v37  }
0xde: {  	v37 =	vld [tilespmem:s9+$0x20];
	v8 =	vadd.f32 v41, v8;
	v9 =	vmax.f32 v9, v41  }
0xdf: {  	v41 =	vld [tilespmem:s9+$0x30];
	v7 =	vadd.f32 v40, v7;
	v6 =	vmax.f32 v6, v40  }
0xe0: {  	v42 =	vld [tilespmem:s9+$0x40];
	v5 =	vadd.f32 v39, v5;
	v4 =	vmax.f32 v4, v39  }
0xe1: {  	v34 =	vadd.f32 v38, v34;
	v43 =	vld [tilespmem:s9+$0x50];
	v35 =	vmax.f32 v35, v38  }
0xe2: {  	v32 =	vadd.f32 v36, v32;
	v44 =	vld [tilespmem:s9+$0x60];
	v33 =	vmax.f32 v33, v36  }
0xe3: {  	v30 =	vadd.f32 v37, v30;
	v45 =	vld [tilespmem:s9+$0x70];
	v31 =	vmax.f32 v31, v37  }
.Ltmp10:
0xe4: {  	v28 =	vadd.f32 v41, v28;
	v40 =	vld [tilespmem:s9+$0x400];
	v29 =	vmax.f32 v29, v41;
	(pc) =	sbr.rel @p2 .LBB2_12-.Ltmp10, $4  }
0xe5: {  	v26 =	vadd.f32 v42, v26;
	v39 =	vld [tilespmem:s9+$0x410];
	v27 =	vmax.f32 v27, v42  }
0xe6: {  	v24 =	vadd.f32 v43, v24;
	v38 =	vld [tilespmem:s9+$0x420];
	v25 =	vmax.f32 v25, v43  }
0xe7: {  	v22 =	vadd.f32 v44, v22;
	v36 =	vld [tilespmem:s9+$0x430];
	v23 =	vmax.f32 v23, v44  }
0xe8: {  	s20 =	sadd.s32 $0x80, s20;
	s23 =	sand.u32 $0x1800, s19;
	s19 =	sadd.s32 $0x100, s19;
	v21 =	vadd.f32 v45, v21;
	v37 =	vld [tilespmem:s9+$0x440];
	v20 =	vmax.f32 v20, v45  }
0xe9: {  	s19 =	sand.u32 $0x380, s20;
	s2 =	sadd.s32 s23, s2;
	v41 =	vld [tilespmem:s9+$0x450]  }
0xea: {  	v42 =	vld [tilespmem:s9+$0x460];
	s19 =	sadd.s32 s19, s2  }
0xeb: {  	v43 =	vld [tilespmem:s19+$0x470]  }
0xec: {  	v44 =	vld [tilespmem:s19+$0x0]  }
0xed: {  	v45 =	vld [tilespmem:s19+$0x10]  }
0xee: {  	v46 =	vld [tilespmem:s19+$0x20]  }
0xef: {  	v47 =	vld [tilespmem:s19+$0x30]  }
0xf0: {  	v48 =	vld [tilespmem:s19+$0x40]  }
0xf1: {  	v49 =	vld [tilespmem:s19+$0x50]  }
0xf2: {  	v50 =	vld [tilespmem:s19+$0x60]  }
0xf3: {  	v51 =	vld [tilespmem:s19+$0x70]  }
0xf4: {  	v52 =	vld [tilespmem:s19+$0x400]  }
0xf5: {  	v53 =	vld [tilespmem:s19+$0x410]  }
0xf6: {  	v54 =	vld [tilespmem:s19+$0x420]  }
0xf7: {  	v55 =	vld [tilespmem:s19+$0x430]  }
0xf8: {  	s11 =	sshll.u32 s18, $0x8;
	s20 =	sshll.u32 s18, $0x7;
	v56 =	vld [tilespmem:s19+$0x440]  }
0xf9: {  	s2 =	sand.u32 $0xFFFFF800, s11;
	s9 =	sand.u32 $0x380, s20;
	v58 =	vld [tilespmem:s19+$0x450]  }
0xfa: {  	s2 =	sor.u32 s9, s2;
	v60 =	vld [tilespmem:s19+$0x460]  }
0xfb: {  	v57 =	vld [tilespmem:s2+$0x12C80]  }
0xfc: {  	v59 =	vld [tilespmem:s2+$0x12C90]  }
0xfd: {  	v62 =	vld [tilespmem:s2+$0x12CC0]  }
0xfe: {  	v34 =	vadd.f32 v44, v34;
	v35 =	vmax.f32 v35, v44;
	v44 =	vld [tilespmem:s2+$0x12CA0]  }
0xff: {  	v32 =	vadd.f32 v45, v32;
	v33 =	vmax.f32 v33, v45;
	v45 =	vld [tilespmem:s2+$0x12CF0]  }
0x100: {  	v28 =	vadd.f32 v47, v28;
	v29 =	vmax.f32 v29, v47;
	v47 =	vld [tilespmem:s2+$0x13080]  }
0x101: {  	v63 =	vmax.f32 v57, v35;
	[tilespmem:s2+$0xAC80] =	vst.add.f32.msk $0xffff, v34  }
0x102: {  	v24 =	vadd.f32 v49, v24;
	v25 =	vmax.f32 v25, v49;
	v49 =	vld [tilespmem:s2+$0x13090];
	[tilespmem:s2+$0x12C80] =	vst v63  }
0x103: {  	v30 =	vadd.f32 v46, v30;
	v61 =	vmax.f32 v59, v33;
	[tilespmem:s2+$0xAC90] =	vst.add.f32.msk $0xffff, v32  }
0x104: {  	v22 =	vadd.f32 v50, v22;
	v23 =	vmax.f32 v23, v50;
	v50 =	vld [tilespmem:s2+$0x130A0];
	[tilespmem:s2+$0x12C90] =	vst v61  }
0x105: {  	v26 =	vadd.f32 v48, v26;
	[tilespmem:s2+$0xACA0] =	vst.add.f32.msk $0xffff, v30  }
0x106: {  	[tilespmem:s2+$0xACB0] =	vst.add.f32.msk $0xffff, v28  }
0x107: {  	v12 =	vadd.f32 v40, v12;
	[tilespmem:s2+$0xACC0] =	vst.add.f32.msk $0xffff, v26  }
0x108: {  	v19 =	vadd.f32 v39, v19;
	v21 =	vadd.f32 v51, v21;
	[tilespmem:s2+$0xACD0] =	vst.add.f32.msk $0xffff, v24  }
0x109: {  	v17 =	vadd.f32 v38, v17;
	v12 =	vadd.f32 v52, v12;
	[tilespmem:s2+$0xACE0] =	vst.add.f32.msk $0xffff, v22  }
0x10a: {  	v15 =	vadd.f32 v36, v15;
	v19 =	vadd.f32 v53, v19;
	[tilespmem:s2+$0xACF0] =	vst.add.f32.msk $0xffff, v21  }
0x10b: {  	v13 =	vadd.f32 v37, v13;
	v17 =	vadd.f32 v54, v17;
	[tilespmem:s2+$0xB080] =	vst.add.f32.msk $0xffff, v12  }
0x10c: {  	v8 =	vadd.f32 v41, v8;
	v15 =	vadd.f32 v55, v15;
	[tilespmem:s2+$0xB090] =	vst.add.f32.msk $0xffff, v19  }
0x10d: {  	v7 =	vadd.f32 v42, v7;
	v13 =	vadd.f32 v56, v13;
	[tilespmem:s2+$0xB0A0] =	vst.add.f32.msk $0xffff, v17  }
0x10e: {  	v8 =	vadd.f32 v58, v8;
	[tilespmem:s2+$0xB0B0] =	vst.add.f32.msk $0xffff, v15  }
0x10f: {  	v7 =	vadd.f32 v60, v7;
	[tilespmem:s2+$0xB0C0] =	vst.add.f32.msk $0xffff, v13  }
0x110: {  	v5 =	vadd.f32 v43, v5;
	[tilespmem:s2+$0xB0D0] =	vst.add.f32.msk $0xffff, v8  }
0x111: {  	v31 =	vmax.f32 v31, v46;
	[tilespmem:s2+$0xB0E0] =	vst.add.f32.msk $0xffff, v7  }
0x112: {  	v27 =	vmax.f32 v27, v48;
	[tilespmem:s2+$0xB0F0] =	vst.add.f32.msk $0xffff, v5;
	v63 =	vmax.f32 v44, v31  }
0x113: {  	v10 =	vmax.f32 v10, v40;
	v20 =	vmax.f32 v20, v51;
	v57 =	vld [tilespmem:s2+$0x12CB0];
	v44 =	vmax.f32 v62, v27;
	[tilespmem:s2+$0x12CA0] =	vst v63  }
0x114: {  	v18 =	vmax.f32 v18, v39;
	v10 =	vmax.f32 v10, v52;
	v33 =	vld [tilespmem:s2+$0x12CD0];
	v20 =	vmax.f32 v45, v20;
	[tilespmem:s2+$0x12CC0] =	vst v44  }
0x115: {  	v51 =	vmax.f32 v16, v38;
	v52 =	vmax.f32 v18, v53;
	v35 =	vld [tilespmem:s2+$0x12CE0];
	v10 =	vmax.f32 v47, v10;
	[tilespmem:s2+$0x12CF0] =	vst v20  }
0x116: {  	v53 =	vld [tilespmem:s2+$0x130B0];
	v12 =	vmax.f32 v51, v54;
	v16 =	vmax.f32 v49, v52;
	[tilespmem:s2+$0x13080] =	vst v10  }
0x117: {  	v59 =	vld [tilespmem:s2+$0x130D0];
	v12 =	vmax.f32 v50, v12;
	[tilespmem:s2+$0x13090] =	vst v16  }
0x118: {  	v61 =	vld [tilespmem:s2+$0x130E0];
	v34 =	vmax.f32 v57, v29;
	[tilespmem:s2+$0x130A0] =	vst v12  }
0x119: {  	v14 =	vmax.f32 v14, v36;
	v62 =	vld [tilespmem:s2+$0x130F0];
	v46 =	vmax.f32 v33, v25;
	[tilespmem:s2+$0x12CB0] =	vst v34  }
0x11a: {  	v9 =	vmax.f32 v9, v41;
	v14 =	vmax.f32 v14, v55;
	v48 =	vmax.f32 v35, v23;
	v57 =	vld [tilespmem:s2+$0x130C0];
	[tilespmem:s2+$0x12CD0] =	vst v46  }
0x11b: {  	v6 =	vmax.f32 v6, v42;
	v9 =	vmax.f32 v9, v58;
	v10 =	vmax.f32 v53, v14;
	[tilespmem:s2+$0x12CE0] =	vst v48  }
0x11c: {  	v6 =	vmax.f32 v6, v60;
	v63 =	vmax.f32 v59, v9;
	[tilespmem:s2+$0x130B0] =	vst v10  }
.Ltmp11:
0x11d: {  	v11 =	vmax.f32 v11, v37;
	v4 =	vmax.f32 v4, v43;
	[tilespmem:s2+$0x130D0] =	vst v63;
	v6 =	vmax.f32 v61, v6;
	(pc) =	sbr.rel .LBB2_23-.Ltmp11, $4  }
0x11e: {  	v11 =	vmax.f32 v11, v56;
	[tilespmem:s2+$0x130E0] =	vst v6;
	v4 =	vmax.f32 v62, v4  }
0x11f: {  	s23 =	sshll.u32 s18, $0x9;
	v11 =	vmax.f32 v57, v11;
	[tilespmem:s2+$0x130F0] =	vst v4  }
0x120: {  	s31 =	sshra.s32 s23, $0x2;
	[tilespmem:s2+$0x130C0] =	vst v11  }
0x121: {  	[tilespmem:s31+$0x1AC80] =	vst.add.f32.msk $0xffff, v2  }
.LBB2_20:
0x122: {  	v4 =	vld [tilespmem:s21+$0x0];
	_ =	sdelay $0x4  }
0x123: {  	(v2sf) =	vpush v4, $0x0;
	_ =	sdelay $0xe  }
0x124: {  	s18 =	sand.u32 $0x1800, s30;
	s19 =	sand.u32 $0x380, s30;
	s9 =	spop (v2sf)  }
0x125: {  	s18 =	sadd.s32 s18, s2;
	s20 =	sshll.u32 s9, $0x8;
	s23 =	sshll.u32 s9, $0x7  }
0x126: {  	s19 =	sadd.s32 s19, s18;
	s20 =	sand.u32 $0xFFFFF800, s20;
	s23 =	sand.u32 $0x380, s23  }
0x127: {  	v4 =	vld [tilespmem:s19+$0x0];
	s18 =	sor.u32 s23, s20  }
0x128: {  	v5 =	vld [tilespmem:s18+$0x12C80];
	_ =	sdelay $0x4  }
0x129: {  	[tilespmem:s18+$0xAC80] =	vst.add.f32.msk $0xffff, v4;
	v4 =	vmax.f32 v5, v4  }
0x12a: {  	[tilespmem:s18+$0x12C80] =	vst v4;
	v4 =	vld [tilespmem:s18+$0x12C90]  }
0x12b: {  	v5 =	vld [tilespmem:s19+$0x10];
	_ =	sdelay $0x4  }
0x12c: {  	[tilespmem:s18+$0xAC90] =	vst.add.f32.msk $0xffff, v5;
	v4 =	vmax.f32 v4, v5  }
0x12d: {  	[tilespmem:s18+$0x12C90] =	vst v4;
	v4 =	vld [tilespmem:s18+$0x12CA0]  }
0x12e: {  	v5 =	vld [tilespmem:s19+$0x20];
	_ =	sdelay $0x4  }
0x12f: {  	[tilespmem:s18+$0xACA0] =	vst.add.f32.msk $0xffff, v5;
	v4 =	vmax.f32 v4, v5  }
0x130: {  	[tilespmem:s18+$0x12CA0] =	vst v4;
	v4 =	vld [tilespmem:s18+$0x12CB0]  }
0x131: {  	v5 =	vld [tilespmem:s19+$0x30];
	_ =	sdelay $0x4  }
0x132: {  	[tilespmem:s18+$0xACB0] =	vst.add.f32.msk $0xffff, v5;
	v4 =	vmax.f32 v4, v5  }
0x133: {  	[tilespmem:s18+$0x12CB0] =	vst v4;
	v4 =	vld [tilespmem:s18+$0x12CC0]  }
0x134: {  	v5 =	vld [tilespmem:s19+$0x40];
	_ =	sdelay $0x4  }
0x135: {  	[tilespmem:s18+$0xACC0] =	vst.add.f32.msk $0xffff, v5;
	v4 =	vmax.f32 v4, v5  }
0x136: {  	[tilespmem:s18+$0x12CC0] =	vst v4;
	v4 =	vld [tilespmem:s18+$0x12CD0]  }
0x137: {  	v5 =	vld [tilespmem:s19+$0x50];
	_ =	sdelay $0x4  }
0x138: {  	[tilespmem:s18+$0xACD0] =	vst.add.f32.msk $0xffff, v5;
	v4 =	vmax.f32 v4, v5  }
0x139: {  	[tilespmem:s18+$0x12CD0] =	vst v4;
	v4 =	vld [tilespmem:s18+$0x12CE0]  }
0x13a: {  	v5 =	vld [tilespmem:s19+$0x60];
	_ =	sdelay $0x4  }
0x13b: {  	[tilespmem:s18+$0xACE0] =	vst.add.f32.msk $0xffff, v5;
	v4 =	vmax.f32 v4, v5  }
0x13c: {  	[tilespmem:s18+$0x12CE0] =	vst v4;
	v4 =	vld [tilespmem:s18+$0x12CF0]  }
0x13d: {  	v5 =	vld [tilespmem:s19+$0x70];
	_ =	sdelay $0x4  }
0x13e: {  	[tilespmem:s18+$0xACF0] =	vst.add.f32.msk $0xffff, v5;
	v4 =	vmax.f32 v4, v5  }
0x13f: {  	[tilespmem:s18+$0x12CF0] =	vst v4;
	v4 =	vld [tilespmem:s18+$0x13080]  }
0x140: {  	v5 =	vld [tilespmem:s19+$0x400];
	_ =	sdelay $0x4  }
0x141: {  	[tilespmem:s18+$0xB080] =	vst.add.f32.msk $0xffff, v5;
	v4 =	vmax.f32 v4, v5  }
0x142: {  	[tilespmem:s18+$0x13080] =	vst v4;
	v4 =	vld [tilespmem:s18+$0x13090]  }
0x143: {  	v5 =	vld [tilespmem:s19+$0x410];
	_ =	sdelay $0x4  }
0x144: {  	[tilespmem:s18+$0xB090] =	vst.add.f32.msk $0xffff, v5;
	v4 =	vmax.f32 v4, v5  }
0x145: {  	[tilespmem:s18+$0x13090] =	vst v4;
	v4 =	vld [tilespmem:s18+$0x130A0]  }
0x146: {  	v5 =	vld [tilespmem:s19+$0x420];
	_ =	sdelay $0x4  }
0x147: {  	[tilespmem:s18+$0xB0A0] =	vst.add.f32.msk $0xffff, v5;
	v4 =	vmax.f32 v4, v5  }
0x148: {  	[tilespmem:s18+$0x130A0] =	vst v4;
	v4 =	vld [tilespmem:s18+$0x130B0]  }
0x149: {  	v5 =	vld [tilespmem:s19+$0x430];
	_ =	sdelay $0x4  }
0x14a: {  	[tilespmem:s18+$0xB0B0] =	vst.add.f32.msk $0xffff, v5;
	v4 =	vmax.f32 v4, v5  }
0x14b: {  	[tilespmem:s18+$0x130B0] =	vst v4;
	v4 =	vld [tilespmem:s18+$0x130C0]  }
0x14c: {  	v5 =	vld [tilespmem:s19+$0x440];
	_ =	sdelay $0x4  }
0x14d: {  	[tilespmem:s18+$0xB0C0] =	vst.add.f32.msk $0xffff, v5;
	v4 =	vmax.f32 v4, v5  }
0x14e: {  	[tilespmem:s18+$0x130C0] =	vst v4;
	v4 =	vld [tilespmem:s18+$0x130D0]  }
0x14f: {  	v5 =	vld [tilespmem:s19+$0x450];
	_ =	sdelay $0x4  }
0x150: {  	[tilespmem:s18+$0xB0D0] =	vst.add.f32.msk $0xffff, v5;
	v4 =	vmax.f32 v4, v5  }
0x151: {  	[tilespmem:s18+$0x130D0] =	vst v4;
	v4 =	vld [tilespmem:s18+$0x130E0]  }
0x152: {  	v5 =	vld [tilespmem:s19+$0x460];
	_ =	sdelay $0x4  }
0x153: {  	[tilespmem:s18+$0xB0E0] =	vst.add.f32.msk $0xffff, v5;
	v4 =	vmax.f32 v4, v5  }
0x154: {  	[tilespmem:s18+$0x130E0] =	vst v4;
	v4 =	vld [tilespmem:s18+$0x130F0]  }
0x155: {  	v5 =	vld [tilespmem:s19+$0x470];
	_ =	sdelay $0x3  }
0x156: {  	s31 =	smov.u32 s21;
	s9 =	sshll.u32 s9, $0x9  }
0x157: {  	s9 =	sshra.s32 s9, $0x2;
	s20 =	simm.s32 $0x0;
	s19 =	simm.s32 $0x100;
	[tilespmem:s18+$0xB0F0] =	vst.add.f32.msk $0xffff, v5;
	v4 =	vmax.f32 v4, v5  }
.LBB2_21:
0x158: {  	p2 =	sne.s32 s19, $0x1F00;
	[tilespmem:s18+$0x130F0] =	vst v4;
	s20 =	sadd.s32 $0x80, s20;
	s31 =	sadd.s32 $0x1, s31  }
0x159: {  	[tilespmem:s9+$0x1AC80] =	vst.add.f32.msk $0xffff, v3;
	s9 =	smov.u32 s19;
	s19 =	sadd.s32 $0x100, s19  }
0x15a: {  	v4 =	vld [tilespmem:s31+$0x0];
	_ =	sdelay $0x4  }
0x15b: {  	(v2sf) =	vpush v4, $0x0;
	_ =	sdelay $0xe  }
0x15c: {  	s18 =	sand.u32 $0x380, s20;
	s9 =	sand.u32 $0x1800, s9;
	s23 =	spop (v2sf)  }
0x15d: {  	s9 =	sadd.s32 s9, s2;
	s10 =	sshll.u32 s23, $0x8;
	s11 =	sshll.u32 s23, $0x7  }
0x15e: {  	s9 =	sadd.s32 s18, s9;
	s10 =	sand.u32 $0xFFFFF800, s10;
	s11 =	sand.u32 $0x380, s11  }
0x15f: {  	s23 =	sshll.u32 s23, $0x9;
	v4 =	vld [tilespmem:s9+$0x0];
	s18 =	sor.u32 s11, s10  }
0x160: {  	v5 =	vld [tilespmem:s18+$0x12C80];
	_ =	sdelay $0x4  }
0x161: {  	[tilespmem:s18+$0xAC80] =	vst.add.f32.msk $0xffff, v4;
	v4 =	vmax.f32 v5, v4  }
0x162: {  	[tilespmem:s18+$0x12C80] =	vst v4;
	v4 =	vld [tilespmem:s18+$0x12C90]  }
0x163: {  	v5 =	vld [tilespmem:s9+$0x10];
	_ =	sdelay $0x4  }
0x164: {  	[tilespmem:s18+$0xAC90] =	vst.add.f32.msk $0xffff, v5;
	v4 =	vmax.f32 v4, v5  }
0x165: {  	[tilespmem:s18+$0x12C90] =	vst v4;
	v4 =	vld [tilespmem:s18+$0x12CA0]  }
0x166: {  	v5 =	vld [tilespmem:s9+$0x20];
	_ =	sdelay $0x4  }
0x167: {  	[tilespmem:s18+$0xACA0] =	vst.add.f32.msk $0xffff, v5;
	v4 =	vmax.f32 v4, v5  }
0x168: {  	[tilespmem:s18+$0x12CA0] =	vst v4;
	v4 =	vld [tilespmem:s18+$0x12CB0]  }
0x169: {  	v5 =	vld [tilespmem:s9+$0x30];
	_ =	sdelay $0x4  }
0x16a: {  	[tilespmem:s18+$0xACB0] =	vst.add.f32.msk $0xffff, v5;
	v4 =	vmax.f32 v4, v5  }
0x16b: {  	[tilespmem:s18+$0x12CB0] =	vst v4;
	v4 =	vld [tilespmem:s18+$0x12CC0]  }
0x16c: {  	v5 =	vld [tilespmem:s9+$0x40];
	_ =	sdelay $0x4  }
0x16d: {  	[tilespmem:s18+$0xACC0] =	vst.add.f32.msk $0xffff, v5;
	v4 =	vmax.f32 v4, v5  }
0x16e: {  	[tilespmem:s18+$0x12CC0] =	vst v4;
	v4 =	vld [tilespmem:s18+$0x12CD0]  }
0x16f: {  	v5 =	vld [tilespmem:s9+$0x50];
	_ =	sdelay $0x4  }
0x170: {  	[tilespmem:s18+$0xACD0] =	vst.add.f32.msk $0xffff, v5;
	v4 =	vmax.f32 v4, v5  }
0x171: {  	[tilespmem:s18+$0x12CD0] =	vst v4;
	v4 =	vld [tilespmem:s18+$0x12CE0]  }
0x172: {  	v5 =	vld [tilespmem:s9+$0x60];
	_ =	sdelay $0x4  }
0x173: {  	[tilespmem:s18+$0xACE0] =	vst.add.f32.msk $0xffff, v5;
	v4 =	vmax.f32 v4, v5  }
0x174: {  	[tilespmem:s18+$0x12CE0] =	vst v4;
	v4 =	vld [tilespmem:s18+$0x12CF0]  }
0x175: {  	v5 =	vld [tilespmem:s9+$0x70];
	_ =	sdelay $0x4  }
0x176: {  	[tilespmem:s18+$0xACF0] =	vst.add.f32.msk $0xffff, v5;
	v4 =	vmax.f32 v4, v5  }
0x177: {  	[tilespmem:s18+$0x12CF0] =	vst v4;
	v4 =	vld [tilespmem:s18+$0x13080]  }
0x178: {  	v5 =	vld [tilespmem:s9+$0x400];
	_ =	sdelay $0x4  }
0x179: {  	[tilespmem:s18+$0xB080] =	vst.add.f32.msk $0xffff, v5;
	v4 =	vmax.f32 v4, v5  }
0x17a: {  	[tilespmem:s18+$0x13080] =	vst v4;
	v4 =	vld [tilespmem:s18+$0x13090]  }
0x17b: {  	v5 =	vld [tilespmem:s9+$0x410];
	_ =	sdelay $0x4  }
0x17c: {  	[tilespmem:s18+$0xB090] =	vst.add.f32.msk $0xffff, v5;
	v4 =	vmax.f32 v4, v5  }
0x17d: {  	[tilespmem:s18+$0x13090] =	vst v4;
	v4 =	vld [tilespmem:s18+$0x130A0]  }
0x17e: {  	v5 =	vld [tilespmem:s9+$0x420];
	_ =	sdelay $0x4  }
0x17f: {  	[tilespmem:s18+$0xB0A0] =	vst.add.f32.msk $0xffff, v5;
	v4 =	vmax.f32 v4, v5  }
0x180: {  	[tilespmem:s18+$0x130A0] =	vst v4;
	v4 =	vld [tilespmem:s18+$0x130B0]  }
0x181: {  	v5 =	vld [tilespmem:s9+$0x430];
	_ =	sdelay $0x4  }
0x182: {  	[tilespmem:s18+$0xB0B0] =	vst.add.f32.msk $0xffff, v5;
	v4 =	vmax.f32 v4, v5  }
0x183: {  	[tilespmem:s18+$0x130B0] =	vst v4;
	v4 =	vld [tilespmem:s18+$0x130C0]  }
0x184: {  	v5 =	vld [tilespmem:s9+$0x440];
	_ =	sdelay $0x4  }
0x185: {  	[tilespmem:s18+$0xB0C0] =	vst.add.f32.msk $0xffff, v5;
	v4 =	vmax.f32 v4, v5  }
0x186: {  	[tilespmem:s18+$0x130C0] =	vst v4;
	v4 =	vld [tilespmem:s18+$0x130D0]  }
0x187: {  	v5 =	vld [tilespmem:s9+$0x450];
	_ =	sdelay $0x4  }
0x188: {  	[tilespmem:s18+$0xB0D0] =	vst.add.f32.msk $0xffff, v5;
	v4 =	vmax.f32 v4, v5  }
0x189: {  	[tilespmem:s18+$0x130D0] =	vst v4;
	v4 =	vld [tilespmem:s18+$0x130E0]  }
0x18a: {  	v5 =	vld [tilespmem:s9+$0x460];
	_ =	sdelay $0x4  }
0x18b: {  	[tilespmem:s18+$0xB0E0] =	vst.add.f32.msk $0xffff, v5;
	v4 =	vmax.f32 v4, v5  }
0x18c: {  	[tilespmem:s18+$0x130E0] =	vst v4;
	v4 =	vld [tilespmem:s18+$0x130F0]  }
0x18d: {  	v5 =	vld [tilespmem:s9+$0x470]  }
.Ltmp12:
0x18e: {  	(pc) =	sbr.rel @p2 .LBB2_21-.Ltmp12, $2  }
0x18f: {  	_ =	sdelay $0x2  }
0x190: {  	s9 =	sshra.s32 s23, $0x2;
	[tilespmem:s18+$0xB0F0] =	vst.add.f32.msk $0xffff, v5;
	v4 =	vmax.f32 v4, v5  }
.Ltmp13:
0x191: {  	_ = 	snop;
	(pc) =	sbr.rel .LBB2_22-.Ltmp13, $1  }
0x192: {  	_ =	sdelay $0x3  }
.LBB2_14:
.Ltmp14:
0x193: {  	(pc) =	sbr.rel @p1 .LBB2_24-.Ltmp14, $1  }
0x194: {  	_ =	sdelay $0x3  }
0x195: {  	p1 =	sne.s32 s26, $0x1  }
.Ltmp15:
0x196: {  	_ = 	snop;
	(pc) =	sbr.rel @!p1 .LBB2_17-.Ltmp15, $4  }
0x197: {  	s0 =	sand.u32 $0xFFFFF800, s29  }
0x198: {  	s2 =	sand.u32 $0x380, s28;
	s9 =	sadd.s32 s15, s0  }
0x199: {  	s9 =	sor.u32 s2, s9  }
0x19a: {  	s0 =	sor.u32 s2, s0;
	s2 =	sadd.s32 $0xFFFFFFFF, s26;
	s9 =	sshrl.u32 s9, $0x3  }
.LBB2_16:
0x19b: {  	p1 =	sne.s32 s2, $0x1;
	s10 =	sadd.s32 s4, s9;
	s11 =	sadd.s32 $0xAC80, s0  }
0x19c: {  	[hbm4b:s10+s3] =	stream.linear.scatter [tilespmem:s11], [sflag:$0x1], $0x80, $0x38;
	[tilespmem:$0x1EC80] =	vst v63  }
0x19d: {  	s28 =	sadd.s32 $0x80, s28  }
0x19e: {  	s29 =	sadd.s32 $0x100, s29;
	s19 =	sadd.s32 $0xB080, s0;
	s11 =	sand.u32 $0x380, s28  }
0x19f: {  	s9 =	sadd.s32 s5, s9;
	s18 =	sand.u32 $0xFFFFF800, s29;
	s10 =	sadd.s32 $0x80, s10  }
0x1a0: {  	[hbm4b:s10+s3] =	stream.linear.scatter [tilespmem:s19], [sflag:$0x1], $0x80, $0x38;
	[tilespmem:$0x1EC80] =	vst v63  }
.Ltmp16:
0x1a1: {  	s10 =	sadd.s32 s15, s18;
	s19 =	sadd.s32 $0x12C80, s0;
	(pc) =	sbr.rel @p1 .LBB2_16-.Ltmp16, $4  }
0x1a2: {  	[hbm4b:s9+s3] =	stream.linear.scatter [tilespmem:s19], [sflag:$0x1], $0x80, $0x38;
	[tilespmem:$0x1EC80] =	vst v63  }
0x1a3: {  	s0 =	sadd.s32 $0x13080, s0;
	s10 =	sor.u32 s11, s10;
	s9 =	sadd.s32 $0x80, s9  }
0x1a4: {  	[hbm4b:s9+s3] =	stream.linear.scatter [tilespmem:s0], [sflag:$0x1], $0x80, $0x38;
	[tilespmem:$0x1EC80] =	vst v63  }
0x1a5: {  	s2 =	sadd.s32 $0xFFFFFFFF, s2;
	s9 =	sshrl.u32 s10, $0x3;
	s0 =	sor.u32 s11, s18  }
.LBB2_17:
0x1a6: {  	s2 =	sadd.s32 s4, s9;
	s10 =	sadd.s32 $0xAC80, s0  }
0x1a7: {  	[hbm4b:s2+s3] =	stream.linear.scatter [tilespmem:s10], [sflag:$0x1], $0x80, $0x38;
	[tilespmem:$0x1EC80] =	vst v63  }
0x1a8: {  	s21 =	sadd.s32 $0xB080, s0;
	s2 =	sadd.s32 $0x80, s2  }
0x1a9: {  	[hbm4b:s2+s3] =	stream.linear.scatter [tilespmem:s21], [sflag:$0x1], $0x80, $0x38;
	[tilespmem:$0x1EC80] =	vst v63  }
0x1aa: {  	s23 =	sadd.s32 s5, s9;
	s28 =	sadd.s32 $0x12C80, s0  }
0x1ab: {  	[hbm4b:s23+s3] =	stream.linear.scatter [tilespmem:s28], [sflag:$0x1], $0x80, $0x38;
	[tilespmem:$0x1EC80] =	vst v63  }
0x1ac: {  	s29 =	sadd.s32 $0x13080, s0;
	s2 =	sadd.s32 $0x80, s23  }
0x1ad: {  	[hbm4b:s2+s3] =	stream.linear.scatter [tilespmem:s29], [sflag:$0x1], $0x80, $0x38;
	[tilespmem:$0x1EC80] =	vst v63  }
0x1ae: {  	s31 =	simm.s32 $0x1AC80  }
0x1af: {  	[hbm4b:s16+s3] =	stream.linear.scatter [tilespmem:s31], [sflag:$0x2], $0x4000, $0x38;
	[tilespmem:$0x1EC80] =	vst v63  }
0x1b0: {  	_ =	swait.ge [sflag:s24], $0x4000  }
0x1b1: {  	[sflag:s24] =	ssyncset.done $0x0  }
0x1b2: {  	p1 =	seq.s32 s26, $0x1;
	[sflag:s24] =	ssyncadd.s32 $0xFFFFC000  }
.Ltmp17:
0x1b3: {  	_ =	swait.ge [sflag:s22], $0x100;
	(pc) =	sbr.rel @p1 .LBB2_19-.Ltmp17, $4  }
0x1b4: {  	[sflag:s22] =	ssyncset.done $0x0  }
0x1b5: {  	[sflag:s22] =	ssyncadd.s32 $0xFFFFFF00  }
0x1b6: {  	_ =	swait.ge [sflag:s22], $0x100  }
0x1b7: {  	s0 =	sadd.s32 $0xFFFFFFFF, s26;
	[sflag:s22] =	ssyncset.done $0x0  }
.LBB2_18:
0x1b8: {  	p1 =	seq.s32 s0, $0x1;
	s0 =	sadd.s32 $0xFFFFFFFF, s0;
	[sflag:s22] =	ssyncadd.s32 $0xFFFFFF00  }
.Ltmp18:
0x1b9: {  	_ =	swait.ge [sflag:s22], $0x100;
	(pc) =	sbr.rel @!p1 .LBB2_18-.Ltmp18, $4  }
0x1ba: {  	[sflag:s22] =	ssyncset.done $0x0  }
0x1bb: {  	[sflag:s22] =	ssyncadd.s32 $0xFFFFFF00  }
0x1bc: {  	_ =	swait.ge [sflag:s22], $0x100  }
0x1bd: {  	[sflag:s22] =	ssyncset.done $0x0  }
.LBB2_19:
.Ltmp19:
0x1be: {  	(pc) =	sbr.rel .LBB2_25-.Ltmp19, $2  }
0x1bf: {  	_ =	sdelay $0x2  }
0x1c0: {  	[sflag:s22] =	ssyncadd.s32 $0xFFFFFF00  }
.LBB2_5:
.Ltmp20:
0x1c1: {  	(pc) =	sbr.rel .LBB2_8-.Ltmp20, $2  }
0x1c2: {  	_ =	sdelay $0x2  }
0x1c3: {  	_ = 	snop  }
.LBB2_26:
0x1c4: {  	_ =	sfence.sel $0x180000  }
0x1c5: {  	[bflag:$0x0] =	sbarrier.arrive $0xFFFF  }
0x1c6: {  	_ =	strace $0x90000047  }
0x1c7: {  	s0 =	stileid.u32;
	[bflag:$0x2] =	sbarrier.arrive $0xFFFF  }
0x1c8: {  	p0 =	sne.s32 s0, $0x0;
	s0 =	rddreg [dreg:$0x3]  }
0x1c9: {  	s0 =	sadd.s32 @!p0 $0x100000, s0  }
0x1ca: {  	[sflag:s0] =	ssyncadd.tile.s32 @!p0 $0x1;
	_ =	shalt  }
.Lfunc_end2:
_tile_overlayer_lowered:
.L_overlay_start_2:
0x1cb: {  	(tag) =	ssettag $0x2  }
0x1cc: {  	s0 =	rddreg [dreg:$0x0];
	s2 =	stileid.u32  }
0x1cd: {  	s1 =	rddreg [dreg:$0x1];
	p0 =	sne.s32 s2, $0x0  }
0x1ce: {  	s3 =	rddreg [dreg:$0x2];
	[bflag:$0x3] =	sbarrier.arrive $0xFFFF;
	s2 =	simm.s32 @!p0 $0x1C02  }
0x1cf: {  	[timem:s3], [sflag:s2] =	dma.local @!p0 [hbm:s0], s1  }
0x1d0: {  	s0 =	simm.s32 @!p0 $0x2  }
0x1d1: {  	_ =	swait.ge @!p0 [sflag:s0], s1  }
0x1d2: {  	s1 =	ssub.s32 @!p0 $0x0, s1;
	[sflag:s0] =	ssyncset.done @!p0 $0x0  }
0x1d3: {  	[sflag:s0] =	ssyncadd.s32 @!p0 s1  }
0x1d4: {  	[bflag:$0x3] =	sbarrier.arrive $0xFFFF  }
0x1d5: {  	_ =	shalt  }

</sc_bundles>
